<compile_context>
chip_gen: v7x
topology: tpu7x:2x2x1
jax: 0.10.2.dev20260603
libtpu: 0.0.44.dev20260713+nightly
codegen_flags: <defaults>
</compile_context>

<pallas_src>
import jax
import jax.numpy as jnp
from jax import lax
from jax.experimental import pallas as pl
from jax.experimental.pallas import tpu as pltpu
from jax.experimental.pallas import tpu_sc as plsc

_OFFSET = 500000
_B = 16384
_NC, _NS, _L = 2, 16, 16
_NW = _NC * _NS
_BPW = _B // _NW
_NCHUNK = 4
_CROWS = _BPW // _NCHUNK
_CVEC = _CROWS // _L


def _body(x_hbm, tab_hbm, bias_hbm, out_hbm, *scratch):
    bufs = [scratch[4 * c:4 * c + 4] for c in range(_NCHUNK)]
    bias_v = scratch[4 * _NCHUNK]
    sems = scratch[4 * _NCHUNK + 1:4 * _NCHUNK + 1 + _NCHUNK]
    semo = scratch[4 * _NCHUNK + 1 + _NCHUNK]

    wid = lax.axis_index("s") * _NC + lax.axis_index("c")
    base = wid * _BPW

    hx = []
    for c in range(_NCHUNK):
        hx.append(pltpu.async_copy(
            x_hbm.at[pl.ds(2 * (base + c * _CROWS), 2 * _CROWS)],
            bufs[c][0], sems[c]))
    hb = pltpu.async_copy(bias_hbm, bias_v, semo)

    lanes = lax.iota(jnp.int32, _L)
    evens = (lanes * 2) & (_L - 1)
    odds = evens + 1
    lo_half = lanes < 8

    gathers = []
    for c in range(_NCHUNK):
        x_v, ic_v, r_v, y_v = bufs[c]
        hx[c].wait()
        for v in range(_CVEC):
            a = x_v[pl.ds(v * 2 * _L, _L)]
            b = x_v[pl.ds(v * 2 * _L + _L, _L)]
            u = jnp.where(lo_half,
                          a.at[evens].get(mode="promise_in_bounds"),
                          b.at[evens].get(mode="promise_in_bounds"))
            m = jnp.where(lo_half,
                          a.at[odds].get(mode="promise_in_bounds"),
                          b.at[odds].get(mode="promise_in_bounds"))
            ic_v[pl.ds(v * _L, _L)] = u
            ic_v[pl.ds(_CROWS + v * _L, _L)] = m + _OFFSET
        gathers.append(pltpu.async_copy(tab_hbm.at[ic_v], r_v, sems[c]))

    hb.wait()
    bias_vec = bias_v[...]

    ho = []
    for c in range(_NCHUNK):
        x_v, ic_v, r_v, y_v = bufs[c]
        gathers[c].wait()
        for v in range(_CVEC):
            s = pl.ds(v * _L, _L)
            y_v[s] = (r_v[s] + r_v[pl.ds(_CROWS + v * _L, _L)] + bias_vec)
        ho.append(pltpu.async_copy(
            y_v, out_hbm.at[pl.ds(base + c * _CROWS, _CROWS)], semo))
    for h in ho:
        h.wait()


def kernel(x, fc_weight, bias):
    mesh = plsc.VectorSubcoreMesh(core_axis_name="c", subcore_axis_name="s")
    scratch = []
    for _ in range(_NCHUNK):
        scratch += [
            pltpu.VMEM((2 * _CROWS,), jnp.int32),
            pltpu.VMEM((2 * _CROWS,), jnp.int32),
            pltpu.VMEM((2 * _CROWS,), jnp.float32),
            pltpu.VMEM((_CROWS,), jnp.float32),
        ]
    scratch.append(pltpu.VMEM((_L,), jnp.float32))
    scratch += [pltpu.SemaphoreType.DMA] * (_NCHUNK + 1)
    k = pl.kernel(
        _body,
        mesh=mesh,
        out_type=jax.ShapeDtypeStruct((_B,), jnp.float32),
        scratch_types=scratch,
    )
    x_flat = x.reshape(-1).astype(jnp.int32)
    tab = fc_weight.reshape(-1)
    bias16 = jnp.broadcast_to(bias.astype(jnp.float32), (_L,))
    y = k(x_flat, tab, bias16)
    return y.reshape(_B, 1)

# --- scband reference (transcript-rebuilt; emitter-appended) ---
"""Pipeline reference for scband-features-linear-74912819576916 (READ-ONLY COPY).

The authoritative reference and input builder live on the scoring server;
editing this copy changes nothing except your own understanding.
"""

import jax, jax.numpy as jnp
import numpy as np

USER_MOVIE_CNTS = (500000, 500000)
OUTPUT_DIM = 1
BATCH = 16384


def setup_inputs(seed: int = 0) -> dict:
    key = jax.random.key(seed)
    k1, k2 = jax.random.split(key)
    # forward input: (batch, 2) [user, movie], values in [0, 500000) per field
    x = jax.random.randint(k1, (BATCH, 2), 0, 500000, dtype=jnp.int64 if jax.config.jax_enable_x64 else jnp.int32).astype(jnp.int32)
    # learned params
    total = sum(USER_MOVIE_CNTS)
    fc_weight = jax.random.normal(k2, (total, OUTPUT_DIM), dtype=jnp.float32)
    bias = jnp.zeros((OUTPUT_DIM,), dtype=jnp.float32)
    return {"x": x, "fc_weight": fc_weight, "bias": bias}


def reference(x, fc_weight, bias):
    # offsets: cumulative sum of field cardinalities, first field starts at 0
    offsets = jnp.asarray(
        np.array((0, *np.cumsum(USER_MOVIE_CNTS)[:-1]), dtype=np.int64).astype(np.int32)
    )
    idx = x + offsets[None, :]          # (B, 2)
    emb = jnp.take(fc_weight, idx, axis=0)  # (B, 2, output_dim) -- SparseCore gather
    y = jnp.sum(emb, axis=1) + bias     # (B, output_dim)
    return y

if __name__ == "__main__":
    import jax
    _d = setup_inputs()
    print(jax.jit(kernel)(*tuple(_d.values())))

</pallas_src>

<mosaic_0001>
#map = affine_map<(d0, d1) -> (0)>
module attributes {stable_mosaic.version = 14 : i64} {
  func.func @_body(%arg0: i32, %arg1: i32, %arg2: memref<32768xi32, #tpu.memory_space<hbm>>, %arg3: memref<1000000xf32, #tpu.memory_space<hbm>>, %arg4: memref<16xf32, #tpu.memory_space<hbm>>, %arg5: memref<16384xf32, #tpu.memory_space<hbm>>, %arg6: memref<256xi32, #tpu.memory_space<vmem>>, %arg7: memref<256xi32, #tpu.memory_space<vmem>>, %arg8: memref<256xf32, #tpu.memory_space<vmem>>, %arg9: memref<128xf32, #tpu.memory_space<vmem>>, %arg10: memref<256xi32, #tpu.memory_space<vmem>>, %arg11: memref<256xi32, #tpu.memory_space<vmem>>, %arg12: memref<256xf32, #tpu.memory_space<vmem>>, %arg13: memref<128xf32, #tpu.memory_space<vmem>>, %arg14: memref<256xi32, #tpu.memory_space<vmem>>, %arg15: memref<256xi32, #tpu.memory_space<vmem>>, %arg16: memref<256xf32, #tpu.memory_space<vmem>>, %arg17: memref<128xf32, #tpu.memory_space<vmem>>, %arg18: memref<256xi32, #tpu.memory_space<vmem>>, %arg19: memref<256xi32, #tpu.memory_space<vmem>>, %arg20: memref<256xf32, #tpu.memory_space<vmem>>, %arg21: memref<128xf32, #tpu.memory_space<vmem>>, %arg22: memref<16xf32, #tpu.memory_space<vmem>>, %arg23: memref<!tpu.dma_semaphore, #tpu.memory_space<semaphore_mem>>, %arg24: memref<!tpu.dma_semaphore, #tpu.memory_space<semaphore_mem>>, %arg25: memref<!tpu.dma_semaphore, #tpu.memory_space<semaphore_mem>>, %arg26: memref<!tpu.dma_semaphore, #tpu.memory_space<semaphore_mem>>, %arg27: memref<!tpu.dma_semaphore, #tpu.memory_space<semaphore_mem>>) attributes {dimension_semantics = [#tpu.dimension_semantics<core_parallel>, #tpu.dimension_semantics<subcore_parallel>], iteration_bounds = array<i64: 2, 16>, scalar_prefetch = 0 : i64, scratch_operands = 22 : i64, tpu.core_type = #tpu.core_type<sc_vector_subcore>, window_params = [{transform_indices = #map}, {transform_indices = #map}, {transform_indices = #map}, {transform_indices = #map}]} {
    %mul3A = arith.constant 2 : i32
    %mul3A_0 = arith.muli %arg1, %mul3A : i32
    %add3A = arith.addi %mul3A_0, %arg0 : i32
    %mul3A_1 = arith.constant 512 : i32
    %mul3A_2 = arith.muli %add3A, %mul3A_1 : i32
    %add3A_3 = arith.constant 0 : i32
    %add3A_4 = arith.addi %mul3A_2, %add3A_3 : i32
    %mul3A_5 = arith.constant 2 : i32
    %mul3A_6 = arith.muli %mul3A_5, %add3A_4 : i32
    %dma_start3A = tpu.memref_slice %arg2[%mul3A_6] : memref<32768xi32, #tpu.memory_space<hbm>> -> memref<256xi32, #tpu.memory_space<hbm>>
    %dma_start3A_7 = tpu.memref_slice %arg2[%mul3A_6] : memref<32768xi32, #tpu.memory_space<hbm>> -> memref<256xi32, #tpu.memory_space<hbm>>
    tpu.enqueue_dma source(%dma_start3A_7 : memref<256xi32, #tpu.memory_space<hbm>>) target(%arg6 : memref<256xi32, #tpu.memory_space<vmem>>) target_semaphore(%arg23 : memref<!tpu.dma_semaphore, #tpu.memory_space<semaphore_mem>>)
    %add3A_8 = arith.constant 128 : i32
    %add3A_9 = arith.addi %mul3A_2, %add3A_8 : i32
    %mul3A_10 = arith.constant 2 : i32
    %mul3A_11 = arith.muli %mul3A_10, %add3A_9 : i32
    %dma_start3A_12 = tpu.memref_slice %arg2[%mul3A_11] : memref<32768xi32, #tpu.memory_space<hbm>> -> memref<256xi32, #tpu.memory_space<hbm>>
    %dma_start3A_13 = tpu.memref_slice %arg2[%mul3A_11] : memref<32768xi32, #tpu.memory_space<hbm>> -> memref<256xi32, #tpu.memory_space<hbm>>
    tpu.enqueue_dma source(%dma_start3A_13 : memref<256xi32, #tpu.memory_space<hbm>>) target(%arg10 : memref<256xi32, #tpu.memory_space<vmem>>) target_semaphore(%arg24 : memref<!tpu.dma_semaphore, #tpu.memory_space<semaphore_mem>>)
    %add3A_14 = arith.constant 256 : i32
    %add3A_15 = arith.addi %mul3A_2, %add3A_14 : i32
    %mul3A_16 = arith.constant 2 : i32
    %mul3A_17 = arith.muli %mul3A_16, %add3A_15 : i32
    %dma_start3A_18 = tpu.memref_slice %arg2[%mul3A_17] : memref<32768xi32, #tpu.memory_space<hbm>> -> memref<256xi32, #tpu.memory_space<hbm>>
    %dma_start3A_19 = tpu.memref_slice %arg2[%mul3A_17] : memref<32768xi32, #tpu.memory_space<hbm>> -> memref<256xi32, #tpu.memory_space<hbm>>
    tpu.enqueue_dma source(%dma_start3A_19 : memref<256xi32, #tpu.memory_space<hbm>>) target(%arg14 : memref<256xi32, #tpu.memory_space<vmem>>) target_semaphore(%arg25 : memref<!tpu.dma_semaphore, #tpu.memory_space<semaphore_mem>>)
    %add3A_20 = arith.constant 384 : i32
    %add3A_21 = arith.addi %mul3A_2, %add3A_20 : i32
    %mul3A_22 = arith.constant 2 : i32
    %mul3A_23 = arith.muli %mul3A_22, %add3A_21 : i32
    %dma_start3A_24 = tpu.memref_slice %arg2[%mul3A_23] : memref<32768xi32, #tpu.memory_space<hbm>> -> memref<256xi32, #tpu.memory_space<hbm>>
    %dma_start3A_25 = tpu.memref_slice %arg2[%mul3A_23] : memref<32768xi32, #tpu.memory_space<hbm>> -> memref<256xi32, #tpu.memory_space<hbm>>
    tpu.enqueue_dma source(%dma_start3A_25 : memref<256xi32, #tpu.memory_space<hbm>>) target(%arg18 : memref<256xi32, #tpu.memory_space<vmem>>) target_semaphore(%arg26 : memref<!tpu.dma_semaphore, #tpu.memory_space<semaphore_mem>>)
    tpu.enqueue_dma source(%arg4 : memref<16xf32, #tpu.memory_space<hbm>>) target(%arg22 : memref<16xf32, #tpu.memory_space<vmem>>) target_semaphore(%arg27 : memref<!tpu.dma_semaphore, #tpu.memory_space<semaphore_mem>>)
    %iota3A = tpu.iota {dimensions = array<i32: 0>} : vector<16xi32>
    %mul3A_26 = arith.constant 2 : i32
    %mul3A_27 = vector.broadcast %mul3A_26 : i32 to vector<16xi32>
    %mul3A_28 = arith.muli %iota3A, %mul3A_27 : vector<16xi32>
    %and3A = arith.constant 15 : i32
    %and3A_29 = vector.broadcast %and3A : i32 to vector<16xi32>
    %and3A_30 = arith.andi %mul3A_28, %and3A_29 : vector<16xi32>
    %add3A_31 = arith.constant 1 : i32
    %add3A_32 = vector.broadcast %add3A_31 : i32 to vector<16xi32>
    %add3A_33 = arith.addi %and3A_30, %add3A_32 : vector<16xi32>
    %lt3A = arith.constant 8 : i32
    %lt3A_34 = vector.broadcast %lt3A : i32 to vector<16xi32>
    %lt3A_35 = arith.cmpi slt, %iota3A, %lt3A_34 : vector<16xi32>
    %dma_wait3A = tpu.memref_slice %arg2[%mul3A_6] : memref<32768xi32, #tpu.memory_space<hbm>> -> memref<256xi32, #tpu.memory_space<hbm>>
    %dma_wait3A_36 = tpu.memref_slice %arg2[%mul3A_6] : memref<32768xi32, #tpu.memory_space<hbm>> -> memref<256xi32, #tpu.memory_space<hbm>>
    tpu.wait_dma2 semaphore(%arg23 : memref<!tpu.dma_semaphore, #tpu.memory_space<semaphore_mem>>) src(%dma_wait3A_36 : memref<256xi32, #tpu.memory_space<hbm>>) dst(%arg6 : memref<256xi32, #tpu.memory_space<vmem>>)
    %get3A = arith.constant 0 : index
    %get3A_37 = tpu.vector_load %arg6[%get3A] {strides = array<i32>} : memref<256xi32, #tpu.memory_space<vmem>>, vector<16xi32>,
    %get3A_38 = vector.shape_cast %get3A_37 : vector<16xi32> to vector<16xi32>
    %get3A_39 = arith.constant 16 : index
    %get3A_40 = tpu.vector_load %arg6[%get3A_39] {strides = array<i32>} : memref<256xi32, #tpu.memory_space<vmem>>, vector<16xi32>,
    %get3A_41 = vector.shape_cast %get3A_40 : vector<16xi32> to vector<16xi32>
    %lt3A_42 = arith.constant 0 : i32
    %lt3A_43 = vector.broadcast %lt3A_42 : i32 to vector<16xi32>
    %lt3A_44 = arith.cmpi slt, %and3A_30, %lt3A_43 : vector<16xi32>
    %add3A_45 = arith.constant 16 : i32
    %add3A_46 = vector.broadcast %add3A_45 : i32 to vector<16xi32>
    %add3A_47 = arith.addi %and3A_30, %add3A_46 : vector<16xi32>
    %select_n3A = arith.select %lt3A_44, %add3A_47, %and3A_30 : vector<16xi1>, vector<16xi32>
    %broadcast_in_dim3A = vector.shape_cast %select_n3A : vector<16xi32> to vector<16x1xi32>
    %gather3A = vector.shape_cast %broadcast_in_dim3A : vector<16x1xi32> to vector<16xi32>
    %gather3A_48 = tpu.dynamic_gather %get3A_38[%gather3A] in [0] : vector<16xi32>, vector<16xi32> -> vector<16xi32>
    %lt3A_49 = arith.constant 0 : i32
    %lt3A_50 = vector.broadcast %lt3A_49 : i32 to vector<16xi32>
    %lt3A_51 = arith.cmpi slt, %and3A_30, %lt3A_50 : vector<16xi32>
    %add3A_52 = arith.constant 16 : i32
    %add3A_53 = vector.broadcast %add3A_52 : i32 to vector<16xi32>
    %add3A_54 = arith.addi %and3A_30, %add3A_53 : vector<16xi32>
    %select_n3A_55 = arith.select %lt3A_51, %add3A_54, %and3A_30 : vector<16xi1>, vector<16xi32>
    %broadcast_in_dim3A_56 = vector.shape_cast %select_n3A_55 : vector<16xi32> to vector<16x1xi32>
    %gather3A_57 = vector.shape_cast %broadcast_in_dim3A_56 : vector<16x1xi32> to vector<16xi32>
    %gather3A_58 = tpu.dynamic_gather %get3A_41[%gather3A_57] in [0] : vector<16xi32>, vector<16xi32> -> vector<16xi32>
    %select_n3A_59 = arith.select %lt3A_35, %gather3A_48, %gather3A_58 : vector<16xi1>, vector<16xi32>
    %lt3A_60 = arith.constant 0 : i32
    %lt3A_61 = vector.broadcast %lt3A_60 : i32 to vector<16xi32>
    %lt3A_62 = arith.cmpi slt, %add3A_33, %lt3A_61 : vector<16xi32>
    %add3A_63 = arith.constant 16 : i32
    %add3A_64 = vector.broadcast %add3A_63 : i32 to vector<16xi32>
    %add3A_65 = arith.addi %add3A_33, %add3A_64 : vector<16xi32>
    %select_n3A_66 = arith.select %lt3A_62, %add3A_65, %add3A_33 : vector<16xi1>, vector<16xi32>
    %broadcast_in_dim3A_67 = vector.shape_cast %select_n3A_66 : vector<16xi32> to vector<16x1xi32>
    %gather3A_68 = vector.shape_cast %broadcast_in_dim3A_67 : vector<16x1xi32> to vector<16xi32>
    %gather3A_69 = tpu.dynamic_gather %get3A_38[%gather3A_68] in [0] : vector<16xi32>, vector<16xi32> -> vector<16xi32>
    %lt3A_70 = arith.constant 0 : i32
    %lt3A_71 = vector.broadcast %lt3A_70 : i32 to vector<16xi32>
    %lt3A_72 = arith.cmpi slt, %add3A_33, %lt3A_71 : vector<16xi32>
    %add3A_73 = arith.constant 16 : i32
    %add3A_74 = vector.broadcast %add3A_73 : i32 to vector<16xi32>
    %add3A_75 = arith.addi %add3A_33, %add3A_74 : vector<16xi32>
    %select_n3A_76 = arith.select %lt3A_72, %add3A_75, %add3A_33 : vector<16xi1>, vector<16xi32>
    %broadcast_in_dim3A_77 = vector.shape_cast %select_n3A_76 : vector<16xi32> to vector<16x1xi32>
    %gather3A_78 = vector.shape_cast %broadcast_in_dim3A_77 : vector<16x1xi32> to vector<16xi32>
    %gather3A_79 = tpu.dynamic_gather %get3A_41[%gather3A_78] in [0] : vector<16xi32>, vector<16xi32> -> vector<16xi32>
    %select_n3A_80 = arith.select %lt3A_35, %gather3A_69, %gather3A_79 : vector<16xi1>, vector<16xi32>
    %swap3A = arith.constant 0 : index
    %swap3A_81 = tpu.vector_load %arg7[%swap3A] {strides = array<i32>} : memref<256xi32, #tpu.memory_space<vmem>>, vector<16xi32>,
    %swap3A_82 = vector.shape_cast %swap3A_81 : vector<16xi32> to vector<16xi32>
    %swap3A_83 = vector.shape_cast %select_n3A_59 : vector<16xi32> to vector<16xi32>
    tpu.vector_store %arg7[%swap3A], %swap3A_83 {strides = array<i32>} : memref<256xi32, #tpu.memory_space<vmem>>, vector<16xi32>,
    %add3A_84 = arith.constant 500000 : i32
    %add3A_85 = vector.broadcast %add3A_84 : i32 to vector<16xi32>
    %add3A_86 = arith.addi %select_n3A_80, %add3A_85 : vector<16xi32>
    %swap3A_87 = arith.constant 128 : index
    %swap3A_88 = tpu.vector_load %arg7[%swap3A_87] {strides = array<i32>} : memref<256xi32, #tpu.memory_space<vmem>>, vector<16xi32>,
    %swap3A_89 = vector.shape_cast %swap3A_88 : vector<16xi32> to vector<16xi32>
    %swap3A_90 = vector.shape_cast %add3A_86 : vector<16xi32> to vector<16xi32>
    tpu.vector_store %arg7[%swap3A_87], %swap3A_90 {strides = array<i32>} : memref<256xi32, #tpu.memory_space<vmem>>, vector<16xi32>,
    %get3A_91 = arith.constant 32 : index
    %get3A_92 = tpu.vector_load %arg6[%get3A_91] {strides = array<i32>} : memref<256xi32, #tpu.memory_space<vmem>>, vector<16xi32>,
    %get3A_93 = vector.shape_cast %get3A_92 : vector<16xi32> to vector<16xi32>
    %get3A_94 = arith.constant 48 : index
    %get3A_95 = tpu.vector_load %arg6[%get3A_94] {strides = array<i32>} : memref<256xi32, #tpu.memory_space<vmem>>, vector<16xi32>,
    %get3A_96 = vector.shape_cast %get3A_95 : vector<16xi32> to vector<16xi32>
    %lt3A_97 = arith.constant 0 : i32
    %lt3A_98 = vector.broadcast %lt3A_97 : i32 to vector<16xi32>
    %lt3A_99 = arith.cmpi slt, %and3A_30, %lt3A_98 : vector<16xi32>
    %add3A_100 = arith.constant 16 : i32
    %add3A_101 = vector.broadcast %add3A_100 : i32 to vector<16xi32>
    %add3A_102 = arith.addi %and3A_30, %add3A_101 : vector<16xi32>
    %select_n3A_103 = arith.select %lt3A_99, %add3A_102, %and3A_30 : vector<16xi1>, vector<16xi32>
    %broadcast_in_dim3A_104 = vector.shape_cast %select_n3A_103 : vector<16xi32> to vector<16x1xi32>
    %gather3A_105 = vector.shape_cast %broadcast_in_dim3A_104 : vector<16x1xi32> to vector<16xi32>
    %gather3A_106 = tpu.dynamic_gather %get3A_93[%gather3A_105] in [0] : vector<16xi32>, vector<16xi32> -> vector<16xi32>
    %lt3A_107 = arith.constant 0 : i32
    %lt3A_108 = vector.broadcast %lt3A_107 : i32 to vector<16xi32>
    %lt3A_109 = arith.cmpi slt, %and3A_30, %lt3A_108 : vector<16xi32>
    %add3A_110 = arith.constant 16 : i32
    %add3A_111 = vector.broadcast %add3A_110 : i32 to vector<16xi32>
    %add3A_112 = arith.addi %and3A_30, %add3A_111 : vector<16xi32>
    %select_n3A_113 = arith.select %lt3A_109, %add3A_112, %and3A_30 : vector<16xi1>, vector<16xi32>
    %broadcast_in_dim3A_114 = vector.shape_cast %select_n3A_113 : vector<16xi32> to vector<16x1xi32>
    %gather3A_115 = vector.shape_cast %broadcast_in_dim3A_114 : vector<16x1xi32> to vector<16xi32>
    %gather3A_116 = tpu.dynamic_gather %get3A_96[%gather3A_115] in [0] : vector<16xi32>, vector<16xi32> -> vector<16xi32>
    %select_n3A_117 = arith.select %lt3A_35, %gather3A_106, %gather3A_116 : vector<16xi1>, vector<16xi32>
    %lt3A_118 = arith.constant 0 : i32
    %lt3A_119 = vector.broadcast %lt3A_118 : i32 to vector<16xi32>
    %lt3A_120 = arith.cmpi slt, %add3A_33, %lt3A_119 : vector<16xi32>
    %add3A_121 = arith.constant 16 : i32
    %add3A_122 = vector.broadcast %add3A_121 : i32 to vector<16xi32>
    %add3A_123 = arith.addi %add3A_33, %add3A_122 : vector<16xi32>
    %select_n3A_124 = arith.select %lt3A_120, %add3A_123, %add3A_33 : vector<16xi1>, vector<16xi32>
    %broadcast_in_dim3A_125 = vector.shape_cast %select_n3A_124 : vector<16xi32> to vector<16x1xi32>
    %gather3A_126 = vector.shape_cast %broadcast_in_dim3A_125 : vector<16x1xi32> to vector<16xi32>
    %gather3A_127 = tpu.dynamic_gather %get3A_93[%gather3A_126] in [0] : vector<16xi32>, vector<16xi32> -> vector<16xi32>
    %lt3A_128 = arith.constant 0 : i32
    %lt3A_129 = vector.broadcast %lt3A_128 : i32 to vector<16xi32>
    %lt3A_130 = arith.cmpi slt, %add3A_33, %lt3A_129 : vector<16xi32>
    %add3A_131 = arith.constant 16 : i32
    %add3A_132 = vector.broadcast %add3A_131 : i32 to vector<16xi32>
    %add3A_133 = arith.addi %add3A_33, %add3A_132 : vector<16xi32>
    %select_n3A_134 = arith.select %lt3A_130, %add3A_133, %add3A_33 : vector<16xi1>, vector<16xi32>
    %broadcast_in_dim3A_135 = vector.shape_cast %select_n3A_134 : vector<16xi32> to vector<16x1xi32>
    %gather3A_136 = vector.shape_cast %broadcast_in_dim3A_135 : vector<16x1xi32> to vector<16xi32>
    %gather3A_137 = tpu.dynamic_gather %get3A_96[%gather3A_136] in [0] : vector<16xi32>, vector<16xi32> -> vector<16xi32>
    %select_n3A_138 = arith.select %lt3A_35, %gather3A_127, %gather3A_137 : vector<16xi1>, vector<16xi32>
    %swap3A_139 = arith.constant 16 : index
    %swap3A_140 = tpu.vector_load %arg7[%swap3A_139] {strides = array<i32>} : memref<256xi32, #tpu.memory_space<vmem>>, vector<16xi32>,
    %swap3A_141 = vector.shape_cast %swap3A_140 : vector<16xi32> to vector<16xi32>
    %swap3A_142 = vector.shape_cast %select_n3A_117 : vector<16xi32> to vector<16xi32>
    tpu.vector_store %arg7[%swap3A_139], %swap3A_142 {strides = array<i32>} : memref<256xi32, #tpu.memory_space<vmem>>, vector<16xi32>,
    %add3A_143 = arith.constant 500000 : i32
    %add3A_144 = vector.broadcast %add3A_143 : i32 to vector<16xi32>
    %add3A_145 = arith.addi %select_n3A_138, %add3A_144 : vector<16xi32>
    %swap3A_146 = arith.constant 144 : index
    %swap3A_147 = tpu.vector_load %arg7[%swap3A_146] {strides = array<i32>} : memref<256xi32, #tpu.memory_space<vmem>>, vector<16xi32>,
    %swap3A_148 = vector.shape_cast %swap3A_147 : vector<16xi32> to vector<16xi32>
    %swap3A_149 = vector.shape_cast %add3A_145 : vector<16xi32> to vector<16xi32>
    tpu.vector_store %arg7[%swap3A_146], %swap3A_149 {strides = array<i32>} : memref<256xi32, #tpu.memory_space<vmem>>, vector<16xi32>,
    %get3A_150 = arith.constant 64 : index
    %get3A_151 = tpu.vector_load %arg6[%get3A_150] {strides = array<i32>} : memref<256xi32, #tpu.memory_space<vmem>>, vector<16xi32>,
    %get3A_152 = vector.shape_cast %get3A_151 : vector<16xi32> to vector<16xi32>
    %get3A_153 = arith.constant 80 : index
    %get3A_154 = tpu.vector_load %arg6[%get3A_153] {strides = array<i32>} : memref<256xi32, #tpu.memory_space<vmem>>, vector<16xi32>,
    %get3A_155 = vector.shape_cast %get3A_154 : vector<16xi32> to vector<16xi32>
    %lt3A_156 = arith.constant 0 : i32
    %lt3A_157 = vector.broadcast %lt3A_156 : i32 to vector<16xi32>
    %lt3A_158 = arith.cmpi slt, %and3A_30, %lt3A_157 : vector<16xi32>
    %add3A_159 = arith.constant 16 : i32
    %add3A_160 = vector.broadcast %add3A_159 : i32 to vector<16xi32>
    %add3A_161 = arith.addi %and3A_30, %add3A_160 : vector<16xi32>
    %select_n3A_162 = arith.select %lt3A_158, %add3A_161, %and3A_30 : vector<16xi1>, vector<16xi32>
    %broadcast_in_dim3A_163 = vector.shape_cast %select_n3A_162 : vector<16xi32> to vector<16x1xi32>
    %gather3A_164 = vector.shape_cast %broadcast_in_dim3A_163 : vector<16x1xi32> to vector<16xi32>
    %gather3A_165 = tpu.dynamic_gather %get3A_152[%gather3A_164] in [0] : vector<16xi32>, vector<16xi32> -> vector<16xi32>
    %lt3A_166 = arith.constant 0 : i32
    %lt3A_167 = vector.broadcast %lt3A_166 : i32 to vector<16xi32>
    %lt3A_168 = arith.cmpi slt, %and3A_30, %lt3A_167 : vector<16xi32>
    %add3A_169 = arith.constant 16 : i32
    %add3A_170 = vector.broadcast %add3A_169 : i32 to vector<16xi32>
    %add3A_171 = arith.addi %and3A_30, %add3A_170 : vector<16xi32>
    %select_n3A_172 = arith.select %lt3A_168, %add3A_171, %and3A_30 : vector<16xi1>, vector<16xi32>
    %broadcast_in_dim3A_173 = vector.shape_cast %select_n3A_172 : vector<16xi32> to vector<16x1xi32>
    %gather3A_174 = vector.shape_cast %broadcast_in_dim3A_173 : vector<16x1xi32> to vector<16xi32>
    %gather3A_175 = tpu.dynamic_gather %get3A_155[%gather3A_174] in [0] : vector<16xi32>, vector<16xi32> -> vector<16xi32>
    %select_n3A_176 = arith.select %lt3A_35, %gather3A_165, %gather3A_175 : vector<16xi1>, vector<16xi32>
    %lt3A_177 = arith.constant 0 : i32
    %lt3A_178 = vector.broadcast %lt3A_177 : i32 to vector<16xi32>
    %lt3A_179 = arith.cmpi slt, %add3A_33, %lt3A_178 : vector<16xi32>
    %add3A_180 = arith.constant 16 : i32
    %add3A_181 = vector.broadcast %add3A_180 : i32 to vector<16xi32>
    %add3A_182 = arith.addi %add3A_33, %add3A_181 : vector<16xi32>
    %select_n3A_183 = arith.select %lt3A_179, %add3A_182, %add3A_33 : vector<16xi1>, vector<16xi32>
    %broadcast_in_dim3A_184 = vector.shape_cast %select_n3A_183 : vector<16xi32> to vector<16x1xi32>
    %gather3A_185 = vector.shape_cast %broadcast_in_dim3A_184 : vector<16x1xi32> to vector<16xi32>
    %gather3A_186 = tpu.dynamic_gather %get3A_152[%gather3A_185] in [0] : vector<16xi32>, vector<16xi32> -> vector<16xi32>
    %lt3A_187 = arith.constant 0 : i32
    %lt3A_188 = vector.broadcast %lt3A_187 : i32 to vector<16xi32>
    %lt3A_189 = arith.cmpi slt, %add3A_33, %lt3A_188 : vector<16xi32>
    %add3A_190 = arith.constant 16 : i32
    %add3A_191 = vector.broadcast %add3A_190 : i32 to vector<16xi32>
    %add3A_192 = arith.addi %add3A_33, %add3A_191 : vector<16xi32>
    %select_n3A_193 = arith.select %lt3A_189, %add3A_192, %add3A_33 : vector<16xi1>, vector<16xi32>
    %broadcast_in_dim3A_194 = vector.shape_cast %select_n3A_193 : vector<16xi32> to vector<16x1xi32>
    %gather3A_195 = vector.shape_cast %broadcast_in_dim3A_194 : vector<16x1xi32> to vector<16xi32>
    %gather3A_196 = tpu.dynamic_gather %get3A_155[%gather3A_195] in [0] : vector<16xi32>, vector<16xi32> -> vector<16xi32>
    %select_n3A_197 = arith.select %lt3A_35, %gather3A_186, %gather3A_196 : vector<16xi1>, vector<16xi32>
    %swap3A_198 = arith.constant 32 : index
    %swap3A_199 = tpu.vector_load %arg7[%swap3A_198] {strides = array<i32>} : memref<256xi32, #tpu.memory_space<vmem>>, vector<16xi32>,
    %swap3A_200 = vector.shape_cast %swap3A_199 : vector<16xi32> to vector<16xi32>
    %swap3A_201 = vector.shape_cast %select_n3A_176 : vector<16xi32> to vector<16xi32>
    tpu.vector_store %arg7[%swap3A_198], %swap3A_201 {strides = array<i32>} : memref<256xi32, #tpu.memory_space<vmem>>, vector<16xi32>,
    %add3A_202 = arith.constant 500000 : i32
    %add3A_203 = vector.broadcast %add3A_202 : i32 to vector<16xi32>
    %add3A_204 = arith.addi %select_n3A_197, %add3A_203 : vector<16xi32>
    %swap3A_205 = arith.constant 160 : index
    %swap3A_206 = tpu.vector_load %arg7[%swap3A_205] {strides = array<i32>} : memref<256xi32, #tpu.memory_space<vmem>>, vector<16xi32>,
    %swap3A_207 = vector.shape_cast %swap3A_206 : vector<16xi32> to vector<16xi32>
    %swap3A_208 = vector.shape_cast %add3A_204 : vector<16xi32> to vector<16xi32>
    tpu.vector_store %arg7[%swap3A_205], %swap3A_208 {strides = array<i32>} : memref<256xi32, #tpu.memory_space<vmem>>, vector<16xi32>,
    %get3A_209 = arith.constant 96 : index
    %get3A_210 = tpu.vector_load %arg6[%get3A_209] {strides = array<i32>} : memref<256xi32, #tpu.memory_space<vmem>>, vector<16xi32>,
    %get3A_211 = vector.shape_cast %get3A_210 : vector<16xi32> to vector<16xi32>
    %get3A_212 = arith.constant 112 : index
    %get3A_213 = tpu.vector_load %arg6[%get3A_212] {strides = array<i32>} : memref<256xi32, #tpu.memory_space<vmem>>, vector<16xi32>,
    %get3A_214 = vector.shape_cast %get3A_213 : vector<16xi32> to vector<16xi32>
    %lt3A_215 = arith.constant 0 : i32
    %lt3A_216 = vector.broadcast %lt3A_215 : i32 to vector<16xi32>
    %lt3A_217 = arith.cmpi slt, %and3A_30, %lt3A_216 : vector<16xi32>
    %add3A_218 = arith.constant 16 : i32
    %add3A_219 = vector.broadcast %add3A_218 : i32 to vector<16xi32>
    %add3A_220 = arith.addi %and3A_30, %add3A_219 : vector<16xi32>
    %select_n3A_221 = arith.select %lt3A_217, %add3A_220, %and3A_30 : vector<16xi1>, vector<16xi32>
    %broadcast_in_dim3A_222 = vector.shape_cast %select_n3A_221 : vector<16xi32> to vector<16x1xi32>
    %gather3A_223 = vector.shape_cast %broadcast_in_dim3A_222 : vector<16x1xi32> to vector<16xi32>
    %gather3A_224 = tpu.dynamic_gather %get3A_211[%gather3A_223] in [0] : vector<16xi32>, vector<16xi32> -> vector<16xi32>
    %lt3A_225 = arith.constant 0 : i32
    %lt3A_226 = vector.broadcast %lt3A_225 : i32 to vector<16xi32>
    %lt3A_227 = arith.cmpi slt, %and3A_30, %lt3A_226 : vector<16xi32>
    %add3A_228 = arith.constant 16 : i32
    %add3A_229 = vector.broadcast %add3A_228 : i32 to vector<16xi32>
    %add3A_230 = arith.addi %and3A_30, %add3A_229 : vector<16xi32>
    %select_n3A_231 = arith.select %lt3A_227, %add3A_230, %and3A_30 : vector<16xi1>, vector<16xi32>
    %broadcast_in_dim3A_232 = vector.shape_cast %select_n3A_231 : vector<16xi32> to vector<16x1xi32>
    %gather3A_233 = vector.shape_cast %broadcast_in_dim3A_232 : vector<16x1xi32> to vector<16xi32>
    %gather3A_234 = tpu.dynamic_gather %get3A_214[%gather3A_233] in [0] : vector<16xi32>, vector<16xi32> -> vector<16xi32>
    %select_n3A_235 = arith.select %lt3A_35, %gather3A_224, %gather3A_234 : vector<16xi1>, vector<16xi32>
    %lt3A_236 = arith.constant 0 : i32
    %lt3A_237 = vector.broadcast %lt3A_236 : i32 to vector<16xi32>
    %lt3A_238 = arith.cmpi slt, %add3A_33, %lt3A_237 : vector<16xi32>
    %add3A_239 = arith.constant 16 : i32
    %add3A_240 = vector.broadcast %add3A_239 : i32 to vector<16xi32>
    %add3A_241 = arith.addi %add3A_33, %add3A_240 : vector<16xi32>
    %select_n3A_242 = arith.select %lt3A_238, %add3A_241, %add3A_33 : vector<16xi1>, vector<16xi32>
    %broadcast_in_dim3A_243 = vector.shape_cast %select_n3A_242 : vector<16xi32> to vector<16x1xi32>
    %gather3A_244 = vector.shape_cast %broadcast_in_dim3A_243 : vector<16x1xi32> to vector<16xi32>
    %gather3A_245 = tpu.dynamic_gather %get3A_211[%gather3A_244] in [0] : vector<16xi32>, vector<16xi32> -> vector<16xi32>
    %lt3A_246 = arith.constant 0 : i32
    %lt3A_247 = vector.broadcast %lt3A_246 : i32 to vector<16xi32>
    %lt3A_248 = arith.cmpi slt, %add3A_33, %lt3A_247 : vector<16xi32>
    %add3A_249 = arith.constant 16 : i32
    %add3A_250 = vector.broadcast %add3A_249 : i32 to vector<16xi32>
    %add3A_251 = arith.addi %add3A_33, %add3A_250 : vector<16xi32>
    %select_n3A_252 = arith.select %lt3A_248, %add3A_251, %add3A_33 : vector<16xi1>, vector<16xi32>
    %broadcast_in_dim3A_253 = vector.shape_cast %select_n3A_252 : vector<16xi32> to vector<16x1xi32>
    %gather3A_254 = vector.shape_cast %broadcast_in_dim3A_253 : vector<16x1xi32> to vector<16xi32>
    %gather3A_255 = tpu.dynamic_gather %get3A_214[%gather3A_254] in [0] : vector<16xi32>, vector<16xi32> -> vector<16xi32>
    %select_n3A_256 = arith.select %lt3A_35, %gather3A_245, %gather3A_255 : vector<16xi1>, vector<16xi32>
    %swap3A_257 = arith.constant 48 : index
    %swap3A_258 = tpu.vector_load %arg7[%swap3A_257] {strides = array<i32>} : memref<256xi32, #tpu.memory_space<vmem>>, vector<16xi32>,
    %swap3A_259 = vector.shape_cast %swap3A_258 : vector<16xi32> to vector<16xi32>
    %swap3A_260 = vector.shape_cast %select_n3A_235 : vector<16xi32> to vector<16xi32>
    tpu.vector_store %arg7[%swap3A_257], %swap3A_260 {strides = array<i32>} : memref<256xi32, #tpu.memory_space<vmem>>, vector<16xi32>,
    %add3A_261 = arith.constant 500000 : i32
    %add3A_262 = vector.broadcast %add3A_261 : i32 to vector<16xi32>
    %add3A_263 = arith.addi %select_n3A_256, %add3A_262 : vector<16xi32>
    %swap3A_264 = arith.constant 176 : index
    %swap3A_265 = tpu.vector_load %arg7[%swap3A_264] {strides = array<i32>} : memref<256xi32, #tpu.memory_space<vmem>>, vector<16xi32>,
    %swap3A_266 = vector.shape_cast %swap3A_265 : vector<16xi32> to vector<16xi32>
    %swap3A_267 = vector.shape_cast %add3A_263 : vector<16xi32> to vector<16xi32>
    tpu.vector_store %arg7[%swap3A_264], %swap3A_267 {strides = array<i32>} : memref<256xi32, #tpu.memory_space<vmem>>, vector<16xi32>,
    %get3A_268 = arith.constant 128 : index
    %get3A_269 = tpu.vector_load %arg6[%get3A_268] {strides = array<i32>} : memref<256xi32, #tpu.memory_space<vmem>>, vector<16xi32>,
    %get3A_270 = vector.shape_cast %get3A_269 : vector<16xi32> to vector<16xi32>
    %get3A_271 = arith.constant 144 : index
    %get3A_272 = tpu.vector_load %arg6[%get3A_271] {strides = array<i32>} : memref<256xi32, #tpu.memory_space<vmem>>, vector<16xi32>,
    %get3A_273 = vector.shape_cast %get3A_272 : vector<16xi32> to vector<16xi32>
    %lt3A_274 = arith.constant 0 : i32
    %lt3A_275 = vector.broadcast %lt3A_274 : i32 to vector<16xi32>
    %lt3A_276 = arith.cmpi slt, %and3A_30, %lt3A_275 : vector<16xi32>
    %add3A_277 = arith.constant 16 : i32
    %add3A_278 = vector.broadcast %add3A_277 : i32 to vector<16xi32>
    %add3A_279 = arith.addi %and3A_30, %add3A_278 : vector<16xi32>
    %select_n3A_280 = arith.select %lt3A_276, %add3A_279, %and3A_30 : vector<16xi1>, vector<16xi32>
    %broadcast_in_dim3A_281 = vector.shape_cast %select_n3A_280 : vector<16xi32> to vector<16x1xi32>
    %gather3A_282 = vector.shape_cast %broadcast_in_dim3A_281 : vector<16x1xi32> to vector<16xi32>
    %gather3A_283 = tpu.dynamic_gather %get3A_270[%gather3A_282] in [0] : vector<16xi32>, vector<16xi32> -> vector<16xi32>
    %lt3A_284 = arith.constant 0 : i32
    %lt3A_285 = vector.broadcast %lt3A_284 : i32 to vector<16xi32>
    %lt3A_286 = arith.cmpi slt, %and3A_30, %lt3A_285 : vector<16xi32>
    %add3A_287 = arith.constant 16 : i32
    %add3A_288 = vector.broadcast %add3A_287 : i32 to vector<16xi32>
    %add3A_289 = arith.addi %and3A_30, %add3A_288 : vector<16xi32>
    %select_n3A_290 = arith.select %lt3A_286, %add3A_289, %and3A_30 : vector<16xi1>, vector<16xi32>
    %broadcast_in_dim3A_291 = vector.shape_cast %select_n3A_290 : vector<16xi32> to vector<16x1xi32>
    %gather3A_292 = vector.shape_cast %broadcast_in_dim3A_291 : vector<16x1xi32> to vector<16xi32>
    %gather3A_293 = tpu.dynamic_gather %get3A_273[%gather3A_292] in [0] : vector<16xi32>, vector<16xi32> -> vector<16xi32>
    %select_n3A_294 = arith.select %lt3A_35, %gather3A_283, %gather3A_293 : vector<16xi1>, vector<16xi32>
    %lt3A_295 = arith.constant 0 : i32
    %lt3A_296 = vector.broadcast %lt3A_295 : i32 to vector<16xi32>
    %lt3A_297 = arith.cmpi slt, %add3A_33, %lt3A_296 : vector<16xi32>
    %add3A_298 = arith.constant 16 : i32
    %add3A_299 = vector.broadcast %add3A_298 : i32 to vector<16xi32>
    %add3A_300 = arith.addi %add3A_33, %add3A_299 : vector<16xi32>
    %select_n3A_301 = arith.select %lt3A_297, %add3A_300, %add3A_33 : vector<16xi1>, vector<16xi32>
    %broadcast_in_dim3A_302 = vector.shape_cast %select_n3A_301 : vector<16xi32> to vector<16x1xi32>
    %gather3A_303 = vector.shape_cast %broadcast_in_dim3A_302 : vector<16x1xi32> to vector<16xi32>
    %gather3A_304 = tpu.dynamic_gather %get3A_270[%gather3A_303] in [0] : vector<16xi32>, vector<16xi32> -> vector<16xi32>
    %lt3A_305 = arith.constant 0 : i32
    %lt3A_306 = vector.broadcast %lt3A_305 : i32 to vector<16xi32>
    %lt3A_307 = arith.cmpi slt, %add3A_33, %lt3A_306 : vector<16xi32>
    %add3A_308 = arith.constant 16 : i32
    %add3A_309 = vector.broadcast %add3A_308 : i32 to vector<16xi32>
    %add3A_310 = arith.addi %add3A_33, %add3A_309 : vector<16xi32>
    %select_n3A_311 = arith.select %lt3A_307, %add3A_310, %add3A_33 : vector<16xi1>, vector<16xi32>
    %broadcast_in_dim3A_312 = vector.shape_cast %select_n3A_311 : vector<16xi32> to vector<16x1xi32>
    %gather3A_313 = vector.shape_cast %broadcast_in_dim3A_312 : vector<16x1xi32> to vector<16xi32>
    %gather3A_314 = tpu.dynamic_gather %get3A_273[%gather3A_313] in [0] : vector<16xi32>, vector<16xi32> -> vector<16xi32>
    %select_n3A_315 = arith.select %lt3A_35, %gather3A_304, %gather3A_314 : vector<16xi1>, vector<16xi32>
    %swap3A_316 = arith.constant 64 : index
    %swap3A_317 = tpu.vector_load %arg7[%swap3A_316] {strides = array<i32>} : memref<256xi32, #tpu.memory_space<vmem>>, vector<16xi32>,
    %swap3A_318 = vector.shape_cast %swap3A_317 : vector<16xi32> to vector<16xi32>
    %swap3A_319 = vector.shape_cast %select_n3A_294 : vector<16xi32> to vector<16xi32>
    tpu.vector_store %arg7[%swap3A_316], %swap3A_319 {strides = array<i32>} : memref<256xi32, #tpu.memory_space<vmem>>, vector<16xi32>,
    %add3A_320 = arith.constant 500000 : i32
    %add3A_321 = vector.broadcast %add3A_320 : i32 to vector<16xi32>
    %add3A_322 = arith.addi %select_n3A_315, %add3A_321 : vector<16xi32>
    %swap3A_323 = arith.constant 192 : index
    %swap3A_324 = tpu.vector_load %arg7[%swap3A_323] {strides = array<i32>} : memref<256xi32, #tpu.memory_space<vmem>>, vector<16xi32>,
    %swap3A_325 = vector.shape_cast %swap3A_324 : vector<16xi32> to vector<16xi32>
    %swap3A_326 = vector.shape_cast %add3A_322 : vector<16xi32> to vector<16xi32>
    tpu.vector_store %arg7[%swap3A_323], %swap3A_326 {strides = array<i32>} : memref<256xi32, #tpu.memory_space<vmem>>, vector<16xi32>,
    %get3A_327 = arith.constant 160 : index
    %get3A_328 = tpu.vector_load %arg6[%get3A_327] {strides = array<i32>} : memref<256xi32, #tpu.memory_space<vmem>>, vector<16xi32>,
    %get3A_329 = vector.shape_cast %get3A_328 : vector<16xi32> to vector<16xi32>
    %get3A_330 = arith.constant 176 : index
    %get3A_331 = tpu.vector_load %arg6[%get3A_330] {strides = array<i32>} : memref<256xi32, #tpu.memory_space<vmem>>, vector<16xi32>,
    %get3A_332 = vector.shape_cast %get3A_331 : vector<16xi32> to vector<16xi32>
    %lt3A_333 = arith.constant 0 : i32
    %lt3A_334 = vector.broadcast %lt3A_333 : i32 to vector<16xi32>
    %lt3A_335 = arith.cmpi slt, %and3A_30, %lt3A_334 : vector<16xi32>
    %add3A_336 = arith.constant 16 : i32
    %add3A_337 = vector.broadcast %add3A_336 : i32 to vector<16xi32>
    %add3A_338 = arith.addi %and3A_30, %add3A_337 : vector<16xi32>
    %select_n3A_339 = arith.select %lt3A_335, %add3A_338, %and3A_30 : vector<16xi1>, vector<16xi32>
    %broadcast_in_dim3A_340 = vector.shape_cast %select_n3A_339 : vector<16xi32> to vector<16x1xi32>
    %gather3A_341 = vector.shape_cast %broadcast_in_dim3A_340 : vector<16x1xi32> to vector<16xi32>
    %gather3A_342 = tpu.dynamic_gather %get3A_329[%gather3A_341] in [0] : vector<16xi32>, vector<16xi32> -> vector<16xi32>
    %lt3A_343 = arith.constant 0 : i32
    %lt3A_344 = vector.broadcast %lt3A_343 : i32 to vector<16xi32>
    %lt3A_345 = arith.cmpi slt, %and3A_30, %lt3A_344 : vector<16xi32>
    %add3A_346 = arith.constant 16 : i32
    %add3A_347 = vector.broadcast %add3A_346 : i32 to vector<16xi32>
    %add3A_348 = arith.addi %and3A_30, %add3A_347 : vector<16xi32>
    %select_n3A_349 = arith.select %lt3A_345, %add3A_348, %and3A_30 : vector<16xi1>, vector<16xi32>
    %broadcast_in_dim3A_350 = vector.shape_cast %select_n3A_349 : vector<16xi32> to vector<16x1xi32>
    %gather3A_351 = vector.shape_cast %broadcast_in_dim3A_350 : vector<16x1xi32> to vector<16xi32>
    %gather3A_352 = tpu.dynamic_gather %get3A_332[%gather3A_351] in [0] : vector<16xi32>, vector<16xi32> -> vector<16xi32>
    %select_n3A_353 = arith.select %lt3A_35, %gather3A_342, %gather3A_352 : vector<16xi1>, vector<16xi32>
    %lt3A_354 = arith.constant 0 : i32
    %lt3A_355 = vector.broadcast %lt3A_354 : i32 to vector<16xi32>
    %lt3A_356 = arith.cmpi slt, %add3A_33, %lt3A_355 : vector<16xi32>
    %add3A_357 = arith.constant 16 : i32
    %add3A_358 = vector.broadcast %add3A_357 : i32 to vector<16xi32>
    %add3A_359 = arith.addi %add3A_33, %add3A_358 : vector<16xi32>
    %select_n3A_360 = arith.select %lt3A_356, %add3A_359, %add3A_33 : vector<16xi1>, vector<16xi32>
    %broadcast_in_dim3A_361 = vector.shape_cast %select_n3A_360 : vector<16xi32> to vector<16x1xi32>
    %gather3A_362 = vector.shape_cast %broadcast_in_dim3A_361 : vector<16x1xi32> to vector<16xi32>
    %gather3A_363 = tpu.dynamic_gather %get3A_329[%gather3A_362] in [0] : vector<16xi32>, vector<16xi32> -> vector<16xi32>
    %lt3A_364 = arith.constant 0 : i32
    %lt3A_365 = vector.broadcast %lt3A_364 : i32 to vector<16xi32>
    %lt3A_366 = arith.cmpi slt, %add3A_33, %lt3A_365 : vector<16xi32>
    %add3A_367 = arith.constant 16 : i32
    %add3A_368 = vector.broadcast %add3A_367 : i32 to vector<16xi32>
    %add3A_369 = arith.addi %add3A_33, %add3A_368 : vector<16xi32>
    %select_n3A_370 = arith.select %lt3A_366, %add3A_369, %add3A_33 : vector<16xi1>, vector<16xi32>
    %broadcast_in_dim3A_371 = vector.shape_cast %select_n3A_370 : vector<16xi32> to vector<16x1xi32>
    %gather3A_372 = vector.shape_cast %broadcast_in_dim3A_371 : vector<16x1xi32> to vector<16xi32>
    %gather3A_373 = tpu.dynamic_gather %get3A_332[%gather3A_372] in [0] : vector<16xi32>, vector<16xi32> -> vector<16xi32>
    %select_n3A_374 = arith.select %lt3A_35, %gather3A_363, %gather3A_373 : vector<16xi1>, vector<16xi32>
    %swap3A_375 = arith.constant 80 : index
    %swap3A_376 = tpu.vector_load %arg7[%swap3A_375] {strides = array<i32>} : memref<256xi32, #tpu.memory_space<vmem>>, vector<16xi32>,
    %swap3A_377 = vector.shape_cast %swap3A_376 : vector<16xi32> to vector<16xi32>
    %swap3A_378 = vector.shape_cast %select_n3A_353 : vector<16xi32> to vector<16xi32>
    tpu.vector_store %arg7[%swap3A_375], %swap3A_378 {strides = array<i32>} : memref<256xi32, #tpu.memory_space<vmem>>, vector<16xi32>,
    %add3A_379 = arith.constant 500000 : i32
    %add3A_380 = vector.broadcast %add3A_379 : i32 to vector<16xi32>
    %add3A_381 = arith.addi %select_n3A_374, %add3A_380 : vector<16xi32>
    %swap3A_382 = arith.constant 208 : index
    %swap3A_383 = tpu.vector_load %arg7[%swap3A_382] {strides = array<i32>} : memref<256xi32, #tpu.memory_space<vmem>>, vector<16xi32>,
    %swap3A_384 = vector.shape_cast %swap3A_383 : vector<16xi32> to vector<16xi32>
    %swap3A_385 = vector.shape_cast %add3A_381 : vector<16xi32> to vector<16xi32>
    tpu.vector_store %arg7[%swap3A_382], %swap3A_385 {strides = array<i32>} : memref<256xi32, #tpu.memory_space<vmem>>, vector<16xi32>,
    %get3A_386 = arith.constant 192 : index
    %get3A_387 = tpu.vector_load %arg6[%get3A_386] {strides = array<i32>} : memref<256xi32, #tpu.memory_space<vmem>>, vector<16xi32>,
    %get3A_388 = vector.shape_cast %get3A_387 : vector<16xi32> to vector<16xi32>
    %get3A_389 = arith.constant 208 : index
    %get3A_390 = tpu.vector_load %arg6[%get3A_389] {strides = array<i32>} : memref<256xi32, #tpu.memory_space<vmem>>, vector<16xi32>,
    %get3A_391 = vector.shape_cast %get3A_390 : vector<16xi32> to vector<16xi32>
    %lt3A_392 = arith.constant 0 : i32
    %lt3A_393 = vector.broadcast %lt3A_392 : i32 to vector<16xi32>
    %lt3A_394 = arith.cmpi slt, %and3A_30, %lt3A_393 : vector<16xi32>
    %add3A_395 = arith.constant 16 : i32
    %add3A_396 = vector.broadcast %add3A_395 : i32 to vector<16xi32>
    %add3A_397 = arith.addi %and3A_30, %add3A_396 : vector<16xi32>
    %select_n3A_398 = arith.select %lt3A_394, %add3A_397, %and3A_30 : vector<16xi1>, vector<16xi32>
    %broadcast_in_dim3A_399 = vector.shape_cast %select_n3A_398 : vector<16xi32> to vector<16x1xi32>
    %gather3A_400 = vector.shape_cast %broadcast_in_dim3A_399 : vector<16x1xi32> to vector<16xi32>
    %gather3A_401 = tpu.dynamic_gather %get3A_388[%gather3A_400] in [0] : vector<16xi32>, vector<16xi32> -> vector<16xi32>
    %lt3A_402 = arith.constant 0 : i32
    %lt3A_403 = vector.broadcast %lt3A_402 : i32 to vector<16xi32>
    %lt3A_404 = arith.cmpi slt, %and3A_30, %lt3A_403 : vector<16xi32>
    %add3A_405 = arith.constant 16 : i32
    %add3A_406 = vector.broadcast %add3A_405 : i32 to vector<16xi32>
    %add3A_407 = arith.addi %and3A_30, %add3A_406 : vector<16xi32>
    %select_n3A_408 = arith.select %lt3A_404, %add3A_407, %and3A_30 : vector<16xi1>, vector<16xi32>
    %broadcast_in_dim3A_409 = vector.shape_cast %select_n3A_408 : vector<16xi32> to vector<16x1xi32>
    %gather3A_410 = vector.shape_cast %broadcast_in_dim3A_409 : vector<16x1xi32> to vector<16xi32>
    %gather3A_411 = tpu.dynamic_gather %get3A_391[%gather3A_410] in [0] : vector<16xi32>, vector<16xi32> -> vector<16xi32>
    %select_n3A_412 = arith.select %lt3A_35, %gather3A_401, %gather3A_411 : vector<16xi1>, vector<16xi32>
    %lt3A_413 = arith.constant 0 : i32
    %lt3A_414 = vector.broadcast %lt3A_413 : i32 to vector<16xi32>
    %lt3A_415 = arith.cmpi slt, %add3A_33, %lt3A_414 : vector<16xi32>
    %add3A_416 = arith.constant 16 : i32
    %add3A_417 = vector.broadcast %add3A_416 : i32 to vector<16xi32>
    %add3A_418 = arith.addi %add3A_33, %add3A_417 : vector<16xi32>
    %select_n3A_419 = arith.select %lt3A_415, %add3A_418, %add3A_33 : vector<16xi1>, vector<16xi32>
    %broadcast_in_dim3A_420 = vector.shape_cast %select_n3A_419 : vector<16xi32> to vector<16x1xi32>
    %gather3A_421 = vector.shape_cast %broadcast_in_dim3A_420 : vector<16x1xi32> to vector<16xi32>
    %gather3A_422 = tpu.dynamic_gather %get3A_388[%gather3A_421] in [0] : vector<16xi32>, vector<16xi32> -> vector<16xi32>
    %lt3A_423 = arith.constant 0 : i32
    %lt3A_424 = vector.broadcast %lt3A_423 : i32 to vector<16xi32>
    %lt3A_425 = arith.cmpi slt, %add3A_33, %lt3A_424 : vector<16xi32>
    %add3A_426 = arith.constant 16 : i32
    %add3A_427 = vector.broadcast %add3A_426 : i32 to vector<16xi32>
    %add3A_428 = arith.addi %add3A_33, %add3A_427 : vector<16xi32>
    %select_n3A_429 = arith.select %lt3A_425, %add3A_428, %add3A_33 : vector<16xi1>, vector<16xi32>
    %broadcast_in_dim3A_430 = vector.shape_cast %select_n3A_429 : vector<16xi32> to vector<16x1xi32>
    %gather3A_431 = vector.shape_cast %broadcast_in_dim3A_430 : vector<16x1xi32> to vector<16xi32>
    %gather3A_432 = tpu.dynamic_gather %get3A_391[%gather3A_431] in [0] : vector<16xi32>, vector<16xi32> -> vector<16xi32>
    %select_n3A_433 = arith.select %lt3A_35, %gather3A_422, %gather3A_432 : vector<16xi1>, vector<16xi32>
    %swap3A_434 = arith.constant 96 : index
    %swap3A_435 = tpu.vector_load %arg7[%swap3A_434] {strides = array<i32>} : memref<256xi32, #tpu.memory_space<vmem>>, vector<16xi32>,
    %swap3A_436 = vector.shape_cast %swap3A_435 : vector<16xi32> to vector<16xi32>
    %swap3A_437 = vector.shape_cast %select_n3A_412 : vector<16xi32> to vector<16xi32>
    tpu.vector_store %arg7[%swap3A_434], %swap3A_437 {strides = array<i32>} : memref<256xi32, #tpu.memory_space<vmem>>, vector<16xi32>,
    %add3A_438 = arith.constant 500000 : i32
    %add3A_439 = vector.broadcast %add3A_438 : i32 to vector<16xi32>
    %add3A_440 = arith.addi %select_n3A_433, %add3A_439 : vector<16xi32>
    %swap3A_441 = arith.constant 224 : index
    %swap3A_442 = tpu.vector_load %arg7[%swap3A_441] {strides = array<i32>} : memref<256xi32, #tpu.memory_space<vmem>>, vector<16xi32>,
    %swap3A_443 = vector.shape_cast %swap3A_442 : vector<16xi32> to vector<16xi32>
    %swap3A_444 = vector.shape_cast %add3A_440 : vector<16xi32> to vector<16xi32>
    tpu.vector_store %arg7[%swap3A_441], %swap3A_444 {strides = array<i32>} : memref<256xi32, #tpu.memory_space<vmem>>, vector<16xi32>,
    %get3A_445 = arith.constant 224 : index
    %get3A_446 = tpu.vector_load %arg6[%get3A_445] {strides = array<i32>} : memref<256xi32, #tpu.memory_space<vmem>>, vector<16xi32>,
    %get3A_447 = vector.shape_cast %get3A_446 : vector<16xi32> to vector<16xi32>
    %get3A_448 = arith.constant 240 : index
    %get3A_449 = tpu.vector_load %arg6[%get3A_448] {strides = array<i32>} : memref<256xi32, #tpu.memory_space<vmem>>, vector<16xi32>,
    %get3A_450 = vector.shape_cast %get3A_449 : vector<16xi32> to vector<16xi32>
    %lt3A_451 = arith.constant 0 : i32
    %lt3A_452 = vector.broadcast %lt3A_451 : i32 to vector<16xi32>
    %lt3A_453 = arith.cmpi slt, %and3A_30, %lt3A_452 : vector<16xi32>
    %add3A_454 = arith.constant 16 : i32
    %add3A_455 = vector.broadcast %add3A_454 : i32 to vector<16xi32>
    %add3A_456 = arith.addi %and3A_30, %add3A_455 : vector<16xi32>
    %select_n3A_457 = arith.select %lt3A_453, %add3A_456, %and3A_30 : vector<16xi1>, vector<16xi32>
    %broadcast_in_dim3A_458 = vector.shape_cast %select_n3A_457 : vector<16xi32> to vector<16x1xi32>
    %gather3A_459 = vector.shape_cast %broadcast_in_dim3A_458 : vector<16x1xi32> to vector<16xi32>
    %gather3A_460 = tpu.dynamic_gather %get3A_447[%gather3A_459] in [0] : vector<16xi32>, vector<16xi32> -> vector<16xi32>
    %lt3A_461 = arith.constant 0 : i32
    %lt3A_462 = vector.broadcast %lt3A_461 : i32 to vector<16xi32>
    %lt3A_463 = arith.cmpi slt, %and3A_30, %lt3A_462 : vector<16xi32>
    %add3A_464 = arith.constant 16 : i32
    %add3A_465 = vector.broadcast %add3A_464 : i32 to vector<16xi32>
    %add3A_466 = arith.addi %and3A_30, %add3A_465 : vector<16xi32>
    %select_n3A_467 = arith.select %lt3A_463, %add3A_466, %and3A_30 : vector<16xi1>, vector<16xi32>
    %broadcast_in_dim3A_468 = vector.shape_cast %select_n3A_467 : vector<16xi32> to vector<16x1xi32>
    %gather3A_469 = vector.shape_cast %broadcast_in_dim3A_468 : vector<16x1xi32> to vector<16xi32>
    %gather3A_470 = tpu.dynamic_gather %get3A_450[%gather3A_469] in [0] : vector<16xi32>, vector<16xi32> -> vector<16xi32>
    %select_n3A_471 = arith.select %lt3A_35, %gather3A_460, %gather3A_470 : vector<16xi1>, vector<16xi32>
    %lt3A_472 = arith.constant 0 : i32
    %lt3A_473 = vector.broadcast %lt3A_472 : i32 to vector<16xi32>
    %lt3A_474 = arith.cmpi slt, %add3A_33, %lt3A_473 : vector<16xi32>
    %add3A_475 = arith.constant 16 : i32
    %add3A_476 = vector.broadcast %add3A_475 : i32 to vector<16xi32>
    %add3A_477 = arith.addi %add3A_33, %add3A_476 : vector<16xi32>
    %select_n3A_478 = arith.select %lt3A_474, %add3A_477, %add3A_33 : vector<16xi1>, vector<16xi32>
    %broadcast_in_dim3A_479 = vector.shape_cast %select_n3A_478 : vector<16xi32> to vector<16x1xi32>
    %gather3A_480 = vector.shape_cast %broadcast_in_dim3A_479 : vector<16x1xi32> to vector<16xi32>
    %gather3A_481 = tpu.dynamic_gather %get3A_447[%gather3A_480] in [0] : vector<16xi32>, vector<16xi32> -> vector<16xi32>
    %lt3A_482 = arith.constant 0 : i32
    %lt3A_483 = vector.broadcast %lt3A_482 : i32 to vector<16xi32>
    %lt3A_484 = arith.cmpi slt, %add3A_33, %lt3A_483 : vector<16xi32>
    %add3A_485 = arith.constant 16 : i32
    %add3A_486 = vector.broadcast %add3A_485 : i32 to vector<16xi32>
    %add3A_487 = arith.addi %add3A_33, %add3A_486 : vector<16xi32>
    %select_n3A_488 = arith.select %lt3A_484, %add3A_487, %add3A_33 : vector<16xi1>, vector<16xi32>
    %broadcast_in_dim3A_489 = vector.shape_cast %select_n3A_488 : vector<16xi32> to vector<16x1xi32>
    %gather3A_490 = vector.shape_cast %broadcast_in_dim3A_489 : vector<16x1xi32> to vector<16xi32>
    %gather3A_491 = tpu.dynamic_gather %get3A_450[%gather3A_490] in [0] : vector<16xi32>, vector<16xi32> -> vector<16xi32>
    %select_n3A_492 = arith.select %lt3A_35, %gather3A_481, %gather3A_491 : vector<16xi1>, vector<16xi32>
    %swap3A_493 = arith.constant 112 : index
    %swap3A_494 = tpu.vector_load %arg7[%swap3A_493] {strides = array<i32>} : memref<256xi32, #tpu.memory_space<vmem>>, vector<16xi32>,
    %swap3A_495 = vector.shape_cast %swap3A_494 : vector<16xi32> to vector<16xi32>
    %swap3A_496 = vector.shape_cast %select_n3A_471 : vector<16xi32> to vector<16xi32>
    tpu.vector_store %arg7[%swap3A_493], %swap3A_496 {strides = array<i32>} : memref<256xi32, #tpu.memory_space<vmem>>, vector<16xi32>,
    %add3A_497 = arith.constant 500000 : i32
    %add3A_498 = vector.broadcast %add3A_497 : i32 to vector<16xi32>
    %add3A_499 = arith.addi %select_n3A_492, %add3A_498 : vector<16xi32>
    %swap3A_500 = arith.constant 240 : index
    %swap3A_501 = tpu.vector_load %arg7[%swap3A_500] {strides = array<i32>} : memref<256xi32, #tpu.memory_space<vmem>>, vector<16xi32>,
    %swap3A_502 = vector.shape_cast %swap3A_501 : vector<16xi32> to vector<16xi32>
    %swap3A_503 = vector.shape_cast %add3A_499 : vector<16xi32> to vector<16xi32>
    tpu.vector_store %arg7[%swap3A_500], %swap3A_503 {strides = array<i32>} : memref<256xi32, #tpu.memory_space<vmem>>, vector<16xi32>,
    %dma_start3A_504 = arith.constant 0 : i32
    %dma_start3A_505 = tpu.memref_slice %arg3[%dma_start3A_504] : memref<1000000xf32, #tpu.memory_space<hbm>> -> memref<1000000xf32, #tpu.memory_space<hbm>>
    tpu.enqueue_indirect_dma source(%dma_start3A_505 : memref<1000000xf32, #tpu.memory_space<hbm>>) target(%arg8 : memref<256xf32, #tpu.memory_space<vmem>>) offsets(%arg7 : memref<256xi32, #tpu.memory_space<vmem>>) semaphore(%arg23 : memref<!tpu.dma_semaphore, #tpu.memory_space<semaphore_mem>>)
    %dma_wait3A_506 = tpu.memref_slice %arg2[%mul3A_11] : memref<32768xi32, #tpu.memory_space<hbm>> -> memref<256xi32, #tpu.memory_space<hbm>>
    %dma_wait3A_507 = tpu.memref_slice %arg2[%mul3A_11] : memref<32768xi32, #tpu.memory_space<hbm>> -> memref<256xi32, #tpu.memory_space<hbm>>
    tpu.wait_dma2 semaphore(%arg24 : memref<!tpu.dma_semaphore, #tpu.memory_space<semaphore_mem>>) src(%dma_wait3A_507 : memref<256xi32, #tpu.memory_space<hbm>>) dst(%arg10 : memref<256xi32, #tpu.memory_space<vmem>>)
    %get3A_508 = arith.constant 0 : index
    %get3A_509 = tpu.vector_load %arg10[%get3A_508] {strides = array<i32>} : memref<256xi32, #tpu.memory_space<vmem>>, vector<16xi32>,
    %get3A_510 = vector.shape_cast %get3A_509 : vector<16xi32> to vector<16xi32>
    %get3A_511 = arith.constant 16 : index
    %get3A_512 = tpu.vector_load %arg10[%get3A_511] {strides = array<i32>} : memref<256xi32, #tpu.memory_space<vmem>>, vector<16xi32>,
    %get3A_513 = vector.shape_cast %get3A_512 : vector<16xi32> to vector<16xi32>
    %lt3A_514 = arith.constant 0 : i32
    %lt3A_515 = vector.broadcast %lt3A_514 : i32 to vector<16xi32>
    %lt3A_516 = arith.cmpi slt, %and3A_30, %lt3A_515 : vector<16xi32>
    %add3A_517 = arith.constant 16 : i32
    %add3A_518 = vector.broadcast %add3A_517 : i32 to vector<16xi32>
    %add3A_519 = arith.addi %and3A_30, %add3A_518 : vector<16xi32>
    %select_n3A_520 = arith.select %lt3A_516, %add3A_519, %and3A_30 : vector<16xi1>, vector<16xi32>
    %broadcast_in_dim3A_521 = vector.shape_cast %select_n3A_520 : vector<16xi32> to vector<16x1xi32>
    %gather3A_522 = vector.shape_cast %broadcast_in_dim3A_521 : vector<16x1xi32> to vector<16xi32>
    %gather3A_523 = tpu.dynamic_gather %get3A_510[%gather3A_522] in [0] : vector<16xi32>, vector<16xi32> -> vector<16xi32>
    %lt3A_524 = arith.constant 0 : i32
    %lt3A_525 = vector.broadcast %lt3A_524 : i32 to vector<16xi32>
    %lt3A_526 = arith.cmpi slt, %and3A_30, %lt3A_525 : vector<16xi32>
    %add3A_527 = arith.constant 16 : i32
    %add3A_528 = vector.broadcast %add3A_527 : i32 to vector<16xi32>
    %add3A_529 = arith.addi %and3A_30, %add3A_528 : vector<16xi32>
    %select_n3A_530 = arith.select %lt3A_526, %add3A_529, %and3A_30 : vector<16xi1>, vector<16xi32>
    %broadcast_in_dim3A_531 = vector.shape_cast %select_n3A_530 : vector<16xi32> to vector<16x1xi32>
    %gather3A_532 = vector.shape_cast %broadcast_in_dim3A_531 : vector<16x1xi32> to vector<16xi32>
    %gather3A_533 = tpu.dynamic_gather %get3A_513[%gather3A_532] in [0] : vector<16xi32>, vector<16xi32> -> vector<16xi32>
    %select_n3A_534 = arith.select %lt3A_35, %gather3A_523, %gather3A_533 : vector<16xi1>, vector<16xi32>
    %lt3A_535 = arith.constant 0 : i32
    %lt3A_536 = vector.broadcast %lt3A_535 : i32 to vector<16xi32>
    %lt3A_537 = arith.cmpi slt, %add3A_33, %lt3A_536 : vector<16xi32>
    %add3A_538 = arith.constant 16 : i32
    %add3A_539 = vector.broadcast %add3A_538 : i32 to vector<16xi32>
    %add3A_540 = arith.addi %add3A_33, %add3A_539 : vector<16xi32>
    %select_n3A_541 = arith.select %lt3A_537, %add3A_540, %add3A_33 : vector<16xi1>, vector<16xi32>
    %broadcast_in_dim3A_542 = vector.shape_cast %select_n3A_541 : vector<16xi32> to vector<16x1xi32>
    %gather3A_543 = vector.shape_cast %broadcast_in_dim3A_542 : vector<16x1xi32> to vector<16xi32>
    %gather3A_544 = tpu.dynamic_gather %get3A_510[%gather3A_543] in [0] : vector<16xi32>, vector<16xi32> -> vector<16xi32>
    %lt3A_545 = arith.constant 0 : i32
    %lt3A_546 = vector.broadcast %lt3A_545 : i32 to vector<16xi32>
    %lt3A_547 = arith.cmpi slt, %add3A_33, %lt3A_546 : vector<16xi32>
    %add3A_548 = arith.constant 16 : i32
    %add3A_549 = vector.broadcast %add3A_548 : i32 to vector<16xi32>
    %add3A_550 = arith.addi %add3A_33, %add3A_549 : vector<16xi32>
    %select_n3A_551 = arith.select %lt3A_547, %add3A_550, %add3A_33 : vector<16xi1>, vector<16xi32>
    %broadcast_in_dim3A_552 = vector.shape_cast %select_n3A_551 : vector<16xi32> to vector<16x1xi32>
    %gather3A_553 = vector.shape_cast %broadcast_in_dim3A_552 : vector<16x1xi32> to vector<16xi32>
    %gather3A_554 = tpu.dynamic_gather %get3A_513[%gather3A_553] in [0] : vector<16xi32>, vector<16xi32> -> vector<16xi32>
    %select_n3A_555 = arith.select %lt3A_35, %gather3A_544, %gather3A_554 : vector<16xi1>, vector<16xi32>
    %swap3A_556 = arith.constant 0 : index
    %swap3A_557 = tpu.vector_load %arg11[%swap3A_556] {strides = array<i32>} : memref<256xi32, #tpu.memory_space<vmem>>, vector<16xi32>,
    %swap3A_558 = vector.shape_cast %swap3A_557 : vector<16xi32> to vector<16xi32>
    %swap3A_559 = vector.shape_cast %select_n3A_534 : vector<16xi32> to vector<16xi32>
    tpu.vector_store %arg11[%swap3A_556], %swap3A_559 {strides = array<i32>} : memref<256xi32, #tpu.memory_space<vmem>>, vector<16xi32>,
    %add3A_560 = arith.constant 500000 : i32
    %add3A_561 = vector.broadcast %add3A_560 : i32 to vector<16xi32>
    %add3A_562 = arith.addi %select_n3A_555, %add3A_561 : vector<16xi32>
    %swap3A_563 = arith.constant 128 : index
    %swap3A_564 = tpu.vector_load %arg11[%swap3A_563] {strides = array<i32>} : memref<256xi32, #tpu.memory_space<vmem>>, vector<16xi32>,
    %swap3A_565 = vector.shape_cast %swap3A_564 : vector<16xi32> to vector<16xi32>
    %swap3A_566 = vector.shape_cast %add3A_562 : vector<16xi32> to vector<16xi32>
    tpu.vector_store %arg11[%swap3A_563], %swap3A_566 {strides = array<i32>} : memref<256xi32, #tpu.memory_space<vmem>>, vector<16xi32>,
    %get3A_567 = arith.constant 32 : index
    %get3A_568 = tpu.vector_load %arg10[%get3A_567] {strides = array<i32>} : memref<256xi32, #tpu.memory_space<vmem>>, vector<16xi32>,
    %get3A_569 = vector.shape_cast %get3A_568 : vector<16xi32> to vector<16xi32>
    %get3A_570 = arith.constant 48 : index
    %get3A_571 = tpu.vector_load %arg10[%get3A_570] {strides = array<i32>} : memref<256xi32, #tpu.memory_space<vmem>>, vector<16xi32>,
    %get3A_572 = vector.shape_cast %get3A_571 : vector<16xi32> to vector<16xi32>
    %lt3A_573 = arith.constant 0 : i32
    %lt3A_574 = vector.broadcast %lt3A_573 : i32 to vector<16xi32>
    %lt3A_575 = arith.cmpi slt, %and3A_30, %lt3A_574 : vector<16xi32>
    %add3A_576 = arith.constant 16 : i32
    %add3A_577 = vector.broadcast %add3A_576 : i32 to vector<16xi32>
    %add3A_578 = arith.addi %and3A_30, %add3A_577 : vector<16xi32>
    %select_n3A_579 = arith.select %lt3A_575, %add3A_578, %and3A_30 : vector<16xi1>, vector<16xi32>
    %broadcast_in_dim3A_580 = vector.shape_cast %select_n3A_579 : vector<16xi32> to vector<16x1xi32>
    %gather3A_581 = vector.shape_cast %broadcast_in_dim3A_580 : vector<16x1xi32> to vector<16xi32>
    %gather3A_582 = tpu.dynamic_gather %get3A_569[%gather3A_581] in [0] : vector<16xi32>, vector<16xi32> -> vector<16xi32>
    %lt3A_583 = arith.constant 0 : i32
    %lt3A_584 = vector.broadcast %lt3A_583 : i32 to vector<16xi32>
    %lt3A_585 = arith.cmpi slt, %and3A_30, %lt3A_584 : vector<16xi32>
    %add3A_586 = arith.constant 16 : i32
    %add3A_587 = vector.broadcast %add3A_586 : i32 to vector<16xi32>
    %add3A_588 = arith.addi %and3A_30, %add3A_587 : vector<16xi32>
    %select_n3A_589 = arith.select %lt3A_585, %add3A_588, %and3A_30 : vector<16xi1>, vector<16xi32>
    %broadcast_in_dim3A_590 = vector.shape_cast %select_n3A_589 : vector<16xi32> to vector<16x1xi32>
    %gather3A_591 = vector.shape_cast %broadcast_in_dim3A_590 : vector<16x1xi32> to vector<16xi32>
    %gather3A_592 = tpu.dynamic_gather %get3A_572[%gather3A_591] in [0] : vector<16xi32>, vector<16xi32> -> vector<16xi32>
    %select_n3A_593 = arith.select %lt3A_35, %gather3A_582, %gather3A_592 : vector<16xi1>, vector<16xi32>
    %lt3A_594 = arith.constant 0 : i32
    %lt3A_595 = vector.broadcast %lt3A_594 : i32 to vector<16xi32>
    %lt3A_596 = arith.cmpi slt, %add3A_33, %lt3A_595 : vector<16xi32>
    %add3A_597 = arith.constant 16 : i32
    %add3A_598 = vector.broadcast %add3A_597 : i32 to vector<16xi32>
    %add3A_599 = arith.addi %add3A_33, %add3A_598 : vector<16xi32>
    %select_n3A_600 = arith.select %lt3A_596, %add3A_599, %add3A_33 : vector<16xi1>, vector<16xi32>
    %broadcast_in_dim3A_601 = vector.shape_cast %select_n3A_600 : vector<16xi32> to vector<16x1xi32>
    %gather3A_602 = vector.shape_cast %broadcast_in_dim3A_601 : vector<16x1xi32> to vector<16xi32>
    %gather3A_603 = tpu.dynamic_gather %get3A_569[%gather3A_602] in [0] : vector<16xi32>, vector<16xi32> -> vector<16xi32>
    %lt3A_604 = arith.constant 0 : i32
    %lt3A_605 = vector.broadcast %lt3A_604 : i32 to vector<16xi32>
    %lt3A_606 = arith.cmpi slt, %add3A_33, %lt3A_605 : vector<16xi32>
    %add3A_607 = arith.constant 16 : i32
    %add3A_608 = vector.broadcast %add3A_607 : i32 to vector<16xi32>
    %add3A_609 = arith.addi %add3A_33, %add3A_608 : vector<16xi32>
    %select_n3A_610 = arith.select %lt3A_606, %add3A_609, %add3A_33 : vector<16xi1>, vector<16xi32>
    %broadcast_in_dim3A_611 = vector.shape_cast %select_n3A_610 : vector<16xi32> to vector<16x1xi32>
    %gather3A_612 = vector.shape_cast %broadcast_in_dim3A_611 : vector<16x1xi32> to vector<16xi32>
    %gather3A_613 = tpu.dynamic_gather %get3A_572[%gather3A_612] in [0] : vector<16xi32>, vector<16xi32> -> vector<16xi32>
    %select_n3A_614 = arith.select %lt3A_35, %gather3A_603, %gather3A_613 : vector<16xi1>, vector<16xi32>
    %swap3A_615 = arith.constant 16 : index
    %swap3A_616 = tpu.vector_load %arg11[%swap3A_615] {strides = array<i32>} : memref<256xi32, #tpu.memory_space<vmem>>, vector<16xi32>,
    %swap3A_617 = vector.shape_cast %swap3A_616 : vector<16xi32> to vector<16xi32>
    %swap3A_618 = vector.shape_cast %select_n3A_593 : vector<16xi32> to vector<16xi32>
    tpu.vector_store %arg11[%swap3A_615], %swap3A_618 {strides = array<i32>} : memref<256xi32, #tpu.memory_space<vmem>>, vector<16xi32>,
    %add3A_619 = arith.constant 500000 : i32
    %add3A_620 = vector.broadcast %add3A_619 : i32 to vector<16xi32>
    %add3A_621 = arith.addi %select_n3A_614, %add3A_620 : vector<16xi32>
    %swap3A_622 = arith.constant 144 : index
    %swap3A_623 = tpu.vector_load %arg11[%swap3A_622] {strides = array<i32>} : memref<256xi32, #tpu.memory_space<vmem>>, vector<16xi32>,
    %swap3A_624 = vector.shape_cast %swap3A_623 : vector<16xi32> to vector<16xi32>
    %swap3A_625 = vector.shape_cast %add3A_621 : vector<16xi32> to vector<16xi32>
    tpu.vector_store %arg11[%swap3A_622], %swap3A_625 {strides = array<i32>} : memref<256xi32, #tpu.memory_space<vmem>>, vector<16xi32>,
    %get3A_626 = arith.constant 64 : index
    %get3A_627 = tpu.vector_load %arg10[%get3A_626] {strides = array<i32>} : memref<256xi32, #tpu.memory_space<vmem>>, vector<16xi32>,
    %get3A_628 = vector.shape_cast %get3A_627 : vector<16xi32> to vector<16xi32>
    %get3A_629 = arith.constant 80 : index
    %get3A_630 = tpu.vector_load %arg10[%get3A_629] {strides = array<i32>} : memref<256xi32, #tpu.memory_space<vmem>>, vector<16xi32>,
    %get3A_631 = vector.shape_cast %get3A_630 : vector<16xi32> to vector<16xi32>
    %lt3A_632 = arith.constant 0 : i32
    %lt3A_633 = vector.broadcast %lt3A_632 : i32 to vector<16xi32>
    %lt3A_634 = arith.cmpi slt, %and3A_30, %lt3A_633 : vector<16xi32>
    %add3A_635 = arith.constant 16 : i32
    %add3A_636 = vector.broadcast %add3A_635 : i32 to vector<16xi32>
    %add3A_637 = arith.addi %and3A_30, %add3A_636 : vector<16xi32>
    %select_n3A_638 = arith.select %lt3A_634, %add3A_637, %and3A_30 : vector<16xi1>, vector<16xi32>
    %broadcast_in_dim3A_639 = vector.shape_cast %select_n3A_638 : vector<16xi32> to vector<16x1xi32>
    %gather3A_640 = vector.shape_cast %broadcast_in_dim3A_639 : vector<16x1xi32> to vector<16xi32>
    %gather3A_641 = tpu.dynamic_gather %get3A_628[%gather3A_640] in [0] : vector<16xi32>, vector<16xi32> -> vector<16xi32>
    %lt3A_642 = arith.constant 0 : i32
    %lt3A_643 = vector.broadcast %lt3A_642 : i32 to vector<16xi32>
    %lt3A_644 = arith.cmpi slt, %and3A_30, %lt3A_643 : vector<16xi32>
    %add3A_645 = arith.constant 16 : i32
    %add3A_646 = vector.broadcast %add3A_645 : i32 to vector<16xi32>
    %add3A_647 = arith.addi %and3A_30, %add3A_646 : vector<16xi32>
    %select_n3A_648 = arith.select %lt3A_644, %add3A_647, %and3A_30 : vector<16xi1>, vector<16xi32>
    %broadcast_in_dim3A_649 = vector.shape_cast %select_n3A_648 : vector<16xi32> to vector<16x1xi32>
    %gather3A_650 = vector.shape_cast %broadcast_in_dim3A_649 : vector<16x1xi32> to vector<16xi32>
    %gather3A_651 = tpu.dynamic_gather %get3A_631[%gather3A_650] in [0] : vector<16xi32>, vector<16xi32> -> vector<16xi32>
    %select_n3A_652 = arith.select %lt3A_35, %gather3A_641, %gather3A_651 : vector<16xi1>, vector<16xi32>
    %lt3A_653 = arith.constant 0 : i32
    %lt3A_654 = vector.broadcast %lt3A_653 : i32 to vector<16xi32>
    %lt3A_655 = arith.cmpi slt, %add3A_33, %lt3A_654 : vector<16xi32>
    %add3A_656 = arith.constant 16 : i32
    %add3A_657 = vector.broadcast %add3A_656 : i32 to vector<16xi32>
    %add3A_658 = arith.addi %add3A_33, %add3A_657 : vector<16xi32>
    %select_n3A_659 = arith.select %lt3A_655, %add3A_658, %add3A_33 : vector<16xi1>, vector<16xi32>
    %broadcast_in_dim3A_660 = vector.shape_cast %select_n3A_659 : vector<16xi32> to vector<16x1xi32>
    %gather3A_661 = vector.shape_cast %broadcast_in_dim3A_660 : vector<16x1xi32> to vector<16xi32>
    %gather3A_662 = tpu.dynamic_gather %get3A_628[%gather3A_661] in [0] : vector<16xi32>, vector<16xi32> -> vector<16xi32>
    %lt3A_663 = arith.constant 0 : i32
    %lt3A_664 = vector.broadcast %lt3A_663 : i32 to vector<16xi32>
    %lt3A_665 = arith.cmpi slt, %add3A_33, %lt3A_664 : vector<16xi32>
    %add3A_666 = arith.constant 16 : i32
    %add3A_667 = vector.broadcast %add3A_666 : i32 to vector<16xi32>
    %add3A_668 = arith.addi %add3A_33, %add3A_667 : vector<16xi32>
    %select_n3A_669 = arith.select %lt3A_665, %add3A_668, %add3A_33 : vector<16xi1>, vector<16xi32>
    %broadcast_in_dim3A_670 = vector.shape_cast %select_n3A_669 : vector<16xi32> to vector<16x1xi32>
    %gather3A_671 = vector.shape_cast %broadcast_in_dim3A_670 : vector<16x1xi32> to vector<16xi32>
    %gather3A_672 = tpu.dynamic_gather %get3A_631[%gather3A_671] in [0] : vector<16xi32>, vector<16xi32> -> vector<16xi32>
    %select_n3A_673 = arith.select %lt3A_35, %gather3A_662, %gather3A_672 : vector<16xi1>, vector<16xi32>
    %swap3A_674 = arith.constant 32 : index
    %swap3A_675 = tpu.vector_load %arg11[%swap3A_674] {strides = array<i32>} : memref<256xi32, #tpu.memory_space<vmem>>, vector<16xi32>,
    %swap3A_676 = vector.shape_cast %swap3A_675 : vector<16xi32> to vector<16xi32>
    %swap3A_677 = vector.shape_cast %select_n3A_652 : vector<16xi32> to vector<16xi32>
    tpu.vector_store %arg11[%swap3A_674], %swap3A_677 {strides = array<i32>} : memref<256xi32, #tpu.memory_space<vmem>>, vector<16xi32>,
    %add3A_678 = arith.constant 500000 : i32
    %add3A_679 = vector.broadcast %add3A_678 : i32 to vector<16xi32>
    %add3A_680 = arith.addi %select_n3A_673, %add3A_679 : vector<16xi32>
    %swap3A_681 = arith.constant 160 : index
    %swap3A_682 = tpu.vector_load %arg11[%swap3A_681] {strides = array<i32>} : memref<256xi32, #tpu.memory_space<vmem>>, vector<16xi32>,
    %swap3A_683 = vector.shape_cast %swap3A_682 : vector<16xi32> to vector<16xi32>
    %swap3A_684 = vector.shape_cast %add3A_680 : vector<16xi32> to vector<16xi32>
    tpu.vector_store %arg11[%swap3A_681], %swap3A_684 {strides = array<i32>} : memref<256xi32, #tpu.memory_space<vmem>>, vector<16xi32>,
    %get3A_685 = arith.constant 96 : index
    %get3A_686 = tpu.vector_load %arg10[%get3A_685] {strides = array<i32>} : memref<256xi32, #tpu.memory_space<vmem>>, vector<16xi32>,
    %get3A_687 = vector.shape_cast %get3A_686 : vector<16xi32> to vector<16xi32>
    %get3A_688 = arith.constant 112 : index
    %get3A_689 = tpu.vector_load %arg10[%get3A_688] {strides = array<i32>} : memref<256xi32, #tpu.memory_space<vmem>>, vector<16xi32>,
    %get3A_690 = vector.shape_cast %get3A_689 : vector<16xi32> to vector<16xi32>
    %lt3A_691 = arith.constant 0 : i32
    %lt3A_692 = vector.broadcast %lt3A_691 : i32 to vector<16xi32>
    %lt3A_693 = arith.cmpi slt, %and3A_30, %lt3A_692 : vector<16xi32>
    %add3A_694 = arith.constant 16 : i32
    %add3A_695 = vector.broadcast %add3A_694 : i32 to vector<16xi32>
    %add3A_696 = arith.addi %and3A_30, %add3A_695 : vector<16xi32>
    %select_n3A_697 = arith.select %lt3A_693, %add3A_696, %and3A_30 : vector<16xi1>, vector<16xi32>
    %broadcast_in_dim3A_698 = vector.shape_cast %select_n3A_697 : vector<16xi32> to vector<16x1xi32>
    %gather3A_699 = vector.shape_cast %broadcast_in_dim3A_698 : vector<16x1xi32> to vector<16xi32>
    %gather3A_700 = tpu.dynamic_gather %get3A_687[%gather3A_699] in [0] : vector<16xi32>, vector<16xi32> -> vector<16xi32>
    %lt3A_701 = arith.constant 0 : i32
    %lt3A_702 = vector.broadcast %lt3A_701 : i32 to vector<16xi32>
    %lt3A_703 = arith.cmpi slt, %and3A_30, %lt3A_702 : vector<16xi32>
    %add3A_704 = arith.constant 16 : i32
    %add3A_705 = vector.broadcast %add3A_704 : i32 to vector<16xi32>
    %add3A_706 = arith.addi %and3A_30, %add3A_705 : vector<16xi32>
    %select_n3A_707 = arith.select %lt3A_703, %add3A_706, %and3A_30 : vector<16xi1>, vector<16xi32>
    %broadcast_in_dim3A_708 = vector.shape_cast %select_n3A_707 : vector<16xi32> to vector<16x1xi32>
    %gather3A_709 = vector.shape_cast %broadcast_in_dim3A_708 : vector<16x1xi32> to vector<16xi32>
    %gather3A_710 = tpu.dynamic_gather %get3A_690[%gather3A_709] in [0] : vector<16xi32>, vector<16xi32> -> vector<16xi32>
    %select_n3A_711 = arith.select %lt3A_35, %gather3A_700, %gather3A_710 : vector<16xi1>, vector<16xi32>
    %lt3A_712 = arith.constant 0 : i32
    %lt3A_713 = vector.broadcast %lt3A_712 : i32 to vector<16xi32>
    %lt3A_714 = arith.cmpi slt, %add3A_33, %lt3A_713 : vector<16xi32>
    %add3A_715 = arith.constant 16 : i32
    %add3A_716 = vector.broadcast %add3A_715 : i32 to vector<16xi32>
    %add3A_717 = arith.addi %add3A_33, %add3A_716 : vector<16xi32>
    %select_n3A_718 = arith.select %lt3A_714, %add3A_717, %add3A_33 : vector<16xi1>, vector<16xi32>
    %broadcast_in_dim3A_719 = vector.shape_cast %select_n3A_718 : vector<16xi32> to vector<16x1xi32>
    %gather3A_720 = vector.shape_cast %broadcast_in_dim3A_719 : vector<16x1xi32> to vector<16xi32>
    %gather3A_721 = tpu.dynamic_gather %get3A_687[%gather3A_720] in [0] : vector<16xi32>, vector<16xi32> -> vector<16xi32>
    %lt3A_722 = arith.constant 0 : i32
    %lt3A_723 = vector.broadcast %lt3A_722 : i32 to vector<16xi32>
    %lt3A_724 = arith.cmpi slt, %add3A_33, %lt3A_723 : vector<16xi32>
    %add3A_725 = arith.constant 16 : i32
    %add3A_726 = vector.broadcast %add3A_725 : i32 to vector<16xi32>
    %add3A_727 = arith.addi %add3A_33, %add3A_726 : vector<16xi32>
    %select_n3A_728 = arith.select %lt3A_724, %add3A_727, %add3A_33 : vector<16xi1>, vector<16xi32>
    %broadcast_in_dim3A_729 = vector.shape_cast %select_n3A_728 : vector<16xi32> to vector<16x1xi32>
    %gather3A_730 = vector.shape_cast %broadcast_in_dim3A_729 : vector<16x1xi32> to vector<16xi32>
    %gather3A_731 = tpu.dynamic_gather %get3A_690[%gather3A_730] in [0] : vector<16xi32>, vector<16xi32> -> vector<16xi32>
    %select_n3A_732 = arith.select %lt3A_35, %gather3A_721, %gather3A_731 : vector<16xi1>, vector<16xi32>
    %swap3A_733 = arith.constant 48 : index
    %swap3A_734 = tpu.vector_load %arg11[%swap3A_733] {strides = array<i32>} : memref<256xi32, #tpu.memory_space<vmem>>, vector<16xi32>,
    %swap3A_735 = vector.shape_cast %swap3A_734 : vector<16xi32> to vector<16xi32>
    %swap3A_736 = vector.shape_cast %select_n3A_711 : vector<16xi32> to vector<16xi32>
    tpu.vector_store %arg11[%swap3A_733], %swap3A_736 {strides = array<i32>} : memref<256xi32, #tpu.memory_space<vmem>>, vector<16xi32>,
    %add3A_737 = arith.constant 500000 : i32
    %add3A_738 = vector.broadcast %add3A_737 : i32 to vector<16xi32>
    %add3A_739 = arith.addi %select_n3A_732, %add3A_738 : vector<16xi32>
    %swap3A_740 = arith.constant 176 : index
    %swap3A_741 = tpu.vector_load %arg11[%swap3A_740] {strides = array<i32>} : memref<256xi32, #tpu.memory_space<vmem>>, vector<16xi32>,
    %swap3A_742 = vector.shape_cast %swap3A_741 : vector<16xi32> to vector<16xi32>
    %swap3A_743 = vector.shape_cast %add3A_739 : vector<16xi32> to vector<16xi32>
    tpu.vector_store %arg11[%swap3A_740], %swap3A_743 {strides = array<i32>} : memref<256xi32, #tpu.memory_space<vmem>>, vector<16xi32>,
    %get3A_744 = arith.constant 128 : index
    %get3A_745 = tpu.vector_load %arg10[%get3A_744] {strides = array<i32>} : memref<256xi32, #tpu.memory_space<vmem>>, vector<16xi32>,
    %get3A_746 = vector.shape_cast %get3A_745 : vector<16xi32> to vector<16xi32>
    %get3A_747 = arith.constant 144 : index
    %get3A_748 = tpu.vector_load %arg10[%get3A_747] {strides = array<i32>} : memref<256xi32, #tpu.memory_space<vmem>>, vector<16xi32>,
    %get3A_749 = vector.shape_cast %get3A_748 : vector<16xi32> to vector<16xi32>
    %lt3A_750 = arith.constant 0 : i32
    %lt3A_751 = vector.broadcast %lt3A_750 : i32 to vector<16xi32>
    %lt3A_752 = arith.cmpi slt, %and3A_30, %lt3A_751 : vector<16xi32>
    %add3A_753 = arith.constant 16 : i32
    %add3A_754 = vector.broadcast %add3A_753 : i32 to vector<16xi32>
    %add3A_755 = arith.addi %and3A_30, %add3A_754 : vector<16xi32>
    %select_n3A_756 = arith.select %lt3A_752, %add3A_755, %and3A_30 : vector<16xi1>, vector<16xi32>
    %broadcast_in_dim3A_757 = vector.shape_cast %select_n3A_756 : vector<16xi32> to vector<16x1xi32>
    %gather3A_758 = vector.shape_cast %broadcast_in_dim3A_757 : vector<16x1xi32> to vector<16xi32>
    %gather3A_759 = tpu.dynamic_gather %get3A_746[%gather3A_758] in [0] : vector<16xi32>, vector<16xi32> -> vector<16xi32>
    %lt3A_760 = arith.constant 0 : i32
    %lt3A_761 = vector.broadcast %lt3A_760 : i32 to vector<16xi32>
    %lt3A_762 = arith.cmpi slt, %and3A_30, %lt3A_761 : vector<16xi32>
    %add3A_763 = arith.constant 16 : i32
    %add3A_764 = vector.broadcast %add3A_763 : i32 to vector<16xi32>
    %add3A_765 = arith.addi %and3A_30, %add3A_764 : vector<16xi32>
    %select_n3A_766 = arith.select %lt3A_762, %add3A_765, %and3A_30 : vector<16xi1>, vector<16xi32>
    %broadcast_in_dim3A_767 = vector.shape_cast %select_n3A_766 : vector<16xi32> to vector<16x1xi32>
    %gather3A_768 = vector.shape_cast %broadcast_in_dim3A_767 : vector<16x1xi32> to vector<16xi32>
    %gather3A_769 = tpu.dynamic_gather %get3A_749[%gather3A_768] in [0] : vector<16xi32>, vector<16xi32> -> vector<16xi32>
    %select_n3A_770 = arith.select %lt3A_35, %gather3A_759, %gather3A_769 : vector<16xi1>, vector<16xi32>
    %lt3A_771 = arith.constant 0 : i32
    %lt3A_772 = vector.broadcast %lt3A_771 : i32 to vector<16xi32>
    %lt3A_773 = arith.cmpi slt, %add3A_33, %lt3A_772 : vector<16xi32>
    %add3A_774 = arith.constant 16 : i32
    %add3A_775 = vector.broadcast %add3A_774 : i32 to vector<16xi32>
    %add3A_776 = arith.addi %add3A_33, %add3A_775 : vector<16xi32>
    %select_n3A_777 = arith.select %lt3A_773, %add3A_776, %add3A_33 : vector<16xi1>, vector<16xi32>
    %broadcast_in_dim3A_778 = vector.shape_cast %select_n3A_777 : vector<16xi32> to vector<16x1xi32>
    %gather3A_779 = vector.shape_cast %broadcast_in_dim3A_778 : vector<16x1xi32> to vector<16xi32>
    %gather3A_780 = tpu.dynamic_gather %get3A_746[%gather3A_779] in [0] : vector<16xi32>, vector<16xi32> -> vector<16xi32>
    %lt3A_781 = arith.constant 0 : i32
    %lt3A_782 = vector.broadcast %lt3A_781 : i32 to vector<16xi32>
    %lt3A_783 = arith.cmpi slt, %add3A_33, %lt3A_782 : vector<16xi32>
    %add3A_784 = arith.constant 16 : i32
    %add3A_785 = vector.broadcast %add3A_784 : i32 to vector<16xi32>
    %add3A_786 = arith.addi %add3A_33, %add3A_785 : vector<16xi32>
    %select_n3A_787 = arith.select %lt3A_783, %add3A_786, %add3A_33 : vector<16xi1>, vector<16xi32>
    %broadcast_in_dim3A_788 = vector.shape_cast %select_n3A_787 : vector<16xi32> to vector<16x1xi32>
    %gather3A_789 = vector.shape_cast %broadcast_in_dim3A_788 : vector<16x1xi32> to vector<16xi32>
    %gather3A_790 = tpu.dynamic_gather %get3A_749[%gather3A_789] in [0] : vector<16xi32>, vector<16xi32> -> vector<16xi32>
    %select_n3A_791 = arith.select %lt3A_35, %gather3A_780, %gather3A_790 : vector<16xi1>, vector<16xi32>
    %swap3A_792 = arith.constant 64 : index
    %swap3A_793 = tpu.vector_load %arg11[%swap3A_792] {strides = array<i32>} : memref<256xi32, #tpu.memory_space<vmem>>, vector<16xi32>,
    %swap3A_794 = vector.shape_cast %swap3A_793 : vector<16xi32> to vector<16xi32>
    %swap3A_795 = vector.shape_cast %select_n3A_770 : vector<16xi32> to vector<16xi32>
    tpu.vector_store %arg11[%swap3A_792], %swap3A_795 {strides = array<i32>} : memref<256xi32, #tpu.memory_space<vmem>>, vector<16xi32>,
    %add3A_796 = arith.constant 500000 : i32
    %add3A_797 = vector.broadcast %add3A_796 : i32 to vector<16xi32>
    %add3A_798 = arith.addi %select_n3A_791, %add3A_797 : vector<16xi32>
    %swap3A_799 = arith.constant 192 : index
    %swap3A_800 = tpu.vector_load %arg11[%swap3A_799] {strides = array<i32>} : memref<256xi32, #tpu.memory_space<vmem>>, vector<16xi32>,
    %swap3A_801 = vector.shape_cast %swap3A_800 : vector<16xi32> to vector<16xi32>
    %swap3A_802 = vector.shape_cast %add3A_798 : vector<16xi32> to vector<16xi32>
    tpu.vector_store %arg11[%swap3A_799], %swap3A_802 {strides = array<i32>} : memref<256xi32, #tpu.memory_space<vmem>>, vector<16xi32>,
    %get3A_803 = arith.constant 160 : index
    %get3A_804 = tpu.vector_load %arg10[%get3A_803] {strides = array<i32>} : memref<256xi32, #tpu.memory_space<vmem>>, vector<16xi32>,
    %get3A_805 = vector.shape_cast %get3A_804 : vector<16xi32> to vector<16xi32>
    %get3A_806 = arith.constant 176 : index
    %get3A_807 = tpu.vector_load %arg10[%get3A_806] {strides = array<i32>} : memref<256xi32, #tpu.memory_space<vmem>>, vector<16xi32>,
    %get3A_808 = vector.shape_cast %get3A_807 : vector<16xi32> to vector<16xi32>
    %lt3A_809 = arith.constant 0 : i32
    %lt3A_810 = vector.broadcast %lt3A_809 : i32 to vector<16xi32>
    %lt3A_811 = arith.cmpi slt, %and3A_30, %lt3A_810 : vector<16xi32>
    %add3A_812 = arith.constant 16 : i32
    %add3A_813 = vector.broadcast %add3A_812 : i32 to vector<16xi32>
    %add3A_814 = arith.addi %and3A_30, %add3A_813 : vector<16xi32>
    %select_n3A_815 = arith.select %lt3A_811, %add3A_814, %and3A_30 : vector<16xi1>, vector<16xi32>
    %broadcast_in_dim3A_816 = vector.shape_cast %select_n3A_815 : vector<16xi32> to vector<16x1xi32>
    %gather3A_817 = vector.shape_cast %broadcast_in_dim3A_816 : vector<16x1xi32> to vector<16xi32>
    %gather3A_818 = tpu.dynamic_gather %get3A_805[%gather3A_817] in [0] : vector<16xi32>, vector<16xi32> -> vector<16xi32>
    %lt3A_819 = arith.constant 0 : i32
    %lt3A_820 = vector.broadcast %lt3A_819 : i32 to vector<16xi32>
    %lt3A_821 = arith.cmpi slt, %and3A_30, %lt3A_820 : vector<16xi32>
    %add3A_822 = arith.constant 16 : i32
    %add3A_823 = vector.broadcast %add3A_822 : i32 to vector<16xi32>
    %add3A_824 = arith.addi %and3A_30, %add3A_823 : vector<16xi32>
    %select_n3A_825 = arith.select %lt3A_821, %add3A_824, %and3A_30 : vector<16xi1>, vector<16xi32>
    %broadcast_in_dim3A_826 = vector.shape_cast %select_n3A_825 : vector<16xi32> to vector<16x1xi32>
    %gather3A_827 = vector.shape_cast %broadcast_in_dim3A_826 : vector<16x1xi32> to vector<16xi32>
    %gather3A_828 = tpu.dynamic_gather %get3A_808[%gather3A_827] in [0] : vector<16xi32>, vector<16xi32> -> vector<16xi32>
    %select_n3A_829 = arith.select %lt3A_35, %gather3A_818, %gather3A_828 : vector<16xi1>, vector<16xi32>
    %lt3A_830 = arith.constant 0 : i32
    %lt3A_831 = vector.broadcast %lt3A_830 : i32 to vector<16xi32>
    %lt3A_832 = arith.cmpi slt, %add3A_33, %lt3A_831 : vector<16xi32>
    %add3A_833 = arith.constant 16 : i32
    %add3A_834 = vector.broadcast %add3A_833 : i32 to vector<16xi32>
    %add3A_835 = arith.addi %add3A_33, %add3A_834 : vector<16xi32>
    %select_n3A_836 = arith.select %lt3A_832, %add3A_835, %add3A_33 : vector<16xi1>, vector<16xi32>
    %broadcast_in_dim3A_837 = vector.shape_cast %select_n3A_836 : vector<16xi32> to vector<16x1xi32>
    %gather3A_838 = vector.shape_cast %broadcast_in_dim3A_837 : vector<16x1xi32> to vector<16xi32>
    %gather3A_839 = tpu.dynamic_gather %get3A_805[%gather3A_838] in [0] : vector<16xi32>, vector<16xi32> -> vector<16xi32>
    %lt3A_840 = arith.constant 0 : i32
    %lt3A_841 = vector.broadcast %lt3A_840 : i32 to vector<16xi32>
    %lt3A_842 = arith.cmpi slt, %add3A_33, %lt3A_841 : vector<16xi32>
    %add3A_843 = arith.constant 16 : i32
    %add3A_844 = vector.broadcast %add3A_843 : i32 to vector<16xi32>
    %add3A_845 = arith.addi %add3A_33, %add3A_844 : vector<16xi32>
    %select_n3A_846 = arith.select %lt3A_842, %add3A_845, %add3A_33 : vector<16xi1>, vector<16xi32>
    %broadcast_in_dim3A_847 = vector.shape_cast %select_n3A_846 : vector<16xi32> to vector<16x1xi32>
    %gather3A_848 = vector.shape_cast %broadcast_in_dim3A_847 : vector<16x1xi32> to vector<16xi32>
    %gather3A_849 = tpu.dynamic_gather %get3A_808[%gather3A_848] in [0] : vector<16xi32>, vector<16xi32> -> vector<16xi32>
    %select_n3A_850 = arith.select %lt3A_35, %gather3A_839, %gather3A_849 : vector<16xi1>, vector<16xi32>
    %swap3A_851 = arith.constant 80 : index
    %swap3A_852 = tpu.vector_load %arg11[%swap3A_851] {strides = array<i32>} : memref<256xi32, #tpu.memory_space<vmem>>, vector<16xi32>,
    %swap3A_853 = vector.shape_cast %swap3A_852 : vector<16xi32> to vector<16xi32>
    %swap3A_854 = vector.shape_cast %select_n3A_829 : vector<16xi32> to vector<16xi32>
    tpu.vector_store %arg11[%swap3A_851], %swap3A_854 {strides = array<i32>} : memref<256xi32, #tpu.memory_space<vmem>>, vector<16xi32>,
    %add3A_855 = arith.constant 500000 : i32
    %add3A_856 = vector.broadcast %add3A_855 : i32 to vector<16xi32>
    %add3A_857 = arith.addi %select_n3A_850, %add3A_856 : vector<16xi32>
    %swap3A_858 = arith.constant 208 : index
    %swap3A_859 = tpu.vector_load %arg11[%swap3A_858] {strides = array<i32>} : memref<256xi32, #tpu.memory_space<vmem>>, vector<16xi32>,
    %swap3A_860 = vector.shape_cast %swap3A_859 : vector<16xi32> to vector<16xi32>
    %swap3A_861 = vector.shape_cast %add3A_857 : vector<16xi32> to vector<16xi32>
    tpu.vector_store %arg11[%swap3A_858], %swap3A_861 {strides = array<i32>} : memref<256xi32, #tpu.memory_space<vmem>>, vector<16xi32>,
    %get3A_862 = arith.constant 192 : index
    %get3A_863 = tpu.vector_load %arg10[%get3A_862] {strides = array<i32>} : memref<256xi32, #tpu.memory_space<vmem>>, vector<16xi32>,
    %get3A_864 = vector.shape_cast %get3A_863 : vector<16xi32> to vector<16xi32>
    %get3A_865 = arith.constant 208 : index
    %get3A_866 = tpu.vector_load %arg10[%get3A_865] {strides = array<i32>} : memref<256xi32, #tpu.memory_space<vmem>>, vector<16xi32>,
    %get3A_867 = vector.shape_cast %get3A_866 : vector<16xi32> to vector<16xi32>
    %lt3A_868 = arith.constant 0 : i32
    %lt3A_869 = vector.broadcast %lt3A_868 : i32 to vector<16xi32>
    %lt3A_870 = arith.cmpi slt, %and3A_30, %lt3A_869 : vector<16xi32>
    %add3A_871 = arith.constant 16 : i32
    %add3A_872 = vector.broadcast %add3A_871 : i32 to vector<16xi32>
    %add3A_873 = arith.addi %and3A_30, %add3A_872 : vector<16xi32>
    %select_n3A_874 = arith.select %lt3A_870, %add3A_873, %and3A_30 : vector<16xi1>, vector<16xi32>
    %broadcast_in_dim3A_875 = vector.shape_cast %select_n3A_874 : vector<16xi32> to vector<16x1xi32>
    %gather3A_876 = vector.shape_cast %broadcast_in_dim3A_875 : vector<16x1xi32> to vector<16xi32>
    %gather3A_877 = tpu.dynamic_gather %get3A_864[%gather3A_876] in [0] : vector<16xi32>, vector<16xi32> -> vector<16xi32>
    %lt3A_878 = arith.constant 0 : i32
    %lt3A_879 = vector.broadcast %lt3A_878 : i32 to vector<16xi32>
    %lt3A_880 = arith.cmpi slt, %and3A_30, %lt3A_879 : vector<16xi32>
    %add3A_881 = arith.constant 16 : i32
    %add3A_882 = vector.broadcast %add3A_881 : i32 to vector<16xi32>
    %add3A_883 = arith.addi %and3A_30, %add3A_882 : vector<16xi32>
    %select_n3A_884 = arith.select %lt3A_880, %add3A_883, %and3A_30 : vector<16xi1>, vector<16xi32>
    %broadcast_in_dim3A_885 = vector.shape_cast %select_n3A_884 : vector<16xi32> to vector<16x1xi32>
    %gather3A_886 = vector.shape_cast %broadcast_in_dim3A_885 : vector<16x1xi32> to vector<16xi32>
    %gather3A_887 = tpu.dynamic_gather %get3A_867[%gather3A_886] in [0] : vector<16xi32>, vector<16xi32> -> vector<16xi32>
    %select_n3A_888 = arith.select %lt3A_35, %gather3A_877, %gather3A_887 : vector<16xi1>, vector<16xi32>
    %lt3A_889 = arith.constant 0 : i32
    %lt3A_890 = vector.broadcast %lt3A_889 : i32 to vector<16xi32>
    %lt3A_891 = arith.cmpi slt, %add3A_33, %lt3A_890 : vector<16xi32>
    %add3A_892 = arith.constant 16 : i32
    %add3A_893 = vector.broadcast %add3A_892 : i32 to vector<16xi32>
    %add3A_894 = arith.addi %add3A_33, %add3A_893 : vector<16xi32>
    %select_n3A_895 = arith.select %lt3A_891, %add3A_894, %add3A_33 : vector<16xi1>, vector<16xi32>
    %broadcast_in_dim3A_896 = vector.shape_cast %select_n3A_895 : vector<16xi32> to vector<16x1xi32>
    %gather3A_897 = vector.shape_cast %broadcast_in_dim3A_896 : vector<16x1xi32> to vector<16xi32>
    %gather3A_898 = tpu.dynamic_gather %get3A_864[%gather3A_897] in [0] : vector<16xi32>, vector<16xi32> -> vector<16xi32>
    %lt3A_899 = arith.constant 0 : i32
    %lt3A_900 = vector.broadcast %lt3A_899 : i32 to vector<16xi32>
    %lt3A_901 = arith.cmpi slt, %add3A_33, %lt3A_900 : vector<16xi32>
    %add3A_902 = arith.constant 16 : i32
    %add3A_903 = vector.broadcast %add3A_902 : i32 to vector<16xi32>
    %add3A_904 = arith.addi %add3A_33, %add3A_903 : vector<16xi32>
    %select_n3A_905 = arith.select %lt3A_901, %add3A_904, %add3A_33 : vector<16xi1>, vector<16xi32>
    %broadcast_in_dim3A_906 = vector.shape_cast %select_n3A_905 : vector<16xi32> to vector<16x1xi32>
    %gather3A_907 = vector.shape_cast %broadcast_in_dim3A_906 : vector<16x1xi32> to vector<16xi32>
    %gather3A_908 = tpu.dynamic_gather %get3A_867[%gather3A_907] in [0] : vector<16xi32>, vector<16xi32> -> vector<16xi32>
    %select_n3A_909 = arith.select %lt3A_35, %gather3A_898, %gather3A_908 : vector<16xi1>, vector<16xi32>
    %swap3A_910 = arith.constant 96 : index
    %swap3A_911 = tpu.vector_load %arg11[%swap3A_910] {strides = array<i32>} : memref<256xi32, #tpu.memory_space<vmem>>, vector<16xi32>,
    %swap3A_912 = vector.shape_cast %swap3A_911 : vector<16xi32> to vector<16xi32>
    %swap3A_913 = vector.shape_cast %select_n3A_888 : vector<16xi32> to vector<16xi32>
    tpu.vector_store %arg11[%swap3A_910], %swap3A_913 {strides = array<i32>} : memref<256xi32, #tpu.memory_space<vmem>>, vector<16xi32>,
    %add3A_914 = arith.constant 500000 : i32
    %add3A_915 = vector.broadcast %add3A_914 : i32 to vector<16xi32>
    %add3A_916 = arith.addi %select_n3A_909, %add3A_915 : vector<16xi32>
    %swap3A_917 = arith.constant 224 : index
    %swap3A_918 = tpu.vector_load %arg11[%swap3A_917] {strides = array<i32>} : memref<256xi32, #tpu.memory_space<vmem>>, vector<16xi32>,
    %swap3A_919 = vector.shape_cast %swap3A_918 : vector<16xi32> to vector<16xi32>
    %swap3A_920 = vector.shape_cast %add3A_916 : vector<16xi32> to vector<16xi32>
    tpu.vector_store %arg11[%swap3A_917], %swap3A_920 {strides = array<i32>} : memref<256xi32, #tpu.memory_space<vmem>>, vector<16xi32>,
    %get3A_921 = arith.constant 224 : index
    %get3A_922 = tpu.vector_load %arg10[%get3A_921] {strides = array<i32>} : memref<256xi32, #tpu.memory_space<vmem>>, vector<16xi32>,
    %get3A_923 = vector.shape_cast %get3A_922 : vector<16xi32> to vector<16xi32>
    %get3A_924 = arith.constant 240 : index
    %get3A_925 = tpu.vector_load %arg10[%get3A_924] {strides = array<i32>} : memref<256xi32, #tpu.memory_space<vmem>>, vector<16xi32>,
    %get3A_926 = vector.shape_cast %get3A_925 : vector<16xi32> to vector<16xi32>
    %lt3A_927 = arith.constant 0 : i32
    %lt3A_928 = vector.broadcast %lt3A_927 : i32 to vector<16xi32>
    %lt3A_929 = arith.cmpi slt, %and3A_30, %lt3A_928 : vector<16xi32>
    %add3A_930 = arith.constant 16 : i32
    %add3A_931 = vector.broadcast %add3A_930 : i32 to vector<16xi32>
    %add3A_932 = arith.addi %and3A_30, %add3A_931 : vector<16xi32>
    %select_n3A_933 = arith.select %lt3A_929, %add3A_932, %and3A_30 : vector<16xi1>, vector<16xi32>
    %broadcast_in_dim3A_934 = vector.shape_cast %select_n3A_933 : vector<16xi32> to vector<16x1xi32>
    %gather3A_935 = vector.shape_cast %broadcast_in_dim3A_934 : vector<16x1xi32> to vector<16xi32>
    %gather3A_936 = tpu.dynamic_gather %get3A_923[%gather3A_935] in [0] : vector<16xi32>, vector<16xi32> -> vector<16xi32>
    %lt3A_937 = arith.constant 0 : i32
    %lt3A_938 = vector.broadcast %lt3A_937 : i32 to vector<16xi32>
    %lt3A_939 = arith.cmpi slt, %and3A_30, %lt3A_938 : vector<16xi32>
    %add3A_940 = arith.constant 16 : i32
    %add3A_941 = vector.broadcast %add3A_940 : i32 to vector<16xi32>
    %add3A_942 = arith.addi %and3A_30, %add3A_941 : vector<16xi32>
    %select_n3A_943 = arith.select %lt3A_939, %add3A_942, %and3A_30 : vector<16xi1>, vector<16xi32>
    %broadcast_in_dim3A_944 = vector.shape_cast %select_n3A_943 : vector<16xi32> to vector<16x1xi32>
    %gather3A_945 = vector.shape_cast %broadcast_in_dim3A_944 : vector<16x1xi32> to vector<16xi32>
    %gather3A_946 = tpu.dynamic_gather %get3A_926[%gather3A_945] in [0] : vector<16xi32>, vector<16xi32> -> vector<16xi32>
    %select_n3A_947 = arith.select %lt3A_35, %gather3A_936, %gather3A_946 : vector<16xi1>, vector<16xi32>
    %lt3A_948 = arith.constant 0 : i32
    %lt3A_949 = vector.broadcast %lt3A_948 : i32 to vector<16xi32>
    %lt3A_950 = arith.cmpi slt, %add3A_33, %lt3A_949 : vector<16xi32>
    %add3A_951 = arith.constant 16 : i32
    %add3A_952 = vector.broadcast %add3A_951 : i32 to vector<16xi32>
    %add3A_953 = arith.addi %add3A_33, %add3A_952 : vector<16xi32>
    %select_n3A_954 = arith.select %lt3A_950, %add3A_953, %add3A_33 : vector<16xi1>, vector<16xi32>
    %broadcast_in_dim3A_955 = vector.shape_cast %select_n3A_954 : vector<16xi32> to vector<16x1xi32>
    %gather3A_956 = vector.shape_cast %broadcast_in_dim3A_955 : vector<16x1xi32> to vector<16xi32>
    %gather3A_957 = tpu.dynamic_gather %get3A_923[%gather3A_956] in [0] : vector<16xi32>, vector<16xi32> -> vector<16xi32>
    %lt3A_958 = arith.constant 0 : i32
    %lt3A_959 = vector.broadcast %lt3A_958 : i32 to vector<16xi32>
    %lt3A_960 = arith.cmpi slt, %add3A_33, %lt3A_959 : vector<16xi32>
    %add3A_961 = arith.constant 16 : i32
    %add3A_962 = vector.broadcast %add3A_961 : i32 to vector<16xi32>
    %add3A_963 = arith.addi %add3A_33, %add3A_962 : vector<16xi32>
    %select_n3A_964 = arith.select %lt3A_960, %add3A_963, %add3A_33 : vector<16xi1>, vector<16xi32>
    %broadcast_in_dim3A_965 = vector.shape_cast %select_n3A_964 : vector<16xi32> to vector<16x1xi32>
    %gather3A_966 = vector.shape_cast %broadcast_in_dim3A_965 : vector<16x1xi32> to vector<16xi32>
    %gather3A_967 = tpu.dynamic_gather %get3A_926[%gather3A_966] in [0] : vector<16xi32>, vector<16xi32> -> vector<16xi32>
    %select_n3A_968 = arith.select %lt3A_35, %gather3A_957, %gather3A_967 : vector<16xi1>, vector<16xi32>
    %swap3A_969 = arith.constant 112 : index
    %swap3A_970 = tpu.vector_load %arg11[%swap3A_969] {strides = array<i32>} : memref<256xi32, #tpu.memory_space<vmem>>, vector<16xi32>,
    %swap3A_971 = vector.shape_cast %swap3A_970 : vector<16xi32> to vector<16xi32>
    %swap3A_972 = vector.shape_cast %select_n3A_947 : vector<16xi32> to vector<16xi32>
    tpu.vector_store %arg11[%swap3A_969], %swap3A_972 {strides = array<i32>} : memref<256xi32, #tpu.memory_space<vmem>>, vector<16xi32>,
    %add3A_973 = arith.constant 500000 : i32
    %add3A_974 = vector.broadcast %add3A_973 : i32 to vector<16xi32>
    %add3A_975 = arith.addi %select_n3A_968, %add3A_974 : vector<16xi32>
    %swap3A_976 = arith.constant 240 : index
    %swap3A_977 = tpu.vector_load %arg11[%swap3A_976] {strides = array<i32>} : memref<256xi32, #tpu.memory_space<vmem>>, vector<16xi32>,
    %swap3A_978 = vector.shape_cast %swap3A_977 : vector<16xi32> to vector<16xi32>
    %swap3A_979 = vector.shape_cast %add3A_975 : vector<16xi32> to vector<16xi32>
    tpu.vector_store %arg11[%swap3A_976], %swap3A_979 {strides = array<i32>} : memref<256xi32, #tpu.memory_space<vmem>>, vector<16xi32>,
    %dma_start3A_980 = arith.constant 0 : i32
    %dma_start3A_981 = tpu.memref_slice %arg3[%dma_start3A_980] : memref<1000000xf32, #tpu.memory_space<hbm>> -> memref<1000000xf32, #tpu.memory_space<hbm>>
    tpu.enqueue_indirect_dma source(%dma_start3A_981 : memref<1000000xf32, #tpu.memory_space<hbm>>) target(%arg12 : memref<256xf32, #tpu.memory_space<vmem>>) offsets(%arg11 : memref<256xi32, #tpu.memory_space<vmem>>) semaphore(%arg24 : memref<!tpu.dma_semaphore, #tpu.memory_space<semaphore_mem>>)
    %dma_wait3A_982 = tpu.memref_slice %arg2[%mul3A_17] : memref<32768xi32, #tpu.memory_space<hbm>> -> memref<256xi32, #tpu.memory_space<hbm>>
    %dma_wait3A_983 = tpu.memref_slice %arg2[%mul3A_17] : memref<32768xi32, #tpu.memory_space<hbm>> -> memref<256xi32, #tpu.memory_space<hbm>>
    tpu.wait_dma2 semaphore(%arg25 : memref<!tpu.dma_semaphore, #tpu.memory_space<semaphore_mem>>) src(%dma_wait3A_983 : memref<256xi32, #tpu.memory_space<hbm>>) dst(%arg14 : memref<256xi32, #tpu.memory_space<vmem>>)
    %get3A_984 = arith.constant 0 : index
    %get3A_985 = tpu.vector_load %arg14[%get3A_984] {strides = array<i32>} : memref<256xi32, #tpu.memory_space<vmem>>, vector<16xi32>,
    %get3A_986 = vector.shape_cast %get3A_985 : vector<16xi32> to vector<16xi32>
    %get3A_987 = arith.constant 16 : index
    %get3A_988 = tpu.vector_load %arg14[%get3A_987] {strides = array<i32>} : memref<256xi32, #tpu.memory_space<vmem>>, vector<16xi32>,
    %get3A_989 = vector.shape_cast %get3A_988 : vector<16xi32> to vector<16xi32>
    %lt3A_990 = arith.constant 0 : i32
    %lt3A_991 = vector.broadcast %lt3A_990 : i32 to vector<16xi32>
    %lt3A_992 = arith.cmpi slt, %and3A_30, %lt3A_991 : vector<16xi32>
    %add3A_993 = arith.constant 16 : i32
    %add3A_994 = vector.broadcast %add3A_993 : i32 to vector<16xi32>
    %add3A_995 = arith.addi %and3A_30, %add3A_994 : vector<16xi32>
    %select_n3A_996 = arith.select %lt3A_992, %add3A_995, %and3A_30 : vector<16xi1>, vector<16xi32>
    %broadcast_in_dim3A_997 = vector.shape_cast %select_n3A_996 : vector<16xi32> to vector<16x1xi32>
    %gather3A_998 = vector.shape_cast %broadcast_in_dim3A_997 : vector<16x1xi32> to vector<16xi32>
    %gather3A_999 = tpu.dynamic_gather %get3A_986[%gather3A_998] in [0] : vector<16xi32>, vector<16xi32> -> vector<16xi32>
    %lt3A_1000 = arith.constant 0 : i32
    %lt3A_1001 = vector.broadcast %lt3A_1000 : i32 to vector<16xi32>
    %lt3A_1002 = arith.cmpi slt, %and3A_30, %lt3A_1001 : vector<16xi32>
    %add3A_1003 = arith.constant 16 : i32
    %add3A_1004 = vector.broadcast %add3A_1003 : i32 to vector<16xi32>
    %add3A_1005 = arith.addi %and3A_30, %add3A_1004 : vector<16xi32>
    %select_n3A_1006 = arith.select %lt3A_1002, %add3A_1005, %and3A_30 : vector<16xi1>, vector<16xi32>
    %broadcast_in_dim3A_1007 = vector.shape_cast %select_n3A_1006 : vector<16xi32> to vector<16x1xi32>
    %gather3A_1008 = vector.shape_cast %broadcast_in_dim3A_1007 : vector<16x1xi32> to vector<16xi32>
    %gather3A_1009 = tpu.dynamic_gather %get3A_989[%gather3A_1008] in [0] : vector<16xi32>, vector<16xi32> -> vector<16xi32>
    %select_n3A_1010 = arith.select %lt3A_35, %gather3A_999, %gather3A_1009 : vector<16xi1>, vector<16xi32>
    %lt3A_1011 = arith.constant 0 : i32
    %lt3A_1012 = vector.broadcast %lt3A_1011 : i32 to vector<16xi32>
    %lt3A_1013 = arith.cmpi slt, %add3A_33, %lt3A_1012 : vector<16xi32>
    %add3A_1014 = arith.constant 16 : i32
    %add3A_1015 = vector.broadcast %add3A_1014 : i32 to vector<16xi32>
    %add3A_1016 = arith.addi %add3A_33, %add3A_1015 : vector<16xi32>
    %select_n3A_1017 = arith.select %lt3A_1013, %add3A_1016, %add3A_33 : vector<16xi1>, vector<16xi32>
    %broadcast_in_dim3A_1018 = vector.shape_cast %select_n3A_1017 : vector<16xi32> to vector<16x1xi32>
    %gather3A_1019 = vector.shape_cast %broadcast_in_dim3A_1018 : vector<16x1xi32> to vector<16xi32>
    %gather3A_1020 = tpu.dynamic_gather %get3A_986[%gather3A_1019] in [0] : vector<16xi32>, vector<16xi32> -> vector<16xi32>
    %lt3A_1021 = arith.constant 0 : i32
    %lt3A_1022 = vector.broadcast %lt3A_1021 : i32 to vector<16xi32>
    %lt3A_1023 = arith.cmpi slt, %add3A_33, %lt3A_1022 : vector<16xi32>
    %add3A_1024 = arith.constant 16 : i32
    %add3A_1025 = vector.broadcast %add3A_1024 : i32 to vector<16xi32>
    %add3A_1026 = arith.addi %add3A_33, %add3A_1025 : vector<16xi32>
    %select_n3A_1027 = arith.select %lt3A_1023, %add3A_1026, %add3A_33 : vector<16xi1>, vector<16xi32>
    %broadcast_in_dim3A_1028 = vector.shape_cast %select_n3A_1027 : vector<16xi32> to vector<16x1xi32>
    %gather3A_1029 = vector.shape_cast %broadcast_in_dim3A_1028 : vector<16x1xi32> to vector<16xi32>
    %gather3A_1030 = tpu.dynamic_gather %get3A_989[%gather3A_1029] in [0] : vector<16xi32>, vector<16xi32> -> vector<16xi32>
    %select_n3A_1031 = arith.select %lt3A_35, %gather3A_1020, %gather3A_1030 : vector<16xi1>, vector<16xi32>
    %swap3A_1032 = arith.constant 0 : index
    %swap3A_1033 = tpu.vector_load %arg15[%swap3A_1032] {strides = array<i32>} : memref<256xi32, #tpu.memory_space<vmem>>, vector<16xi32>,
    %swap3A_1034 = vector.shape_cast %swap3A_1033 : vector<16xi32> to vector<16xi32>
    %swap3A_1035 = vector.shape_cast %select_n3A_1010 : vector<16xi32> to vector<16xi32>
    tpu.vector_store %arg15[%swap3A_1032], %swap3A_1035 {strides = array<i32>} : memref<256xi32, #tpu.memory_space<vmem>>, vector<16xi32>,
    %add3A_1036 = arith.constant 500000 : i32
    %add3A_1037 = vector.broadcast %add3A_1036 : i32 to vector<16xi32>
    %add3A_1038 = arith.addi %select_n3A_1031, %add3A_1037 : vector<16xi32>
    %swap3A_1039 = arith.constant 128 : index
    %swap3A_1040 = tpu.vector_load %arg15[%swap3A_1039] {strides = array<i32>} : memref<256xi32, #tpu.memory_space<vmem>>, vector<16xi32>,
    %swap3A_1041 = vector.shape_cast %swap3A_1040 : vector<16xi32> to vector<16xi32>
    %swap3A_1042 = vector.shape_cast %add3A_1038 : vector<16xi32> to vector<16xi32>
    tpu.vector_store %arg15[%swap3A_1039], %swap3A_1042 {strides = array<i32>} : memref<256xi32, #tpu.memory_space<vmem>>, vector<16xi32>,
    %get3A_1043 = arith.constant 32 : index
    %get3A_1044 = tpu.vector_load %arg14[%get3A_1043] {strides = array<i32>} : memref<256xi32, #tpu.memory_space<vmem>>, vector<16xi32>,
    %get3A_1045 = vector.shape_cast %get3A_1044 : vector<16xi32> to vector<16xi32>
    %get3A_1046 = arith.constant 48 : index
    %get3A_1047 = tpu.vector_load %arg14[%get3A_1046] {strides = array<i32>} : memref<256xi32, #tpu.memory_space<vmem>>, vector<16xi32>,
    %get3A_1048 = vector.shape_cast %get3A_1047 : vector<16xi32> to vector<16xi32>
    %lt3A_1049 = arith.constant 0 : i32
    %lt3A_1050 = vector.broadcast %lt3A_1049 : i32 to vector<16xi32>
    %lt3A_1051 = arith.cmpi slt, %and3A_30, %lt3A_1050 : vector<16xi32>
    %add3A_1052 = arith.constant 16 : i32
    %add3A_1053 = vector.broadcast %add3A_1052 : i32 to vector<16xi32>
    %add3A_1054 = arith.addi %and3A_30, %add3A_1053 : vector<16xi32>
    %select_n3A_1055 = arith.select %lt3A_1051, %add3A_1054, %and3A_30 : vector<16xi1>, vector<16xi32>
    %broadcast_in_dim3A_1056 = vector.shape_cast %select_n3A_1055 : vector<16xi32> to vector<16x1xi32>
    %gather3A_1057 = vector.shape_cast %broadcast_in_dim3A_1056 : vector<16x1xi32> to vector<16xi32>
    %gather3A_1058 = tpu.dynamic_gather %get3A_1045[%gather3A_1057] in [0] : vector<16xi32>, vector<16xi32> -> vector<16xi32>
    %lt3A_1059 = arith.constant 0 : i32
    %lt3A_1060 = vector.broadcast %lt3A_1059 : i32 to vector<16xi32>
    %lt3A_1061 = arith.cmpi slt, %and3A_30, %lt3A_1060 : vector<16xi32>
    %add3A_1062 = arith.constant 16 : i32
    %add3A_1063 = vector.broadcast %add3A_1062 : i32 to vector<16xi32>
    %add3A_1064 = arith.addi %and3A_30, %add3A_1063 : vector<16xi32>
    %select_n3A_1065 = arith.select %lt3A_1061, %add3A_1064, %and3A_30 : vector<16xi1>, vector<16xi32>
    %broadcast_in_dim3A_1066 = vector.shape_cast %select_n3A_1065 : vector<16xi32> to vector<16x1xi32>
    %gather3A_1067 = vector.shape_cast %broadcast_in_dim3A_1066 : vector<16x1xi32> to vector<16xi32>
    %gather3A_1068 = tpu.dynamic_gather %get3A_1048[%gather3A_1067] in [0] : vector<16xi32>, vector<16xi32> -> vector<16xi32>
    %select_n3A_1069 = arith.select %lt3A_35, %gather3A_1058, %gather3A_1068 : vector<16xi1>, vector<16xi32>
    %lt3A_1070 = arith.constant 0 : i32
    %lt3A_1071 = vector.broadcast %lt3A_1070 : i32 to vector<16xi32>
    %lt3A_1072 = arith.cmpi slt, %add3A_33, %lt3A_1071 : vector<16xi32>
    %add3A_1073 = arith.constant 16 : i32
    %add3A_1074 = vector.broadcast %add3A_1073 : i32 to vector<16xi32>
    %add3A_1075 = arith.addi %add3A_33, %add3A_1074 : vector<16xi32>
    %select_n3A_1076 = arith.select %lt3A_1072, %add3A_1075, %add3A_33 : vector<16xi1>, vector<16xi32>
    %broadcast_in_dim3A_1077 = vector.shape_cast %select_n3A_1076 : vector<16xi32> to vector<16x1xi32>
    %gather3A_1078 = vector.shape_cast %broadcast_in_dim3A_1077 : vector<16x1xi32> to vector<16xi32>
    %gather3A_1079 = tpu.dynamic_gather %get3A_1045[%gather3A_1078] in [0] : vector<16xi32>, vector<16xi32> -> vector<16xi32>
    %lt3A_1080 = arith.constant 0 : i32
    %lt3A_1081 = vector.broadcast %lt3A_1080 : i32 to vector<16xi32>
    %lt3A_1082 = arith.cmpi slt, %add3A_33, %lt3A_1081 : vector<16xi32>
    %add3A_1083 = arith.constant 16 : i32
    %add3A_1084 = vector.broadcast %add3A_1083 : i32 to vector<16xi32>
    %add3A_1085 = arith.addi %add3A_33, %add3A_1084 : vector<16xi32>
    %select_n3A_1086 = arith.select %lt3A_1082, %add3A_1085, %add3A_33 : vector<16xi1>, vector<16xi32>
    %broadcast_in_dim3A_1087 = vector.shape_cast %select_n3A_1086 : vector<16xi32> to vector<16x1xi32>
    %gather3A_1088 = vector.shape_cast %broadcast_in_dim3A_1087 : vector<16x1xi32> to vector<16xi32>
    %gather3A_1089 = tpu.dynamic_gather %get3A_1048[%gather3A_1088] in [0] : vector<16xi32>, vector<16xi32> -> vector<16xi32>
    %select_n3A_1090 = arith.select %lt3A_35, %gather3A_1079, %gather3A_1089 : vector<16xi1>, vector<16xi32>
    %swap3A_1091 = arith.constant 16 : index
    %swap3A_1092 = tpu.vector_load %arg15[%swap3A_1091] {strides = array<i32>} : memref<256xi32, #tpu.memory_space<vmem>>, vector<16xi32>,
    %swap3A_1093 = vector.shape_cast %swap3A_1092 : vector<16xi32> to vector<16xi32>
    %swap3A_1094 = vector.shape_cast %select_n3A_1069 : vector<16xi32> to vector<16xi32>
    tpu.vector_store %arg15[%swap3A_1091], %swap3A_1094 {strides = array<i32>} : memref<256xi32, #tpu.memory_space<vmem>>, vector<16xi32>,
    %add3A_1095 = arith.constant 500000 : i32
    %add3A_1096 = vector.broadcast %add3A_1095 : i32 to vector<16xi32>
    %add3A_1097 = arith.addi %select_n3A_1090, %add3A_1096 : vector<16xi32>
    %swap3A_1098 = arith.constant 144 : index
    %swap3A_1099 = tpu.vector_load %arg15[%swap3A_1098] {strides = array<i32>} : memref<256xi32, #tpu.memory_space<vmem>>, vector<16xi32>,
    %swap3A_1100 = vector.shape_cast %swap3A_1099 : vector<16xi32> to vector<16xi32>
    %swap3A_1101 = vector.shape_cast %add3A_1097 : vector<16xi32> to vector<16xi32>
    tpu.vector_store %arg15[%swap3A_1098], %swap3A_1101 {strides = array<i32>} : memref<256xi32, #tpu.memory_space<vmem>>, vector<16xi32>,
    %get3A_1102 = arith.constant 64 : index
    %get3A_1103 = tpu.vector_load %arg14[%get3A_1102] {strides = array<i32>} : memref<256xi32, #tpu.memory_space<vmem>>, vector<16xi32>,
    %get3A_1104 = vector.shape_cast %get3A_1103 : vector<16xi32> to vector<16xi32>
    %get3A_1105 = arith.constant 80 : index
    %get3A_1106 = tpu.vector_load %arg14[%get3A_1105] {strides = array<i32>} : memref<256xi32, #tpu.memory_space<vmem>>, vector<16xi32>,
    %get3A_1107 = vector.shape_cast %get3A_1106 : vector<16xi32> to vector<16xi32>
    %lt3A_1108 = arith.constant 0 : i32
    %lt3A_1109 = vector.broadcast %lt3A_1108 : i32 to vector<16xi32>
    %lt3A_1110 = arith.cmpi slt, %and3A_30, %lt3A_1109 : vector<16xi32>
    %add3A_1111 = arith.constant 16 : i32
    %add3A_1112 = vector.broadcast %add3A_1111 : i32 to vector<16xi32>
    %add3A_1113 = arith.addi %and3A_30, %add3A_1112 : vector<16xi32>
    %select_n3A_1114 = arith.select %lt3A_1110, %add3A_1113, %and3A_30 : vector<16xi1>, vector<16xi32>
    %broadcast_in_dim3A_1115 = vector.shape_cast %select_n3A_1114 : vector<16xi32> to vector<16x1xi32>
    %gather3A_1116 = vector.shape_cast %broadcast_in_dim3A_1115 : vector<16x1xi32> to vector<16xi32>
    %gather3A_1117 = tpu.dynamic_gather %get3A_1104[%gather3A_1116] in [0] : vector<16xi32>, vector<16xi32> -> vector<16xi32>
    %lt3A_1118 = arith.constant 0 : i32
    %lt3A_1119 = vector.broadcast %lt3A_1118 : i32 to vector<16xi32>
    %lt3A_1120 = arith.cmpi slt, %and3A_30, %lt3A_1119 : vector<16xi32>
    %add3A_1121 = arith.constant 16 : i32
    %add3A_1122 = vector.broadcast %add3A_1121 : i32 to vector<16xi32>
    %add3A_1123 = arith.addi %and3A_30, %add3A_1122 : vector<16xi32>
    %select_n3A_1124 = arith.select %lt3A_1120, %add3A_1123, %and3A_30 : vector<16xi1>, vector<16xi32>
    %broadcast_in_dim3A_1125 = vector.shape_cast %select_n3A_1124 : vector<16xi32> to vector<16x1xi32>
    %gather3A_1126 = vector.shape_cast %broadcast_in_dim3A_1125 : vector<16x1xi32> to vector<16xi32>
    %gather3A_1127 = tpu.dynamic_gather %get3A_1107[%gather3A_1126] in [0] : vector<16xi32>, vector<16xi32> -> vector<16xi32>
    %select_n3A_1128 = arith.select %lt3A_35, %gather3A_1117, %gather3A_1127 : vector<16xi1>, vector<16xi32>
    %lt3A_1129 = arith.constant 0 : i32
    %lt3A_1130 = vector.broadcast %lt3A_1129 : i32 to vector<16xi32>
    %lt3A_1131 = arith.cmpi slt, %add3A_33, %lt3A_1130 : vector<16xi32>
    %add3A_1132 = arith.constant 16 : i32
    %add3A_1133 = vector.broadcast %add3A_1132 : i32 to vector<16xi32>
    %add3A_1134 = arith.addi %add3A_33, %add3A_1133 : vector<16xi32>
    %select_n3A_1135 = arith.select %lt3A_1131, %add3A_1134, %add3A_33 : vector<16xi1>, vector<16xi32>
    %broadcast_in_dim3A_1136 = vector.shape_cast %select_n3A_1135 : vector<16xi32> to vector<16x1xi32>
    %gather3A_1137 = vector.shape_cast %broadcast_in_dim3A_1136 : vector<16x1xi32> to vector<16xi32>
    %gather3A_1138 = tpu.dynamic_gather %get3A_1104[%gather3A_1137] in [0] : vector<16xi32>, vector<16xi32> -> vector<16xi32>
    %lt3A_1139 = arith.constant 0 : i32
    %lt3A_1140 = vector.broadcast %lt3A_1139 : i32 to vector<16xi32>
    %lt3A_1141 = arith.cmpi slt, %add3A_33, %lt3A_1140 : vector<16xi32>
    %add3A_1142 = arith.constant 16 : i32
    %add3A_1143 = vector.broadcast %add3A_1142 : i32 to vector<16xi32>
    %add3A_1144 = arith.addi %add3A_33, %add3A_1143 : vector<16xi32>
    %select_n3A_1145 = arith.select %lt3A_1141, %add3A_1144, %add3A_33 : vector<16xi1>, vector<16xi32>
    %broadcast_in_dim3A_1146 = vector.shape_cast %select_n3A_1145 : vector<16xi32> to vector<16x1xi32>
    %gather3A_1147 = vector.shape_cast %broadcast_in_dim3A_1146 : vector<16x1xi32> to vector<16xi32>
    %gather3A_1148 = tpu.dynamic_gather %get3A_1107[%gather3A_1147] in [0] : vector<16xi32>, vector<16xi32> -> vector<16xi32>
    %select_n3A_1149 = arith.select %lt3A_35, %gather3A_1138, %gather3A_1148 : vector<16xi1>, vector<16xi32>
    %swap3A_1150 = arith.constant 32 : index
    %swap3A_1151 = tpu.vector_load %arg15[%swap3A_1150] {strides = array<i32>} : memref<256xi32, #tpu.memory_space<vmem>>, vector<16xi32>,
    %swap3A_1152 = vector.shape_cast %swap3A_1151 : vector<16xi32> to vector<16xi32>
    %swap3A_1153 = vector.shape_cast %select_n3A_1128 : vector<16xi32> to vector<16xi32>
    tpu.vector_store %arg15[%swap3A_1150], %swap3A_1153 {strides = array<i32>} : memref<256xi32, #tpu.memory_space<vmem>>, vector<16xi32>,
    %add3A_1154 = arith.constant 500000 : i32
    %add3A_1155 = vector.broadcast %add3A_1154 : i32 to vector<16xi32>
    %add3A_1156 = arith.addi %select_n3A_1149, %add3A_1155 : vector<16xi32>
    %swap3A_1157 = arith.constant 160 : index
    %swap3A_1158 = tpu.vector_load %arg15[%swap3A_1157] {strides = array<i32>} : memref<256xi32, #tpu.memory_space<vmem>>, vector<16xi32>,
    %swap3A_1159 = vector.shape_cast %swap3A_1158 : vector<16xi32> to vector<16xi32>
    %swap3A_1160 = vector.shape_cast %add3A_1156 : vector<16xi32> to vector<16xi32>
    tpu.vector_store %arg15[%swap3A_1157], %swap3A_1160 {strides = array<i32>} : memref<256xi32, #tpu.memory_space<vmem>>, vector<16xi32>,
    %get3A_1161 = arith.constant 96 : index
    %get3A_1162 = tpu.vector_load %arg14[%get3A_1161] {strides = array<i32>} : memref<256xi32, #tpu.memory_space<vmem>>, vector<16xi32>,
    %get3A_1163 = vector.shape_cast %get3A_1162 : vector<16xi32> to vector<16xi32>
    %get3A_1164 = arith.constant 112 : index
    %get3A_1165 = tpu.vector_load %arg14[%get3A_1164] {strides = array<i32>} : memref<256xi32, #tpu.memory_space<vmem>>, vector<16xi32>,
    %get3A_1166 = vector.shape_cast %get3A_1165 : vector<16xi32> to vector<16xi32>
    %lt3A_1167 = arith.constant 0 : i32
    %lt3A_1168 = vector.broadcast %lt3A_1167 : i32 to vector<16xi32>
    %lt3A_1169 = arith.cmpi slt, %and3A_30, %lt3A_1168 : vector<16xi32>
    %add3A_1170 = arith.constant 16 : i32
    %add3A_1171 = vector.broadcast %add3A_1170 : i32 to vector<16xi32>
    %add3A_1172 = arith.addi %and3A_30, %add3A_1171 : vector<16xi32>
    %select_n3A_1173 = arith.select %lt3A_1169, %add3A_1172, %and3A_30 : vector<16xi1>, vector<16xi32>
    %broadcast_in_dim3A_1174 = vector.shape_cast %select_n3A_1173 : vector<16xi32> to vector<16x1xi32>
    %gather3A_1175 = vector.shape_cast %broadcast_in_dim3A_1174 : vector<16x1xi32> to vector<16xi32>
    %gather3A_1176 = tpu.dynamic_gather %get3A_1163[%gather3A_1175] in [0] : vector<16xi32>, vector<16xi32> -> vector<16xi32>
    %lt3A_1177 = arith.constant 0 : i32
    %lt3A_1178 = vector.broadcast %lt3A_1177 : i32 to vector<16xi32>
    %lt3A_1179 = arith.cmpi slt, %and3A_30, %lt3A_1178 : vector<16xi32>
    %add3A_1180 = arith.constant 16 : i32
    %add3A_1181 = vector.broadcast %add3A_1180 : i32 to vector<16xi32>
    %add3A_1182 = arith.addi %and3A_30, %add3A_1181 : vector<16xi32>
    %select_n3A_1183 = arith.select %lt3A_1179, %add3A_1182, %and3A_30 : vector<16xi1>, vector<16xi32>
    %broadcast_in_dim3A_1184 = vector.shape_cast %select_n3A_1183 : vector<16xi32> to vector<16x1xi32>
    %gather3A_1185 = vector.shape_cast %broadcast_in_dim3A_1184 : vector<16x1xi32> to vector<16xi32>
    %gather3A_1186 = tpu.dynamic_gather %get3A_1166[%gather3A_1185] in [0] : vector<16xi32>, vector<16xi32> -> vector<16xi32>
    %select_n3A_1187 = arith.select %lt3A_35, %gather3A_1176, %gather3A_1186 : vector<16xi1>, vector<16xi32>
    %lt3A_1188 = arith.constant 0 : i32
    %lt3A_1189 = vector.broadcast %lt3A_1188 : i32 to vector<16xi32>
    %lt3A_1190 = arith.cmpi slt, %add3A_33, %lt3A_1189 : vector<16xi32>
    %add3A_1191 = arith.constant 16 : i32
    %add3A_1192 = vector.broadcast %add3A_1191 : i32 to vector<16xi32>
    %add3A_1193 = arith.addi %add3A_33, %add3A_1192 : vector<16xi32>
    %select_n3A_1194 = arith.select %lt3A_1190, %add3A_1193, %add3A_33 : vector<16xi1>, vector<16xi32>
    %broadcast_in_dim3A_1195 = vector.shape_cast %select_n3A_1194 : vector<16xi32> to vector<16x1xi32>
    %gather3A_1196 = vector.shape_cast %broadcast_in_dim3A_1195 : vector<16x1xi32> to vector<16xi32>
    %gather3A_1197 = tpu.dynamic_gather %get3A_1163[%gather3A_1196] in [0] : vector<16xi32>, vector<16xi32> -> vector<16xi32>
    %lt3A_1198 = arith.constant 0 : i32
    %lt3A_1199 = vector.broadcast %lt3A_1198 : i32 to vector<16xi32>
    %lt3A_1200 = arith.cmpi slt, %add3A_33, %lt3A_1199 : vector<16xi32>
    %add3A_1201 = arith.constant 16 : i32
    %add3A_1202 = vector.broadcast %add3A_1201 : i32 to vector<16xi32>
    %add3A_1203 = arith.addi %add3A_33, %add3A_1202 : vector<16xi32>
    %select_n3A_1204 = arith.select %lt3A_1200, %add3A_1203, %add3A_33 : vector<16xi1>, vector<16xi32>
    %broadcast_in_dim3A_1205 = vector.shape_cast %select_n3A_1204 : vector<16xi32> to vector<16x1xi32>
    %gather3A_1206 = vector.shape_cast %broadcast_in_dim3A_1205 : vector<16x1xi32> to vector<16xi32>
    %gather3A_1207 = tpu.dynamic_gather %get3A_1166[%gather3A_1206] in [0] : vector<16xi32>, vector<16xi32> -> vector<16xi32>
    %select_n3A_1208 = arith.select %lt3A_35, %gather3A_1197, %gather3A_1207 : vector<16xi1>, vector<16xi32>
    %swap3A_1209 = arith.constant 48 : index
    %swap3A_1210 = tpu.vector_load %arg15[%swap3A_1209] {strides = array<i32>} : memref<256xi32, #tpu.memory_space<vmem>>, vector<16xi32>,
    %swap3A_1211 = vector.shape_cast %swap3A_1210 : vector<16xi32> to vector<16xi32>
    %swap3A_1212 = vector.shape_cast %select_n3A_1187 : vector<16xi32> to vector<16xi32>
    tpu.vector_store %arg15[%swap3A_1209], %swap3A_1212 {strides = array<i32>} : memref<256xi32, #tpu.memory_space<vmem>>, vector<16xi32>,
    %add3A_1213 = arith.constant 500000 : i32
    %add3A_1214 = vector.broadcast %add3A_1213 : i32 to vector<16xi32>
    %add3A_1215 = arith.addi %select_n3A_1208, %add3A_1214 : vector<16xi32>
    %swap3A_1216 = arith.constant 176 : index
    %swap3A_1217 = tpu.vector_load %arg15[%swap3A_1216] {strides = array<i32>} : memref<256xi32, #tpu.memory_space<vmem>>, vector<16xi32>,
    %swap3A_1218 = vector.shape_cast %swap3A_1217 : vector<16xi32> to vector<16xi32>
    %swap3A_1219 = vector.shape_cast %add3A_1215 : vector<16xi32> to vector<16xi32>
    tpu.vector_store %arg15[%swap3A_1216], %swap3A_1219 {strides = array<i32>} : memref<256xi32, #tpu.memory_space<vmem>>, vector<16xi32>,
    %get3A_1220 = arith.constant 128 : index
    %get3A_1221 = tpu.vector_load %arg14[%get3A_1220] {strides = array<i32>} : memref<256xi32, #tpu.memory_space<vmem>>, vector<16xi32>,
    %get3A_1222 = vector.shape_cast %get3A_1221 : vector<16xi32> to vector<16xi32>
    %get3A_1223 = arith.constant 144 : index
    %get3A_1224 = tpu.vector_load %arg14[%get3A_1223] {strides = array<i32>} : memref<256xi32, #tpu.memory_space<vmem>>, vector<16xi32>,
    %get3A_1225 = vector.shape_cast %get3A_1224 : vector<16xi32> to vector<16xi32>
    %lt3A_1226 = arith.constant 0 : i32
    %lt3A_1227 = vector.broadcast %lt3A_1226 : i32 to vector<16xi32>
    %lt3A_1228 = arith.cmpi slt, %and3A_30, %lt3A_1227 : vector<16xi32>
    %add3A_1229 = arith.constant 16 : i32
    %add3A_1230 = vector.broadcast %add3A_1229 : i32 to vector<16xi32>
    %add3A_1231 = arith.addi %and3A_30, %add3A_1230 : vector<16xi32>
    %select_n3A_1232 = arith.select %lt3A_1228, %add3A_1231, %and3A_30 : vector<16xi1>, vector<16xi32>
    %broadcast_in_dim3A_1233 = vector.shape_cast %select_n3A_1232 : vector<16xi32> to vector<16x1xi32>
    %gather3A_1234 = vector.shape_cast %broadcast_in_dim3A_1233 : vector<16x1xi32> to vector<16xi32>
    %gather3A_1235 = tpu.dynamic_gather %get3A_1222[%gather3A_1234] in [0] : vector<16xi32>, vector<16xi32> -> vector<16xi32>
    %lt3A_1236 = arith.constant 0 : i32
    %lt3A_1237 = vector.broadcast %lt3A_1236 : i32 to vector<16xi32>
    %lt3A_1238 = arith.cmpi slt, %and3A_30, %lt3A_1237 : vector<16xi32>
    %add3A_1239 = arith.constant 16 : i32
    %add3A_1240 = vector.broadcast %add3A_1239 : i32 to vector<16xi32>
    %add3A_1241 = arith.addi %and3A_30, %add3A_1240 : vector<16xi32>
    %select_n3A_1242 = arith.select %lt3A_1238, %add3A_1241, %and3A_30 : vector<16xi1>, vector<16xi32>
    %broadcast_in_dim3A_1243 = vector.shape_cast %select_n3A_1242 : vector<16xi32> to vector<16x1xi32>
    %gather3A_1244 = vector.shape_cast %broadcast_in_dim3A_1243 : vector<16x1xi32> to vector<16xi32>
    %gather3A_1245 = tpu.dynamic_gather %get3A_1225[%gather3A_1244] in [0] : vector<16xi32>, vector<16xi32> -> vector<16xi32>
    %select_n3A_1246 = arith.select %lt3A_35, %gather3A_1235, %gather3A_1245 : vector<16xi1>, vector<16xi32>
    %lt3A_1247 = arith.constant 0 : i32
    %lt3A_1248 = vector.broadcast %lt3A_1247 : i32 to vector<16xi32>
    %lt3A_1249 = arith.cmpi slt, %add3A_33, %lt3A_1248 : vector<16xi32>
    %add3A_1250 = arith.constant 16 : i32
    %add3A_1251 = vector.broadcast %add3A_1250 : i32 to vector<16xi32>
    %add3A_1252 = arith.addi %add3A_33, %add3A_1251 : vector<16xi32>
    %select_n3A_1253 = arith.select %lt3A_1249, %add3A_1252, %add3A_33 : vector<16xi1>, vector<16xi32>
    %broadcast_in_dim3A_1254 = vector.shape_cast %select_n3A_1253 : vector<16xi32> to vector<16x1xi32>
    %gather3A_1255 = vector.shape_cast %broadcast_in_dim3A_1254 : vector<16x1xi32> to vector<16xi32>
    %gather3A_1256 = tpu.dynamic_gather %get3A_1222[%gather3A_1255] in [0] : vector<16xi32>, vector<16xi32> -> vector<16xi32>
    %lt3A_1257 = arith.constant 0 : i32
    %lt3A_1258 = vector.broadcast %lt3A_1257 : i32 to vector<16xi32>
    %lt3A_1259 = arith.cmpi slt, %add3A_33, %lt3A_1258 : vector<16xi32>
    %add3A_1260 = arith.constant 16 : i32
    %add3A_1261 = vector.broadcast %add3A_1260 : i32 to vector<16xi32>
    %add3A_1262 = arith.addi %add3A_33, %add3A_1261 : vector<16xi32>
    %select_n3A_1263 = arith.select %lt3A_1259, %add3A_1262, %add3A_33 : vector<16xi1>, vector<16xi32>
    %broadcast_in_dim3A_1264 = vector.shape_cast %select_n3A_1263 : vector<16xi32> to vector<16x1xi32>
    %gather3A_1265 = vector.shape_cast %broadcast_in_dim3A_1264 : vector<16x1xi32> to vector<16xi32>
    %gather3A_1266 = tpu.dynamic_gather %get3A_1225[%gather3A_1265] in [0] : vector<16xi32>, vector<16xi32> -> vector<16xi32>
    %select_n3A_1267 = arith.select %lt3A_35, %gather3A_1256, %gather3A_1266 : vector<16xi1>, vector<16xi32>
    %swap3A_1268 = arith.constant 64 : index
    %swap3A_1269 = tpu.vector_load %arg15[%swap3A_1268] {strides = array<i32>} : memref<256xi32, #tpu.memory_space<vmem>>, vector<16xi32>,
    %swap3A_1270 = vector.shape_cast %swap3A_1269 : vector<16xi32> to vector<16xi32>
    %swap3A_1271 = vector.shape_cast %select_n3A_1246 : vector<16xi32> to vector<16xi32>
    tpu.vector_store %arg15[%swap3A_1268], %swap3A_1271 {strides = array<i32>} : memref<256xi32, #tpu.memory_space<vmem>>, vector<16xi32>,
    %add3A_1272 = arith.constant 500000 : i32
    %add3A_1273 = vector.broadcast %add3A_1272 : i32 to vector<16xi32>
    %add3A_1274 = arith.addi %select_n3A_1267, %add3A_1273 : vector<16xi32>
    %swap3A_1275 = arith.constant 192 : index
    %swap3A_1276 = tpu.vector_load %arg15[%swap3A_1275] {strides = array<i32>} : memref<256xi32, #tpu.memory_space<vmem>>, vector<16xi32>,
    %swap3A_1277 = vector.shape_cast %swap3A_1276 : vector<16xi32> to vector<16xi32>
    %swap3A_1278 = vector.shape_cast %add3A_1274 : vector<16xi32> to vector<16xi32>
    tpu.vector_store %arg15[%swap3A_1275], %swap3A_1278 {strides = array<i32>} : memref<256xi32, #tpu.memory_space<vmem>>, vector<16xi32>,
    %get3A_1279 = arith.constant 160 : index
    %get3A_1280 = tpu.vector_load %arg14[%get3A_1279] {strides = array<i32>} : memref<256xi32, #tpu.memory_space<vmem>>, vector<16xi32>,
    %get3A_1281 = vector.shape_cast %get3A_1280 : vector<16xi32> to vector<16xi32>
    %get3A_1282 = arith.constant 176 : index
    %get3A_1283 = tpu.vector_load %arg14[%get3A_1282] {strides = array<i32>} : memref<256xi32, #tpu.memory_space<vmem>>, vector<16xi32>,
    %get3A_1284 = vector.shape_cast %get3A_1283 : vector<16xi32> to vector<16xi32>
    %lt3A_1285 = arith.constant 0 : i32
    %lt3A_1286 = vector.broadcast %lt3A_1285 : i32 to vector<16xi32>
    %lt3A_1287 = arith.cmpi slt, %and3A_30, %lt3A_1286 : vector<16xi32>
    %add3A_1288 = arith.constant 16 : i32
    %add3A_1289 = vector.broadcast %add3A_1288 : i32 to vector<16xi32>
    %add3A_1290 = arith.addi %and3A_30, %add3A_1289 : vector<16xi32>
    %select_n3A_1291 = arith.select %lt3A_1287, %add3A_1290, %and3A_30 : vector<16xi1>, vector<16xi32>
    %broadcast_in_dim3A_1292 = vector.shape_cast %select_n3A_1291 : vector<16xi32> to vector<16x1xi32>
    %gather3A_1293 = vector.shape_cast %broadcast_in_dim3A_1292 : vector<16x1xi32> to vector<16xi32>
    %gather3A_1294 = tpu.dynamic_gather %get3A_1281[%gather3A_1293] in [0] : vector<16xi32>, vector<16xi32> -> vector<16xi32>
    %lt3A_1295 = arith.constant 0 : i32
    %lt3A_1296 = vector.broadcast %lt3A_1295 : i32 to vector<16xi32>
    %lt3A_1297 = arith.cmpi slt, %and3A_30, %lt3A_1296 : vector<16xi32>
    %add3A_1298 = arith.constant 16 : i32
    %add3A_1299 = vector.broadcast %add3A_1298 : i32 to vector<16xi32>
    %add3A_1300 = arith.addi %and3A_30, %add3A_1299 : vector<16xi32>
    %select_n3A_1301 = arith.select %lt3A_1297, %add3A_1300, %and3A_30 : vector<16xi1>, vector<16xi32>
    %broadcast_in_dim3A_1302 = vector.shape_cast %select_n3A_1301 : vector<16xi32> to vector<16x1xi32>
    %gather3A_1303 = vector.shape_cast %broadcast_in_dim3A_1302 : vector<16x1xi32> to vector<16xi32>
    %gather3A_1304 = tpu.dynamic_gather %get3A_1284[%gather3A_1303] in [0] : vector<16xi32>, vector<16xi32> -> vector<16xi32>
    %select_n3A_1305 = arith.select %lt3A_35, %gather3A_1294, %gather3A_1304 : vector<16xi1>, vector<16xi32>
    %lt3A_1306 = arith.constant 0 : i32
    %lt3A_1307 = vector.broadcast %lt3A_1306 : i32 to vector<16xi32>
    %lt3A_1308 = arith.cmpi slt, %add3A_33, %lt3A_1307 : vector<16xi32>
    %add3A_1309 = arith.constant 16 : i32
    %add3A_1310 = vector.broadcast %add3A_1309 : i32 to vector<16xi32>
    %add3A_1311 = arith.addi %add3A_33, %add3A_1310 : vector<16xi32>
    %select_n3A_1312 = arith.select %lt3A_1308, %add3A_1311, %add3A_33 : vector<16xi1>, vector<16xi32>
    %broadcast_in_dim3A_1313 = vector.shape_cast %select_n3A_1312 : vector<16xi32> to vector<16x1xi32>
    %gather3A_1314 = vector.shape_cast %broadcast_in_dim3A_1313 : vector<16x1xi32> to vector<16xi32>
    %gather3A_1315 = tpu.dynamic_gather %get3A_1281[%gather3A_1314] in [0] : vector<16xi32>, vector<16xi32> -> vector<16xi32>
    %lt3A_1316 = arith.constant 0 : i32
    %lt3A_1317 = vector.broadcast %lt3A_1316 : i32 to vector<16xi32>
    %lt3A_1318 = arith.cmpi slt, %add3A_33, %lt3A_1317 : vector<16xi32>
    %add3A_1319 = arith.constant 16 : i32
    %add3A_1320 = vector.broadcast %add3A_1319 : i32 to vector<16xi32>
    %add3A_1321 = arith.addi %add3A_33, %add3A_1320 : vector<16xi32>
    %select_n3A_1322 = arith.select %lt3A_1318, %add3A_1321, %add3A_33 : vector<16xi1>, vector<16xi32>
    %broadcast_in_dim3A_1323 = vector.shape_cast %select_n3A_1322 : vector<16xi32> to vector<16x1xi32>
    %gather3A_1324 = vector.shape_cast %broadcast_in_dim3A_1323 : vector<16x1xi32> to vector<16xi32>
    %gather3A_1325 = tpu.dynamic_gather %get3A_1284[%gather3A_1324] in [0] : vector<16xi32>, vector<16xi32> -> vector<16xi32>
    %select_n3A_1326 = arith.select %lt3A_35, %gather3A_1315, %gather3A_1325 : vector<16xi1>, vector<16xi32>
    %swap3A_1327 = arith.constant 80 : index
    %swap3A_1328 = tpu.vector_load %arg15[%swap3A_1327] {strides = array<i32>} : memref<256xi32, #tpu.memory_space<vmem>>, vector<16xi32>,
    %swap3A_1329 = vector.shape_cast %swap3A_1328 : vector<16xi32> to vector<16xi32>
    %swap3A_1330 = vector.shape_cast %select_n3A_1305 : vector<16xi32> to vector<16xi32>
    tpu.vector_store %arg15[%swap3A_1327], %swap3A_1330 {strides = array<i32>} : memref<256xi32, #tpu.memory_space<vmem>>, vector<16xi32>,
    %add3A_1331 = arith.constant 500000 : i32
    %add3A_1332 = vector.broadcast %add3A_1331 : i32 to vector<16xi32>
    %add3A_1333 = arith.addi %select_n3A_1326, %add3A_1332 : vector<16xi32>
    %swap3A_1334 = arith.constant 208 : index
    %swap3A_1335 = tpu.vector_load %arg15[%swap3A_1334] {strides = array<i32>} : memref<256xi32, #tpu.memory_space<vmem>>, vector<16xi32>,
    %swap3A_1336 = vector.shape_cast %swap3A_1335 : vector<16xi32> to vector<16xi32>
    %swap3A_1337 = vector.shape_cast %add3A_1333 : vector<16xi32> to vector<16xi32>
    tpu.vector_store %arg15[%swap3A_1334], %swap3A_1337 {strides = array<i32>} : memref<256xi32, #tpu.memory_space<vmem>>, vector<16xi32>,
    %get3A_1338 = arith.constant 192 : index
    %get3A_1339 = tpu.vector_load %arg14[%get3A_1338] {strides = array<i32>} : memref<256xi32, #tpu.memory_space<vmem>>, vector<16xi32>,
    %get3A_1340 = vector.shape_cast %get3A_1339 : vector<16xi32> to vector<16xi32>
    %get3A_1341 = arith.constant 208 : index
    %get3A_1342 = tpu.vector_load %arg14[%get3A_1341] {strides = array<i32>} : memref<256xi32, #tpu.memory_space<vmem>>, vector<16xi32>,
    %get3A_1343 = vector.shape_cast %get3A_1342 : vector<16xi32> to vector<16xi32>
    %lt3A_1344 = arith.constant 0 : i32
    %lt3A_1345 = vector.broadcast %lt3A_1344 : i32 to vector<16xi32>
    %lt3A_1346 = arith.cmpi slt, %and3A_30, %lt3A_1345 : vector<16xi32>
    %add3A_1347 = arith.constant 16 : i32
    %add3A_1348 = vector.broadcast %add3A_1347 : i32 to vector<16xi32>
    %add3A_1349 = arith.addi %and3A_30, %add3A_1348 : vector<16xi32>
    %select_n3A_1350 = arith.select %lt3A_1346, %add3A_1349, %and3A_30 : vector<16xi1>, vector<16xi32>
    %broadcast_in_dim3A_1351 = vector.shape_cast %select_n3A_1350 : vector<16xi32> to vector<16x1xi32>
    %gather3A_1352 = vector.shape_cast %broadcast_in_dim3A_1351 : vector<16x1xi32> to vector<16xi32>
    %gather3A_1353 = tpu.dynamic_gather %get3A_1340[%gather3A_1352] in [0] : vector<16xi32>, vector<16xi32> -> vector<16xi32>
    %lt3A_1354 = arith.constant 0 : i32
    %lt3A_1355 = vector.broadcast %lt3A_1354 : i32 to vector<16xi32>
    %lt3A_1356 = arith.cmpi slt, %and3A_30, %lt3A_1355 : vector<16xi32>
    %add3A_1357 = arith.constant 16 : i32
    %add3A_1358 = vector.broadcast %add3A_1357 : i32 to vector<16xi32>
    %add3A_1359 = arith.addi %and3A_30, %add3A_1358 : vector<16xi32>
    %select_n3A_1360 = arith.select %lt3A_1356, %add3A_1359, %and3A_30 : vector<16xi1>, vector<16xi32>
    %broadcast_in_dim3A_1361 = vector.shape_cast %select_n3A_1360 : vector<16xi32> to vector<16x1xi32>
    %gather3A_1362 = vector.shape_cast %broadcast_in_dim3A_1361 : vector<16x1xi32> to vector<16xi32>
    %gather3A_1363 = tpu.dynamic_gather %get3A_1343[%gather3A_1362] in [0] : vector<16xi32>, vector<16xi32> -> vector<16xi32>
    %select_n3A_1364 = arith.select %lt3A_35, %gather3A_1353, %gather3A_1363 : vector<16xi1>, vector<16xi32>
    %lt3A_1365 = arith.constant 0 : i32
    %lt3A_1366 = vector.broadcast %lt3A_1365 : i32 to vector<16xi32>
    %lt3A_1367 = arith.cmpi slt, %add3A_33, %lt3A_1366 : vector<16xi32>
    %add3A_1368 = arith.constant 16 : i32
    %add3A_1369 = vector.broadcast %add3A_1368 : i32 to vector<16xi32>
    %add3A_1370 = arith.addi %add3A_33, %add3A_1369 : vector<16xi32>
    %select_n3A_1371 = arith.select %lt3A_1367, %add3A_1370, %add3A_33 : vector<16xi1>, vector<16xi32>
    %broadcast_in_dim3A_1372 = vector.shape_cast %select_n3A_1371 : vector<16xi32> to vector<16x1xi32>
    %gather3A_1373 = vector.shape_cast %broadcast_in_dim3A_1372 : vector<16x1xi32> to vector<16xi32>
    %gather3A_1374 = tpu.dynamic_gather %get3A_1340[%gather3A_1373] in [0] : vector<16xi32>, vector<16xi32> -> vector<16xi32>
    %lt3A_1375 = arith.constant 0 : i32
    %lt3A_1376 = vector.broadcast %lt3A_1375 : i32 to vector<16xi32>
    %lt3A_1377 = arith.cmpi slt, %add3A_33, %lt3A_1376 : vector<16xi32>
    %add3A_1378 = arith.constant 16 : i32
    %add3A_1379 = vector.broadcast %add3A_1378 : i32 to vector<16xi32>
    %add3A_1380 = arith.addi %add3A_33, %add3A_1379 : vector<16xi32>
    %select_n3A_1381 = arith.select %lt3A_1377, %add3A_1380, %add3A_33 : vector<16xi1>, vector<16xi32>
    %broadcast_in_dim3A_1382 = vector.shape_cast %select_n3A_1381 : vector<16xi32> to vector<16x1xi32>
    %gather3A_1383 = vector.shape_cast %broadcast_in_dim3A_1382 : vector<16x1xi32> to vector<16xi32>
    %gather3A_1384 = tpu.dynamic_gather %get3A_1343[%gather3A_1383] in [0] : vector<16xi32>, vector<16xi32> -> vector<16xi32>
    %select_n3A_1385 = arith.select %lt3A_35, %gather3A_1374, %gather3A_1384 : vector<16xi1>, vector<16xi32>
    %swap3A_1386 = arith.constant 96 : index
    %swap3A_1387 = tpu.vector_load %arg15[%swap3A_1386] {strides = array<i32>} : memref<256xi32, #tpu.memory_space<vmem>>, vector<16xi32>,
    %swap3A_1388 = vector.shape_cast %swap3A_1387 : vector<16xi32> to vector<16xi32>
    %swap3A_1389 = vector.shape_cast %select_n3A_1364 : vector<16xi32> to vector<16xi32>
    tpu.vector_store %arg15[%swap3A_1386], %swap3A_1389 {strides = array<i32>} : memref<256xi32, #tpu.memory_space<vmem>>, vector<16xi32>,
    %add3A_1390 = arith.constant 500000 : i32
    %add3A_1391 = vector.broadcast %add3A_1390 : i32 to vector<16xi32>
    %add3A_1392 = arith.addi %select_n3A_1385, %add3A_1391 : vector<16xi32>
    %swap3A_1393 = arith.constant 224 : index
    %swap3A_1394 = tpu.vector_load %arg15[%swap3A_1393] {strides = array<i32>} : memref<256xi32, #tpu.memory_space<vmem>>, vector<16xi32>,
    %swap3A_1395 = vector.shape_cast %swap3A_1394 : vector<16xi32> to vector<16xi32>
    %swap3A_1396 = vector.shape_cast %add3A_1392 : vector<16xi32> to vector<16xi32>
    tpu.vector_store %arg15[%swap3A_1393], %swap3A_1396 {strides = array<i32>} : memref<256xi32, #tpu.memory_space<vmem>>, vector<16xi32>,
    %get3A_1397 = arith.constant 224 : index
    %get3A_1398 = tpu.vector_load %arg14[%get3A_1397] {strides = array<i32>} : memref<256xi32, #tpu.memory_space<vmem>>, vector<16xi32>,
    %get3A_1399 = vector.shape_cast %get3A_1398 : vector<16xi32> to vector<16xi32>
    %get3A_1400 = arith.constant 240 : index
    %get3A_1401 = tpu.vector_load %arg14[%get3A_1400] {strides = array<i32>} : memref<256xi32, #tpu.memory_space<vmem>>, vector<16xi32>,
    %get3A_1402 = vector.shape_cast %get3A_1401 : vector<16xi32> to vector<16xi32>
    %lt3A_1403 = arith.constant 0 : i32
    %lt3A_1404 = vector.broadcast %lt3A_1403 : i32 to vector<16xi32>
    %lt3A_1405 = arith.cmpi slt, %and3A_30, %lt3A_1404 : vector<16xi32>
    %add3A_1406 = arith.constant 16 : i32
    %add3A_1407 = vector.broadcast %add3A_1406 : i32 to vector<16xi32>
    %add3A_1408 = arith.addi %and3A_30, %add3A_1407 : vector<16xi32>
    %select_n3A_1409 = arith.select %lt3A_1405, %add3A_1408, %and3A_30 : vector<16xi1>, vector<16xi32>
    %broadcast_in_dim3A_1410 = vector.shape_cast %select_n3A_1409 : vector<16xi32> to vector<16x1xi32>
    %gather3A_1411 = vector.shape_cast %broadcast_in_dim3A_1410 : vector<16x1xi32> to vector<16xi32>
    %gather3A_1412 = tpu.dynamic_gather %get3A_1399[%gather3A_1411] in [0] : vector<16xi32>, vector<16xi32> -> vector<16xi32>
    %lt3A_1413 = arith.constant 0 : i32
    %lt3A_1414 = vector.broadcast %lt3A_1413 : i32 to vector<16xi32>
    %lt3A_1415 = arith.cmpi slt, %and3A_30, %lt3A_1414 : vector<16xi32>
    %add3A_1416 = arith.constant 16 : i32
    %add3A_1417 = vector.broadcast %add3A_1416 : i32 to vector<16xi32>
    %add3A_1418 = arith.addi %and3A_30, %add3A_1417 : vector<16xi32>
    %select_n3A_1419 = arith.select %lt3A_1415, %add3A_1418, %and3A_30 : vector<16xi1>, vector<16xi32>
    %broadcast_in_dim3A_1420 = vector.shape_cast %select_n3A_1419 : vector<16xi32> to vector<16x1xi32>
    %gather3A_1421 = vector.shape_cast %broadcast_in_dim3A_1420 : vector<16x1xi32> to vector<16xi32>
    %gather3A_1422 = tpu.dynamic_gather %get3A_1402[%gather3A_1421] in [0] : vector<16xi32>, vector<16xi32> -> vector<16xi32>
    %select_n3A_1423 = arith.select %lt3A_35, %gather3A_1412, %gather3A_1422 : vector<16xi1>, vector<16xi32>
    %lt3A_1424 = arith.constant 0 : i32
    %lt3A_1425 = vector.broadcast %lt3A_1424 : i32 to vector<16xi32>
    %lt3A_1426 = arith.cmpi slt, %add3A_33, %lt3A_1425 : vector<16xi32>
    %add3A_1427 = arith.constant 16 : i32
    %add3A_1428 = vector.broadcast %add3A_1427 : i32 to vector<16xi32>
    %add3A_1429 = arith.addi %add3A_33, %add3A_1428 : vector<16xi32>
    %select_n3A_1430 = arith.select %lt3A_1426, %add3A_1429, %add3A_33 : vector<16xi1>, vector<16xi32>
    %broadcast_in_dim3A_1431 = vector.shape_cast %select_n3A_1430 : vector<16xi32> to vector<16x1xi32>
    %gather3A_1432 = vector.shape_cast %broadcast_in_dim3A_1431 : vector<16x1xi32> to vector<16xi32>
    %gather3A_1433 = tpu.dynamic_gather %get3A_1399[%gather3A_1432] in [0] : vector<16xi32>, vector<16xi32> -> vector<16xi32>
    %lt3A_1434 = arith.constant 0 : i32
    %lt3A_1435 = vector.broadcast %lt3A_1434 : i32 to vector<16xi32>
    %lt3A_1436 = arith.cmpi slt, %add3A_33, %lt3A_1435 : vector<16xi32>
    %add3A_1437 = arith.constant 16 : i32
    %add3A_1438 = vector.broadcast %add3A_1437 : i32 to vector<16xi32>
    %add3A_1439 = arith.addi %add3A_33, %add3A_1438 : vector<16xi32>
    %select_n3A_1440 = arith.select %lt3A_1436, %add3A_1439, %add3A_33 : vector<16xi1>, vector<16xi32>
    %broadcast_in_dim3A_1441 = vector.shape_cast %select_n3A_1440 : vector<16xi32> to vector<16x1xi32>
    %gather3A_1442 = vector.shape_cast %broadcast_in_dim3A_1441 : vector<16x1xi32> to vector<16xi32>
    %gather3A_1443 = tpu.dynamic_gather %get3A_1402[%gather3A_1442] in [0] : vector<16xi32>, vector<16xi32> -> vector<16xi32>
    %select_n3A_1444 = arith.select %lt3A_35, %gather3A_1433, %gather3A_1443 : vector<16xi1>, vector<16xi32>
    %swap3A_1445 = arith.constant 112 : index
    %swap3A_1446 = tpu.vector_load %arg15[%swap3A_1445] {strides = array<i32>} : memref<256xi32, #tpu.memory_space<vmem>>, vector<16xi32>,
    %swap3A_1447 = vector.shape_cast %swap3A_1446 : vector<16xi32> to vector<16xi32>
    %swap3A_1448 = vector.shape_cast %select_n3A_1423 : vector<16xi32> to vector<16xi32>
    tpu.vector_store %arg15[%swap3A_1445], %swap3A_1448 {strides = array<i32>} : memref<256xi32, #tpu.memory_space<vmem>>, vector<16xi32>,
    %add3A_1449 = arith.constant 500000 : i32
    %add3A_1450 = vector.broadcast %add3A_1449 : i32 to vector<16xi32>
    %add3A_1451 = arith.addi %select_n3A_1444, %add3A_1450 : vector<16xi32>
    %swap3A_1452 = arith.constant 240 : index
    %swap3A_1453 = tpu.vector_load %arg15[%swap3A_1452] {strides = array<i32>} : memref<256xi32, #tpu.memory_space<vmem>>, vector<16xi32>,
    %swap3A_1454 = vector.shape_cast %swap3A_1453 : vector<16xi32> to vector<16xi32>
    %swap3A_1455 = vector.shape_cast %add3A_1451 : vector<16xi32> to vector<16xi32>
    tpu.vector_store %arg15[%swap3A_1452], %swap3A_1455 {strides = array<i32>} : memref<256xi32, #tpu.memory_space<vmem>>, vector<16xi32>,
    %dma_start3A_1456 = arith.constant 0 : i32
    %dma_start3A_1457 = tpu.memref_slice %arg3[%dma_start3A_1456] : memref<1000000xf32, #tpu.memory_space<hbm>> -> memref<1000000xf32, #tpu.memory_space<hbm>>
    tpu.enqueue_indirect_dma source(%dma_start3A_1457 : memref<1000000xf32, #tpu.memory_space<hbm>>) target(%arg16 : memref<256xf32, #tpu.memory_space<vmem>>) offsets(%arg15 : memref<256xi32, #tpu.memory_space<vmem>>) semaphore(%arg25 : memref<!tpu.dma_semaphore, #tpu.memory_space<semaphore_mem>>)
    %dma_wait3A_1458 = tpu.memref_slice %arg2[%mul3A_23] : memref<32768xi32, #tpu.memory_space<hbm>> -> memref<256xi32, #tpu.memory_space<hbm>>
    %dma_wait3A_1459 = tpu.memref_slice %arg2[%mul3A_23] : memref<32768xi32, #tpu.memory_space<hbm>> -> memref<256xi32, #tpu.memory_space<hbm>>
    tpu.wait_dma2 semaphore(%arg26 : memref<!tpu.dma_semaphore, #tpu.memory_space<semaphore_mem>>) src(%dma_wait3A_1459 : memref<256xi32, #tpu.memory_space<hbm>>) dst(%arg18 : memref<256xi32, #tpu.memory_space<vmem>>)
    %get3A_1460 = arith.constant 0 : index
    %get3A_1461 = tpu.vector_load %arg18[%get3A_1460] {strides = array<i32>} : memref<256xi32, #tpu.memory_space<vmem>>, vector<16xi32>,
    %get3A_1462 = vector.shape_cast %get3A_1461 : vector<16xi32> to vector<16xi32>
    %get3A_1463 = arith.constant 16 : index
    %get3A_1464 = tpu.vector_load %arg18[%get3A_1463] {strides = array<i32>} : memref<256xi32, #tpu.memory_space<vmem>>, vector<16xi32>,
    %get3A_1465 = vector.shape_cast %get3A_1464 : vector<16xi32> to vector<16xi32>
    %lt3A_1466 = arith.constant 0 : i32
    %lt3A_1467 = vector.broadcast %lt3A_1466 : i32 to vector<16xi32>
    %lt3A_1468 = arith.cmpi slt, %and3A_30, %lt3A_1467 : vector<16xi32>
    %add3A_1469 = arith.constant 16 : i32
    %add3A_1470 = vector.broadcast %add3A_1469 : i32 to vector<16xi32>
    %add3A_1471 = arith.addi %and3A_30, %add3A_1470 : vector<16xi32>
    %select_n3A_1472 = arith.select %lt3A_1468, %add3A_1471, %and3A_30 : vector<16xi1>, vector<16xi32>
    %broadcast_in_dim3A_1473 = vector.shape_cast %select_n3A_1472 : vector<16xi32> to vector<16x1xi32>
    %gather3A_1474 = vector.shape_cast %broadcast_in_dim3A_1473 : vector<16x1xi32> to vector<16xi32>
    %gather3A_1475 = tpu.dynamic_gather %get3A_1462[%gather3A_1474] in [0] : vector<16xi32>, vector<16xi32> -> vector<16xi32>
    %lt3A_1476 = arith.constant 0 : i32
    %lt3A_1477 = vector.broadcast %lt3A_1476 : i32 to vector<16xi32>
    %lt3A_1478 = arith.cmpi slt, %and3A_30, %lt3A_1477 : vector<16xi32>
    %add3A_1479 = arith.constant 16 : i32
    %add3A_1480 = vector.broadcast %add3A_1479 : i32 to vector<16xi32>
    %add3A_1481 = arith.addi %and3A_30, %add3A_1480 : vector<16xi32>
    %select_n3A_1482 = arith.select %lt3A_1478, %add3A_1481, %and3A_30 : vector<16xi1>, vector<16xi32>
    %broadcast_in_dim3A_1483 = vector.shape_cast %select_n3A_1482 : vector<16xi32> to vector<16x1xi32>
    %gather3A_1484 = vector.shape_cast %broadcast_in_dim3A_1483 : vector<16x1xi32> to vector<16xi32>
    %gather3A_1485 = tpu.dynamic_gather %get3A_1465[%gather3A_1484] in [0] : vector<16xi32>, vector<16xi32> -> vector<16xi32>
    %select_n3A_1486 = arith.select %lt3A_35, %gather3A_1475, %gather3A_1485 : vector<16xi1>, vector<16xi32>
    %lt3A_1487 = arith.constant 0 : i32
    %lt3A_1488 = vector.broadcast %lt3A_1487 : i32 to vector<16xi32>
    %lt3A_1489 = arith.cmpi slt, %add3A_33, %lt3A_1488 : vector<16xi32>
    %add3A_1490 = arith.constant 16 : i32
    %add3A_1491 = vector.broadcast %add3A_1490 : i32 to vector<16xi32>
    %add3A_1492 = arith.addi %add3A_33, %add3A_1491 : vector<16xi32>
    %select_n3A_1493 = arith.select %lt3A_1489, %add3A_1492, %add3A_33 : vector<16xi1>, vector<16xi32>
    %broadcast_in_dim3A_1494 = vector.shape_cast %select_n3A_1493 : vector<16xi32> to vector<16x1xi32>
    %gather3A_1495 = vector.shape_cast %broadcast_in_dim3A_1494 : vector<16x1xi32> to vector<16xi32>
    %gather3A_1496 = tpu.dynamic_gather %get3A_1462[%gather3A_1495] in [0] : vector<16xi32>, vector<16xi32> -> vector<16xi32>
    %lt3A_1497 = arith.constant 0 : i32
    %lt3A_1498 = vector.broadcast %lt3A_1497 : i32 to vector<16xi32>
    %lt3A_1499 = arith.cmpi slt, %add3A_33, %lt3A_1498 : vector<16xi32>
    %add3A_1500 = arith.constant 16 : i32
    %add3A_1501 = vector.broadcast %add3A_1500 : i32 to vector<16xi32>
    %add3A_1502 = arith.addi %add3A_33, %add3A_1501 : vector<16xi32>
    %select_n3A_1503 = arith.select %lt3A_1499, %add3A_1502, %add3A_33 : vector<16xi1>, vector<16xi32>
    %broadcast_in_dim3A_1504 = vector.shape_cast %select_n3A_1503 : vector<16xi32> to vector<16x1xi32>
    %gather3A_1505 = vector.shape_cast %broadcast_in_dim3A_1504 : vector<16x1xi32> to vector<16xi32>
    %gather3A_1506 = tpu.dynamic_gather %get3A_1465[%gather3A_1505] in [0] : vector<16xi32>, vector<16xi32> -> vector<16xi32>
    %select_n3A_1507 = arith.select %lt3A_35, %gather3A_1496, %gather3A_1506 : vector<16xi1>, vector<16xi32>
    %swap3A_1508 = arith.constant 0 : index
    %swap3A_1509 = tpu.vector_load %arg19[%swap3A_1508] {strides = array<i32>} : memref<256xi32, #tpu.memory_space<vmem>>, vector<16xi32>,
    %swap3A_1510 = vector.shape_cast %swap3A_1509 : vector<16xi32> to vector<16xi32>
    %swap3A_1511 = vector.shape_cast %select_n3A_1486 : vector<16xi32> to vector<16xi32>
    tpu.vector_store %arg19[%swap3A_1508], %swap3A_1511 {strides = array<i32>} : memref<256xi32, #tpu.memory_space<vmem>>, vector<16xi32>,
    %add3A_1512 = arith.constant 500000 : i32
    %add3A_1513 = vector.broadcast %add3A_1512 : i32 to vector<16xi32>
    %add3A_1514 = arith.addi %select_n3A_1507, %add3A_1513 : vector<16xi32>
    %swap3A_1515 = arith.constant 128 : index
    %swap3A_1516 = tpu.vector_load %arg19[%swap3A_1515] {strides = array<i32>} : memref<256xi32, #tpu.memory_space<vmem>>, vector<16xi32>,
    %swap3A_1517 = vector.shape_cast %swap3A_1516 : vector<16xi32> to vector<16xi32>
    %swap3A_1518 = vector.shape_cast %add3A_1514 : vector<16xi32> to vector<16xi32>
    tpu.vector_store %arg19[%swap3A_1515], %swap3A_1518 {strides = array<i32>} : memref<256xi32, #tpu.memory_space<vmem>>, vector<16xi32>,
    %get3A_1519 = arith.constant 32 : index
    %get3A_1520 = tpu.vector_load %arg18[%get3A_1519] {strides = array<i32>} : memref<256xi32, #tpu.memory_space<vmem>>, vector<16xi32>,
    %get3A_1521 = vector.shape_cast %get3A_1520 : vector<16xi32> to vector<16xi32>
    %get3A_1522 = arith.constant 48 : index
    %get3A_1523 = tpu.vector_load %arg18[%get3A_1522] {strides = array<i32>} : memref<256xi32, #tpu.memory_space<vmem>>, vector<16xi32>,
    %get3A_1524 = vector.shape_cast %get3A_1523 : vector<16xi32> to vector<16xi32>
    %lt3A_1525 = arith.constant 0 : i32
    %lt3A_1526 = vector.broadcast %lt3A_1525 : i32 to vector<16xi32>
    %lt3A_1527 = arith.cmpi slt, %and3A_30, %lt3A_1526 : vector<16xi32>
    %add3A_1528 = arith.constant 16 : i32
    %add3A_1529 = vector.broadcast %add3A_1528 : i32 to vector<16xi32>
    %add3A_1530 = arith.addi %and3A_30, %add3A_1529 : vector<16xi32>
    %select_n3A_1531 = arith.select %lt3A_1527, %add3A_1530, %and3A_30 : vector<16xi1>, vector<16xi32>
    %broadcast_in_dim3A_1532 = vector.shape_cast %select_n3A_1531 : vector<16xi32> to vector<16x1xi32>
    %gather3A_1533 = vector.shape_cast %broadcast_in_dim3A_1532 : vector<16x1xi32> to vector<16xi32>
    %gather3A_1534 = tpu.dynamic_gather %get3A_1521[%gather3A_1533] in [0] : vector<16xi32>, vector<16xi32> -> vector<16xi32>
    %lt3A_1535 = arith.constant 0 : i32
    %lt3A_1536 = vector.broadcast %lt3A_1535 : i32 to vector<16xi32>
    %lt3A_1537 = arith.cmpi slt, %and3A_30, %lt3A_1536 : vector<16xi32>
    %add3A_1538 = arith.constant 16 : i32
    %add3A_1539 = vector.broadcast %add3A_1538 : i32 to vector<16xi32>
    %add3A_1540 = arith.addi %and3A_30, %add3A_1539 : vector<16xi32>
    %select_n3A_1541 = arith.select %lt3A_1537, %add3A_1540, %and3A_30 : vector<16xi1>, vector<16xi32>
    %broadcast_in_dim3A_1542 = vector.shape_cast %select_n3A_1541 : vector<16xi32> to vector<16x1xi32>
    %gather3A_1543 = vector.shape_cast %broadcast_in_dim3A_1542 : vector<16x1xi32> to vector<16xi32>
    %gather3A_1544 = tpu.dynamic_gather %get3A_1524[%gather3A_1543] in [0] : vector<16xi32>, vector<16xi32> -> vector<16xi32>
    %select_n3A_1545 = arith.select %lt3A_35, %gather3A_1534, %gather3A_1544 : vector<16xi1>, vector<16xi32>
    %lt3A_1546 = arith.constant 0 : i32
    %lt3A_1547 = vector.broadcast %lt3A_1546 : i32 to vector<16xi32>
    %lt3A_1548 = arith.cmpi slt, %add3A_33, %lt3A_1547 : vector<16xi32>
    %add3A_1549 = arith.constant 16 : i32
    %add3A_1550 = vector.broadcast %add3A_1549 : i32 to vector<16xi32>
    %add3A_1551 = arith.addi %add3A_33, %add3A_1550 : vector<16xi32>
    %select_n3A_1552 = arith.select %lt3A_1548, %add3A_1551, %add3A_33 : vector<16xi1>, vector<16xi32>
    %broadcast_in_dim3A_1553 = vector.shape_cast %select_n3A_1552 : vector<16xi32> to vector<16x1xi32>
    %gather3A_1554 = vector.shape_cast %broadcast_in_dim3A_1553 : vector<16x1xi32> to vector<16xi32>
    %gather3A_1555 = tpu.dynamic_gather %get3A_1521[%gather3A_1554] in [0] : vector<16xi32>, vector<16xi32> -> vector<16xi32>
    %lt3A_1556 = arith.constant 0 : i32
    %lt3A_1557 = vector.broadcast %lt3A_1556 : i32 to vector<16xi32>
    %lt3A_1558 = arith.cmpi slt, %add3A_33, %lt3A_1557 : vector<16xi32>
    %add3A_1559 = arith.constant 16 : i32
    %add3A_1560 = vector.broadcast %add3A_1559 : i32 to vector<16xi32>
    %add3A_1561 = arith.addi %add3A_33, %add3A_1560 : vector<16xi32>
    %select_n3A_1562 = arith.select %lt3A_1558, %add3A_1561, %add3A_33 : vector<16xi1>, vector<16xi32>
    %broadcast_in_dim3A_1563 = vector.shape_cast %select_n3A_1562 : vector<16xi32> to vector<16x1xi32>
    %gather3A_1564 = vector.shape_cast %broadcast_in_dim3A_1563 : vector<16x1xi32> to vector<16xi32>
    %gather3A_1565 = tpu.dynamic_gather %get3A_1524[%gather3A_1564] in [0] : vector<16xi32>, vector<16xi32> -> vector<16xi32>
    %select_n3A_1566 = arith.select %lt3A_35, %gather3A_1555, %gather3A_1565 : vector<16xi1>, vector<16xi32>
    %swap3A_1567 = arith.constant 16 : index
    %swap3A_1568 = tpu.vector_load %arg19[%swap3A_1567] {strides = array<i32>} : memref<256xi32, #tpu.memory_space<vmem>>, vector<16xi32>,
    %swap3A_1569 = vector.shape_cast %swap3A_1568 : vector<16xi32> to vector<16xi32>
    %swap3A_1570 = vector.shape_cast %select_n3A_1545 : vector<16xi32> to vector<16xi32>
    tpu.vector_store %arg19[%swap3A_1567], %swap3A_1570 {strides = array<i32>} : memref<256xi32, #tpu.memory_space<vmem>>, vector<16xi32>,
    %add3A_1571 = arith.constant 500000 : i32
    %add3A_1572 = vector.broadcast %add3A_1571 : i32 to vector<16xi32>
    %add3A_1573 = arith.addi %select_n3A_1566, %add3A_1572 : vector<16xi32>
    %swap3A_1574 = arith.constant 144 : index
    %swap3A_1575 = tpu.vector_load %arg19[%swap3A_1574] {strides = array<i32>} : memref<256xi32, #tpu.memory_space<vmem>>, vector<16xi32>,
    %swap3A_1576 = vector.shape_cast %swap3A_1575 : vector<16xi32> to vector<16xi32>
    %swap3A_1577 = vector.shape_cast %add3A_1573 : vector<16xi32> to vector<16xi32>
    tpu.vector_store %arg19[%swap3A_1574], %swap3A_1577 {strides = array<i32>} : memref<256xi32, #tpu.memory_space<vmem>>, vector<16xi32>,
    %get3A_1578 = arith.constant 64 : index
    %get3A_1579 = tpu.vector_load %arg18[%get3A_1578] {strides = array<i32>} : memref<256xi32, #tpu.memory_space<vmem>>, vector<16xi32>,
    %get3A_1580 = vector.shape_cast %get3A_1579 : vector<16xi32> to vector<16xi32>
    %get3A_1581 = arith.constant 80 : index
    %get3A_1582 = tpu.vector_load %arg18[%get3A_1581] {strides = array<i32>} : memref<256xi32, #tpu.memory_space<vmem>>, vector<16xi32>,
    %get3A_1583 = vector.shape_cast %get3A_1582 : vector<16xi32> to vector<16xi32>
    %lt3A_1584 = arith.constant 0 : i32
    %lt3A_1585 = vector.broadcast %lt3A_1584 : i32 to vector<16xi32>
    %lt3A_1586 = arith.cmpi slt, %and3A_30, %lt3A_1585 : vector<16xi32>
    %add3A_1587 = arith.constant 16 : i32
    %add3A_1588 = vector.broadcast %add3A_1587 : i32 to vector<16xi32>
    %add3A_1589 = arith.addi %and3A_30, %add3A_1588 : vector<16xi32>
    %select_n3A_1590 = arith.select %lt3A_1586, %add3A_1589, %and3A_30 : vector<16xi1>, vector<16xi32>
    %broadcast_in_dim3A_1591 = vector.shape_cast %select_n3A_1590 : vector<16xi32> to vector<16x1xi32>
    %gather3A_1592 = vector.shape_cast %broadcast_in_dim3A_1591 : vector<16x1xi32> to vector<16xi32>
    %gather3A_1593 = tpu.dynamic_gather %get3A_1580[%gather3A_1592] in [0] : vector<16xi32>, vector<16xi32> -> vector<16xi32>
    %lt3A_1594 = arith.constant 0 : i32
    %lt3A_1595 = vector.broadcast %lt3A_1594 : i32 to vector<16xi32>
    %lt3A_1596 = arith.cmpi slt, %and3A_30, %lt3A_1595 : vector<16xi32>
    %add3A_1597 = arith.constant 16 : i32
    %add3A_1598 = vector.broadcast %add3A_1597 : i32 to vector<16xi32>
    %add3A_1599 = arith.addi %and3A_30, %add3A_1598 : vector<16xi32>
    %select_n3A_1600 = arith.select %lt3A_1596, %add3A_1599, %and3A_30 : vector<16xi1>, vector<16xi32>
    %broadcast_in_dim3A_1601 = vector.shape_cast %select_n3A_1600 : vector<16xi32> to vector<16x1xi32>
    %gather3A_1602 = vector.shape_cast %broadcast_in_dim3A_1601 : vector<16x1xi32> to vector<16xi32>
    %gather3A_1603 = tpu.dynamic_gather %get3A_1583[%gather3A_1602] in [0] : vector<16xi32>, vector<16xi32> -> vector<16xi32>
    %select_n3A_1604 = arith.select %lt3A_35, %gather3A_1593, %gather3A_1603 : vector<16xi1>, vector<16xi32>
    %lt3A_1605 = arith.constant 0 : i32
    %lt3A_1606 = vector.broadcast %lt3A_1605 : i32 to vector<16xi32>
    %lt3A_1607 = arith.cmpi slt, %add3A_33, %lt3A_1606 : vector<16xi32>
    %add3A_1608 = arith.constant 16 : i32
    %add3A_1609 = vector.broadcast %add3A_1608 : i32 to vector<16xi32>
    %add3A_1610 = arith.addi %add3A_33, %add3A_1609 : vector<16xi32>
    %select_n3A_1611 = arith.select %lt3A_1607, %add3A_1610, %add3A_33 : vector<16xi1>, vector<16xi32>
    %broadcast_in_dim3A_1612 = vector.shape_cast %select_n3A_1611 : vector<16xi32> to vector<16x1xi32>
    %gather3A_1613 = vector.shape_cast %broadcast_in_dim3A_1612 : vector<16x1xi32> to vector<16xi32>
    %gather3A_1614 = tpu.dynamic_gather %get3A_1580[%gather3A_1613] in [0] : vector<16xi32>, vector<16xi32> -> vector<16xi32>
    %lt3A_1615 = arith.constant 0 : i32
    %lt3A_1616 = vector.broadcast %lt3A_1615 : i32 to vector<16xi32>
    %lt3A_1617 = arith.cmpi slt, %add3A_33, %lt3A_1616 : vector<16xi32>
    %add3A_1618 = arith.constant 16 : i32
    %add3A_1619 = vector.broadcast %add3A_1618 : i32 to vector<16xi32>
    %add3A_1620 = arith.addi %add3A_33, %add3A_1619 : vector<16xi32>
    %select_n3A_1621 = arith.select %lt3A_1617, %add3A_1620, %add3A_33 : vector<16xi1>, vector<16xi32>
    %broadcast_in_dim3A_1622 = vector.shape_cast %select_n3A_1621 : vector<16xi32> to vector<16x1xi32>
    %gather3A_1623 = vector.shape_cast %broadcast_in_dim3A_1622 : vector<16x1xi32> to vector<16xi32>
    %gather3A_1624 = tpu.dynamic_gather %get3A_1583[%gather3A_1623] in [0] : vector<16xi32>, vector<16xi32> -> vector<16xi32>
    %select_n3A_1625 = arith.select %lt3A_35, %gather3A_1614, %gather3A_1624 : vector<16xi1>, vector<16xi32>
    %swap3A_1626 = arith.constant 32 : index
    %swap3A_1627 = tpu.vector_load %arg19[%swap3A_1626] {strides = array<i32>} : memref<256xi32, #tpu.memory_space<vmem>>, vector<16xi32>,
    %swap3A_1628 = vector.shape_cast %swap3A_1627 : vector<16xi32> to vector<16xi32>
    %swap3A_1629 = vector.shape_cast %select_n3A_1604 : vector<16xi32> to vector<16xi32>
    tpu.vector_store %arg19[%swap3A_1626], %swap3A_1629 {strides = array<i32>} : memref<256xi32, #tpu.memory_space<vmem>>, vector<16xi32>,
    %add3A_1630 = arith.constant 500000 : i32
    %add3A_1631 = vector.broadcast %add3A_1630 : i32 to vector<16xi32>
    %add3A_1632 = arith.addi %select_n3A_1625, %add3A_1631 : vector<16xi32>
    %swap3A_1633 = arith.constant 160 : index
    %swap3A_1634 = tpu.vector_load %arg19[%swap3A_1633] {strides = array<i32>} : memref<256xi32, #tpu.memory_space<vmem>>, vector<16xi32>,
    %swap3A_1635 = vector.shape_cast %swap3A_1634 : vector<16xi32> to vector<16xi32>
    %swap3A_1636 = vector.shape_cast %add3A_1632 : vector<16xi32> to vector<16xi32>
    tpu.vector_store %arg19[%swap3A_1633], %swap3A_1636 {strides = array<i32>} : memref<256xi32, #tpu.memory_space<vmem>>, vector<16xi32>,
    %get3A_1637 = arith.constant 96 : index
    %get3A_1638 = tpu.vector_load %arg18[%get3A_1637] {strides = array<i32>} : memref<256xi32, #tpu.memory_space<vmem>>, vector<16xi32>,
    %get3A_1639 = vector.shape_cast %get3A_1638 : vector<16xi32> to vector<16xi32>
    %get3A_1640 = arith.constant 112 : index
    %get3A_1641 = tpu.vector_load %arg18[%get3A_1640] {strides = array<i32>} : memref<256xi32, #tpu.memory_space<vmem>>, vector<16xi32>,
    %get3A_1642 = vector.shape_cast %get3A_1641 : vector<16xi32> to vector<16xi32>
    %lt3A_1643 = arith.constant 0 : i32
    %lt3A_1644 = vector.broadcast %lt3A_1643 : i32 to vector<16xi32>
    %lt3A_1645 = arith.cmpi slt, %and3A_30, %lt3A_1644 : vector<16xi32>
    %add3A_1646 = arith.constant 16 : i32
    %add3A_1647 = vector.broadcast %add3A_1646 : i32 to vector<16xi32>
    %add3A_1648 = arith.addi %and3A_30, %add3A_1647 : vector<16xi32>
    %select_n3A_1649 = arith.select %lt3A_1645, %add3A_1648, %and3A_30 : vector<16xi1>, vector<16xi32>
    %broadcast_in_dim3A_1650 = vector.shape_cast %select_n3A_1649 : vector<16xi32> to vector<16x1xi32>
    %gather3A_1651 = vector.shape_cast %broadcast_in_dim3A_1650 : vector<16x1xi32> to vector<16xi32>
    %gather3A_1652 = tpu.dynamic_gather %get3A_1639[%gather3A_1651] in [0] : vector<16xi32>, vector<16xi32> -> vector<16xi32>
    %lt3A_1653 = arith.constant 0 : i32
    %lt3A_1654 = vector.broadcast %lt3A_1653 : i32 to vector<16xi32>
    %lt3A_1655 = arith.cmpi slt, %and3A_30, %lt3A_1654 : vector<16xi32>
    %add3A_1656 = arith.constant 16 : i32
    %add3A_1657 = vector.broadcast %add3A_1656 : i32 to vector<16xi32>
    %add3A_1658 = arith.addi %and3A_30, %add3A_1657 : vector<16xi32>
    %select_n3A_1659 = arith.select %lt3A_1655, %add3A_1658, %and3A_30 : vector<16xi1>, vector<16xi32>
    %broadcast_in_dim3A_1660 = vector.shape_cast %select_n3A_1659 : vector<16xi32> to vector<16x1xi32>
    %gather3A_1661 = vector.shape_cast %broadcast_in_dim3A_1660 : vector<16x1xi32> to vector<16xi32>
    %gather3A_1662 = tpu.dynamic_gather %get3A_1642[%gather3A_1661] in [0] : vector<16xi32>, vector<16xi32> -> vector<16xi32>
    %select_n3A_1663 = arith.select %lt3A_35, %gather3A_1652, %gather3A_1662 : vector<16xi1>, vector<16xi32>
    %lt3A_1664 = arith.constant 0 : i32
    %lt3A_1665 = vector.broadcast %lt3A_1664 : i32 to vector<16xi32>
    %lt3A_1666 = arith.cmpi slt, %add3A_33, %lt3A_1665 : vector<16xi32>
    %add3A_1667 = arith.constant 16 : i32
    %add3A_1668 = vector.broadcast %add3A_1667 : i32 to vector<16xi32>
    %add3A_1669 = arith.addi %add3A_33, %add3A_1668 : vector<16xi32>
    %select_n3A_1670 = arith.select %lt3A_1666, %add3A_1669, %add3A_33 : vector<16xi1>, vector<16xi32>
    %broadcast_in_dim3A_1671 = vector.shape_cast %select_n3A_1670 : vector<16xi32> to vector<16x1xi32>
    %gather3A_1672 = vector.shape_cast %broadcast_in_dim3A_1671 : vector<16x1xi32> to vector<16xi32>
    %gather3A_1673 = tpu.dynamic_gather %get3A_1639[%gather3A_1672] in [0] : vector<16xi32>, vector<16xi32> -> vector<16xi32>
    %lt3A_1674 = arith.constant 0 : i32
    %lt3A_1675 = vector.broadcast %lt3A_1674 : i32 to vector<16xi32>
    %lt3A_1676 = arith.cmpi slt, %add3A_33, %lt3A_1675 : vector<16xi32>
    %add3A_1677 = arith.constant 16 : i32
    %add3A_1678 = vector.broadcast %add3A_1677 : i32 to vector<16xi32>
    %add3A_1679 = arith.addi %add3A_33, %add3A_1678 : vector<16xi32>
    %select_n3A_1680 = arith.select %lt3A_1676, %add3A_1679, %add3A_33 : vector<16xi1>, vector<16xi32>
    %broadcast_in_dim3A_1681 = vector.shape_cast %select_n3A_1680 : vector<16xi32> to vector<16x1xi32>
    %gather3A_1682 = vector.shape_cast %broadcast_in_dim3A_1681 : vector<16x1xi32> to vector<16xi32>
    %gather3A_1683 = tpu.dynamic_gather %get3A_1642[%gather3A_1682] in [0] : vector<16xi32>, vector<16xi32> -> vector<16xi32>
    %select_n3A_1684 = arith.select %lt3A_35, %gather3A_1673, %gather3A_1683 : vector<16xi1>, vector<16xi32>
    %swap3A_1685 = arith.constant 48 : index
    %swap3A_1686 = tpu.vector_load %arg19[%swap3A_1685] {strides = array<i32>} : memref<256xi32, #tpu.memory_space<vmem>>, vector<16xi32>,
    %swap3A_1687 = vector.shape_cast %swap3A_1686 : vector<16xi32> to vector<16xi32>
    %swap3A_1688 = vector.shape_cast %select_n3A_1663 : vector<16xi32> to vector<16xi32>
    tpu.vector_store %arg19[%swap3A_1685], %swap3A_1688 {strides = array<i32>} : memref<256xi32, #tpu.memory_space<vmem>>, vector<16xi32>,
    %add3A_1689 = arith.constant 500000 : i32
    %add3A_1690 = vector.broadcast %add3A_1689 : i32 to vector<16xi32>
    %add3A_1691 = arith.addi %select_n3A_1684, %add3A_1690 : vector<16xi32>
    %swap3A_1692 = arith.constant 176 : index
    %swap3A_1693 = tpu.vector_load %arg19[%swap3A_1692] {strides = array<i32>} : memref<256xi32, #tpu.memory_space<vmem>>, vector<16xi32>,
    %swap3A_1694 = vector.shape_cast %swap3A_1693 : vector<16xi32> to vector<16xi32>
    %swap3A_1695 = vector.shape_cast %add3A_1691 : vector<16xi32> to vector<16xi32>
    tpu.vector_store %arg19[%swap3A_1692], %swap3A_1695 {strides = array<i32>} : memref<256xi32, #tpu.memory_space<vmem>>, vector<16xi32>,
    %get3A_1696 = arith.constant 128 : index
    %get3A_1697 = tpu.vector_load %arg18[%get3A_1696] {strides = array<i32>} : memref<256xi32, #tpu.memory_space<vmem>>, vector<16xi32>,
    %get3A_1698 = vector.shape_cast %get3A_1697 : vector<16xi32> to vector<16xi32>
    %get3A_1699 = arith.constant 144 : index
    %get3A_1700 = tpu.vector_load %arg18[%get3A_1699] {strides = array<i32>} : memref<256xi32, #tpu.memory_space<vmem>>, vector<16xi32>,
    %get3A_1701 = vector.shape_cast %get3A_1700 : vector<16xi32> to vector<16xi32>
    %lt3A_1702 = arith.constant 0 : i32
    %lt3A_1703 = vector.broadcast %lt3A_1702 : i32 to vector<16xi32>
    %lt3A_1704 = arith.cmpi slt, %and3A_30, %lt3A_1703 : vector<16xi32>
    %add3A_1705 = arith.constant 16 : i32
    %add3A_1706 = vector.broadcast %add3A_1705 : i32 to vector<16xi32>
    %add3A_1707 = arith.addi %and3A_30, %add3A_1706 : vector<16xi32>
    %select_n3A_1708 = arith.select %lt3A_1704, %add3A_1707, %and3A_30 : vector<16xi1>, vector<16xi32>
    %broadcast_in_dim3A_1709 = vector.shape_cast %select_n3A_1708 : vector<16xi32> to vector<16x1xi32>
    %gather3A_1710 = vector.shape_cast %broadcast_in_dim3A_1709 : vector<16x1xi32> to vector<16xi32>
    %gather3A_1711 = tpu.dynamic_gather %get3A_1698[%gather3A_1710] in [0] : vector<16xi32>, vector<16xi32> -> vector<16xi32>
    %lt3A_1712 = arith.constant 0 : i32
    %lt3A_1713 = vector.broadcast %lt3A_1712 : i32 to vector<16xi32>
    %lt3A_1714 = arith.cmpi slt, %and3A_30, %lt3A_1713 : vector<16xi32>
    %add3A_1715 = arith.constant 16 : i32
    %add3A_1716 = vector.broadcast %add3A_1715 : i32 to vector<16xi32>
    %add3A_1717 = arith.addi %and3A_30, %add3A_1716 : vector<16xi32>
    %select_n3A_1718 = arith.select %lt3A_1714, %add3A_1717, %and3A_30 : vector<16xi1>, vector<16xi32>
    %broadcast_in_dim3A_1719 = vector.shape_cast %select_n3A_1718 : vector<16xi32> to vector<16x1xi32>
    %gather3A_1720 = vector.shape_cast %broadcast_in_dim3A_1719 : vector<16x1xi32> to vector<16xi32>
    %gather3A_1721 = tpu.dynamic_gather %get3A_1701[%gather3A_1720] in [0] : vector<16xi32>, vector<16xi32> -> vector<16xi32>
    %select_n3A_1722 = arith.select %lt3A_35, %gather3A_1711, %gather3A_1721 : vector<16xi1>, vector<16xi32>
    %lt3A_1723 = arith.constant 0 : i32
    %lt3A_1724 = vector.broadcast %lt3A_1723 : i32 to vector<16xi32>
    %lt3A_1725 = arith.cmpi slt, %add3A_33, %lt3A_1724 : vector<16xi32>
    %add3A_1726 = arith.constant 16 : i32
    %add3A_1727 = vector.broadcast %add3A_1726 : i32 to vector<16xi32>
    %add3A_1728 = arith.addi %add3A_33, %add3A_1727 : vector<16xi32>
    %select_n3A_1729 = arith.select %lt3A_1725, %add3A_1728, %add3A_33 : vector<16xi1>, vector<16xi32>
    %broadcast_in_dim3A_1730 = vector.shape_cast %select_n3A_1729 : vector<16xi32> to vector<16x1xi32>
    %gather3A_1731 = vector.shape_cast %broadcast_in_dim3A_1730 : vector<16x1xi32> to vector<16xi32>
    %gather3A_1732 = tpu.dynamic_gather %get3A_1698[%gather3A_1731] in [0] : vector<16xi32>, vector<16xi32> -> vector<16xi32>
    %lt3A_1733 = arith.constant 0 : i32
    %lt3A_1734 = vector.broadcast %lt3A_1733 : i32 to vector<16xi32>
    %lt3A_1735 = arith.cmpi slt, %add3A_33, %lt3A_1734 : vector<16xi32>
    %add3A_1736 = arith.constant 16 : i32
    %add3A_1737 = vector.broadcast %add3A_1736 : i32 to vector<16xi32>
    %add3A_1738 = arith.addi %add3A_33, %add3A_1737 : vector<16xi32>
    %select_n3A_1739 = arith.select %lt3A_1735, %add3A_1738, %add3A_33 : vector<16xi1>, vector<16xi32>
    %broadcast_in_dim3A_1740 = vector.shape_cast %select_n3A_1739 : vector<16xi32> to vector<16x1xi32>
    %gather3A_1741 = vector.shape_cast %broadcast_in_dim3A_1740 : vector<16x1xi32> to vector<16xi32>
    %gather3A_1742 = tpu.dynamic_gather %get3A_1701[%gather3A_1741] in [0] : vector<16xi32>, vector<16xi32> -> vector<16xi32>
    %select_n3A_1743 = arith.select %lt3A_35, %gather3A_1732, %gather3A_1742 : vector<16xi1>, vector<16xi32>
    %swap3A_1744 = arith.constant 64 : index
    %swap3A_1745 = tpu.vector_load %arg19[%swap3A_1744] {strides = array<i32>} : memref<256xi32, #tpu.memory_space<vmem>>, vector<16xi32>,
    %swap3A_1746 = vector.shape_cast %swap3A_1745 : vector<16xi32> to vector<16xi32>
    %swap3A_1747 = vector.shape_cast %select_n3A_1722 : vector<16xi32> to vector<16xi32>
    tpu.vector_store %arg19[%swap3A_1744], %swap3A_1747 {strides = array<i32>} : memref<256xi32, #tpu.memory_space<vmem>>, vector<16xi32>,
    %add3A_1748 = arith.constant 500000 : i32
    %add3A_1749 = vector.broadcast %add3A_1748 : i32 to vector<16xi32>
    %add3A_1750 = arith.addi %select_n3A_1743, %add3A_1749 : vector<16xi32>
    %swap3A_1751 = arith.constant 192 : index
    %swap3A_1752 = tpu.vector_load %arg19[%swap3A_1751] {strides = array<i32>} : memref<256xi32, #tpu.memory_space<vmem>>, vector<16xi32>,
    %swap3A_1753 = vector.shape_cast %swap3A_1752 : vector<16xi32> to vector<16xi32>
    %swap3A_1754 = vector.shape_cast %add3A_1750 : vector<16xi32> to vector<16xi32>
    tpu.vector_store %arg19[%swap3A_1751], %swap3A_1754 {strides = array<i32>} : memref<256xi32, #tpu.memory_space<vmem>>, vector<16xi32>,
    %get3A_1755 = arith.constant 160 : index
    %get3A_1756 = tpu.vector_load %arg18[%get3A_1755] {strides = array<i32>} : memref<256xi32, #tpu.memory_space<vmem>>, vector<16xi32>,
    %get3A_1757 = vector.shape_cast %get3A_1756 : vector<16xi32> to vector<16xi32>
    %get3A_1758 = arith.constant 176 : index
    %get3A_1759 = tpu.vector_load %arg18[%get3A_1758] {strides = array<i32>} : memref<256xi32, #tpu.memory_space<vmem>>, vector<16xi32>,
    %get3A_1760 = vector.shape_cast %get3A_1759 : vector<16xi32> to vector<16xi32>
    %lt3A_1761 = arith.constant 0 : i32
    %lt3A_1762 = vector.broadcast %lt3A_1761 : i32 to vector<16xi32>
    %lt3A_1763 = arith.cmpi slt, %and3A_30, %lt3A_1762 : vector<16xi32>
    %add3A_1764 = arith.constant 16 : i32
    %add3A_1765 = vector.broadcast %add3A_1764 : i32 to vector<16xi32>
    %add3A_1766 = arith.addi %and3A_30, %add3A_1765 : vector<16xi32>
    %select_n3A_1767 = arith.select %lt3A_1763, %add3A_1766, %and3A_30 : vector<16xi1>, vector<16xi32>
    %broadcast_in_dim3A_1768 = vector.shape_cast %select_n3A_1767 : vector<16xi32> to vector<16x1xi32>
    %gather3A_1769 = vector.shape_cast %broadcast_in_dim3A_1768 : vector<16x1xi32> to vector<16xi32>
    %gather3A_1770 = tpu.dynamic_gather %get3A_1757[%gather3A_1769] in [0] : vector<16xi32>, vector<16xi32> -> vector<16xi32>
    %lt3A_1771 = arith.constant 0 : i32
    %lt3A_1772 = vector.broadcast %lt3A_1771 : i32 to vector<16xi32>
    %lt3A_1773 = arith.cmpi slt, %and3A_30, %lt3A_1772 : vector<16xi32>
    %add3A_1774 = arith.constant 16 : i32
    %add3A_1775 = vector.broadcast %add3A_1774 : i32 to vector<16xi32>
    %add3A_1776 = arith.addi %and3A_30, %add3A_1775 : vector<16xi32>
    %select_n3A_1777 = arith.select %lt3A_1773, %add3A_1776, %and3A_30 : vector<16xi1>, vector<16xi32>
    %broadcast_in_dim3A_1778 = vector.shape_cast %select_n3A_1777 : vector<16xi32> to vector<16x1xi32>
    %gather3A_1779 = vector.shape_cast %broadcast_in_dim3A_1778 : vector<16x1xi32> to vector<16xi32>
    %gather3A_1780 = tpu.dynamic_gather %get3A_1760[%gather3A_1779] in [0] : vector<16xi32>, vector<16xi32> -> vector<16xi32>
    %select_n3A_1781 = arith.select %lt3A_35, %gather3A_1770, %gather3A_1780 : vector<16xi1>, vector<16xi32>
    %lt3A_1782 = arith.constant 0 : i32
    %lt3A_1783 = vector.broadcast %lt3A_1782 : i32 to vector<16xi32>
    %lt3A_1784 = arith.cmpi slt, %add3A_33, %lt3A_1783 : vector<16xi32>
    %add3A_1785 = arith.constant 16 : i32
    %add3A_1786 = vector.broadcast %add3A_1785 : i32 to vector<16xi32>
    %add3A_1787 = arith.addi %add3A_33, %add3A_1786 : vector<16xi32>
    %select_n3A_1788 = arith.select %lt3A_1784, %add3A_1787, %add3A_33 : vector<16xi1>, vector<16xi32>
    %broadcast_in_dim3A_1789 = vector.shape_cast %select_n3A_1788 : vector<16xi32> to vector<16x1xi32>
    %gather3A_1790 = vector.shape_cast %broadcast_in_dim3A_1789 : vector<16x1xi32> to vector<16xi32>
    %gather3A_1791 = tpu.dynamic_gather %get3A_1757[%gather3A_1790] in [0] : vector<16xi32>, vector<16xi32> -> vector<16xi32>
    %lt3A_1792 = arith.constant 0 : i32
    %lt3A_1793 = vector.broadcast %lt3A_1792 : i32 to vector<16xi32>
    %lt3A_1794 = arith.cmpi slt, %add3A_33, %lt3A_1793 : vector<16xi32>
    %add3A_1795 = arith.constant 16 : i32
    %add3A_1796 = vector.broadcast %add3A_1795 : i32 to vector<16xi32>
    %add3A_1797 = arith.addi %add3A_33, %add3A_1796 : vector<16xi32>
    %select_n3A_1798 = arith.select %lt3A_1794, %add3A_1797, %add3A_33 : vector<16xi1>, vector<16xi32>
    %broadcast_in_dim3A_1799 = vector.shape_cast %select_n3A_1798 : vector<16xi32> to vector<16x1xi32>
    %gather3A_1800 = vector.shape_cast %broadcast_in_dim3A_1799 : vector<16x1xi32> to vector<16xi32>
    %gather3A_1801 = tpu.dynamic_gather %get3A_1760[%gather3A_1800] in [0] : vector<16xi32>, vector<16xi32> -> vector<16xi32>
    %select_n3A_1802 = arith.select %lt3A_35, %gather3A_1791, %gather3A_1801 : vector<16xi1>, vector<16xi32>
    %swap3A_1803 = arith.constant 80 : index
    %swap3A_1804 = tpu.vector_load %arg19[%swap3A_1803] {strides = array<i32>} : memref<256xi32, #tpu.memory_space<vmem>>, vector<16xi32>,
    %swap3A_1805 = vector.shape_cast %swap3A_1804 : vector<16xi32> to vector<16xi32>
    %swap3A_1806 = vector.shape_cast %select_n3A_1781 : vector<16xi32> to vector<16xi32>
    tpu.vector_store %arg19[%swap3A_1803], %swap3A_1806 {strides = array<i32>} : memref<256xi32, #tpu.memory_space<vmem>>, vector<16xi32>,
    %add3A_1807 = arith.constant 500000 : i32
    %add3A_1808 = vector.broadcast %add3A_1807 : i32 to vector<16xi32>
    %add3A_1809 = arith.addi %select_n3A_1802, %add3A_1808 : vector<16xi32>
    %swap3A_1810 = arith.constant 208 : index
    %swap3A_1811 = tpu.vector_load %arg19[%swap3A_1810] {strides = array<i32>} : memref<256xi32, #tpu.memory_space<vmem>>, vector<16xi32>,
    %swap3A_1812 = vector.shape_cast %swap3A_1811 : vector<16xi32> to vector<16xi32>
    %swap3A_1813 = vector.shape_cast %add3A_1809 : vector<16xi32> to vector<16xi32>
    tpu.vector_store %arg19[%swap3A_1810], %swap3A_1813 {strides = array<i32>} : memref<256xi32, #tpu.memory_space<vmem>>, vector<16xi32>,
    %get3A_1814 = arith.constant 192 : index
    %get3A_1815 = tpu.vector_load %arg18[%get3A_1814] {strides = array<i32>} : memref<256xi32, #tpu.memory_space<vmem>>, vector<16xi32>,
    %get3A_1816 = vector.shape_cast %get3A_1815 : vector<16xi32> to vector<16xi32>
    %get3A_1817 = arith.constant 208 : index
    %get3A_1818 = tpu.vector_load %arg18[%get3A_1817] {strides = array<i32>} : memref<256xi32, #tpu.memory_space<vmem>>, vector<16xi32>,
    %get3A_1819 = vector.shape_cast %get3A_1818 : vector<16xi32> to vector<16xi32>
    %lt3A_1820 = arith.constant 0 : i32
    %lt3A_1821 = vector.broadcast %lt3A_1820 : i32 to vector<16xi32>
    %lt3A_1822 = arith.cmpi slt, %and3A_30, %lt3A_1821 : vector<16xi32>
    %add3A_1823 = arith.constant 16 : i32
    %add3A_1824 = vector.broadcast %add3A_1823 : i32 to vector<16xi32>
    %add3A_1825 = arith.addi %and3A_30, %add3A_1824 : vector<16xi32>
    %select_n3A_1826 = arith.select %lt3A_1822, %add3A_1825, %and3A_30 : vector<16xi1>, vector<16xi32>
    %broadcast_in_dim3A_1827 = vector.shape_cast %select_n3A_1826 : vector<16xi32> to vector<16x1xi32>
    %gather3A_1828 = vector.shape_cast %broadcast_in_dim3A_1827 : vector<16x1xi32> to vector<16xi32>
    %gather3A_1829 = tpu.dynamic_gather %get3A_1816[%gather3A_1828] in [0] : vector<16xi32>, vector<16xi32> -> vector<16xi32>
    %lt3A_1830 = arith.constant 0 : i32
    %lt3A_1831 = vector.broadcast %lt3A_1830 : i32 to vector<16xi32>
    %lt3A_1832 = arith.cmpi slt, %and3A_30, %lt3A_1831 : vector<16xi32>
    %add3A_1833 = arith.constant 16 : i32
    %add3A_1834 = vector.broadcast %add3A_1833 : i32 to vector<16xi32>
    %add3A_1835 = arith.addi %and3A_30, %add3A_1834 : vector<16xi32>
    %select_n3A_1836 = arith.select %lt3A_1832, %add3A_1835, %and3A_30 : vector<16xi1>, vector<16xi32>
    %broadcast_in_dim3A_1837 = vector.shape_cast %select_n3A_1836 : vector<16xi32> to vector<16x1xi32>
    %gather3A_1838 = vector.shape_cast %broadcast_in_dim3A_1837 : vector<16x1xi32> to vector<16xi32>
    %gather3A_1839 = tpu.dynamic_gather %get3A_1819[%gather3A_1838] in [0] : vector<16xi32>, vector<16xi32> -> vector<16xi32>
    %select_n3A_1840 = arith.select %lt3A_35, %gather3A_1829, %gather3A_1839 : vector<16xi1>, vector<16xi32>
    %lt3A_1841 = arith.constant 0 : i32
    %lt3A_1842 = vector.broadcast %lt3A_1841 : i32 to vector<16xi32>
    %lt3A_1843 = arith.cmpi slt, %add3A_33, %lt3A_1842 : vector<16xi32>
    %add3A_1844 = arith.constant 16 : i32
    %add3A_1845 = vector.broadcast %add3A_1844 : i32 to vector<16xi32>
    %add3A_1846 = arith.addi %add3A_33, %add3A_1845 : vector<16xi32>
    %select_n3A_1847 = arith.select %lt3A_1843, %add3A_1846, %add3A_33 : vector<16xi1>, vector<16xi32>
    %broadcast_in_dim3A_1848 = vector.shape_cast %select_n3A_1847 : vector<16xi32> to vector<16x1xi32>
    %gather3A_1849 = vector.shape_cast %broadcast_in_dim3A_1848 : vector<16x1xi32> to vector<16xi32>
    %gather3A_1850 = tpu.dynamic_gather %get3A_1816[%gather3A_1849] in [0] : vector<16xi32>, vector<16xi32> -> vector<16xi32>
    %lt3A_1851 = arith.constant 0 : i32
    %lt3A_1852 = vector.broadcast %lt3A_1851 : i32 to vector<16xi32>
    %lt3A_1853 = arith.cmpi slt, %add3A_33, %lt3A_1852 : vector<16xi32>
    %add3A_1854 = arith.constant 16 : i32
    %add3A_1855 = vector.broadcast %add3A_1854 : i32 to vector<16xi32>
    %add3A_1856 = arith.addi %add3A_33, %add3A_1855 : vector<16xi32>
    %select_n3A_1857 = arith.select %lt3A_1853, %add3A_1856, %add3A_33 : vector<16xi1>, vector<16xi32>
    %broadcast_in_dim3A_1858 = vector.shape_cast %select_n3A_1857 : vector<16xi32> to vector<16x1xi32>
    %gather3A_1859 = vector.shape_cast %broadcast_in_dim3A_1858 : vector<16x1xi32> to vector<16xi32>
    %gather3A_1860 = tpu.dynamic_gather %get3A_1819[%gather3A_1859] in [0] : vector<16xi32>, vector<16xi32> -> vector<16xi32>
    %select_n3A_1861 = arith.select %lt3A_35, %gather3A_1850, %gather3A_1860 : vector<16xi1>, vector<16xi32>
    %swap3A_1862 = arith.constant 96 : index
    %swap3A_1863 = tpu.vector_load %arg19[%swap3A_1862] {strides = array<i32>} : memref<256xi32, #tpu.memory_space<vmem>>, vector<16xi32>,
    %swap3A_1864 = vector.shape_cast %swap3A_1863 : vector<16xi32> to vector<16xi32>
    %swap3A_1865 = vector.shape_cast %select_n3A_1840 : vector<16xi32> to vector<16xi32>
    tpu.vector_store %arg19[%swap3A_1862], %swap3A_1865 {strides = array<i32>} : memref<256xi32, #tpu.memory_space<vmem>>, vector<16xi32>,
    %add3A_1866 = arith.constant 500000 : i32
    %add3A_1867 = vector.broadcast %add3A_1866 : i32 to vector<16xi32>
    %add3A_1868 = arith.addi %select_n3A_1861, %add3A_1867 : vector<16xi32>
    %swap3A_1869 = arith.constant 224 : index
    %swap3A_1870 = tpu.vector_load %arg19[%swap3A_1869] {strides = array<i32>} : memref<256xi32, #tpu.memory_space<vmem>>, vector<16xi32>,
    %swap3A_1871 = vector.shape_cast %swap3A_1870 : vector<16xi32> to vector<16xi32>
    %swap3A_1872 = vector.shape_cast %add3A_1868 : vector<16xi32> to vector<16xi32>
    tpu.vector_store %arg19[%swap3A_1869], %swap3A_1872 {strides = array<i32>} : memref<256xi32, #tpu.memory_space<vmem>>, vector<16xi32>,
    %get3A_1873 = arith.constant 224 : index
    %get3A_1874 = tpu.vector_load %arg18[%get3A_1873] {strides = array<i32>} : memref<256xi32, #tpu.memory_space<vmem>>, vector<16xi32>,
    %get3A_1875 = vector.shape_cast %get3A_1874 : vector<16xi32> to vector<16xi32>
    %get3A_1876 = arith.constant 240 : index
    %get3A_1877 = tpu.vector_load %arg18[%get3A_1876] {strides = array<i32>} : memref<256xi32, #tpu.memory_space<vmem>>, vector<16xi32>,
    %get3A_1878 = vector.shape_cast %get3A_1877 : vector<16xi32> to vector<16xi32>
    %lt3A_1879 = arith.constant 0 : i32
    %lt3A_1880 = vector.broadcast %lt3A_1879 : i32 to vector<16xi32>
    %lt3A_1881 = arith.cmpi slt, %and3A_30, %lt3A_1880 : vector<16xi32>
    %add3A_1882 = arith.constant 16 : i32
    %add3A_1883 = vector.broadcast %add3A_1882 : i32 to vector<16xi32>
    %add3A_1884 = arith.addi %and3A_30, %add3A_1883 : vector<16xi32>
    %select_n3A_1885 = arith.select %lt3A_1881, %add3A_1884, %and3A_30 : vector<16xi1>, vector<16xi32>
    %broadcast_in_dim3A_1886 = vector.shape_cast %select_n3A_1885 : vector<16xi32> to vector<16x1xi32>
    %gather3A_1887 = vector.shape_cast %broadcast_in_dim3A_1886 : vector<16x1xi32> to vector<16xi32>
    %gather3A_1888 = tpu.dynamic_gather %get3A_1875[%gather3A_1887] in [0] : vector<16xi32>, vector<16xi32> -> vector<16xi32>
    %lt3A_1889 = arith.constant 0 : i32
    %lt3A_1890 = vector.broadcast %lt3A_1889 : i32 to vector<16xi32>
    %lt3A_1891 = arith.cmpi slt, %and3A_30, %lt3A_1890 : vector<16xi32>
    %add3A_1892 = arith.constant 16 : i32
    %add3A_1893 = vector.broadcast %add3A_1892 : i32 to vector<16xi32>
    %add3A_1894 = arith.addi %and3A_30, %add3A_1893 : vector<16xi32>
    %select_n3A_1895 = arith.select %lt3A_1891, %add3A_1894, %and3A_30 : vector<16xi1>, vector<16xi32>
    %broadcast_in_dim3A_1896 = vector.shape_cast %select_n3A_1895 : vector<16xi32> to vector<16x1xi32>
    %gather3A_1897 = vector.shape_cast %broadcast_in_dim3A_1896 : vector<16x1xi32> to vector<16xi32>
    %gather3A_1898 = tpu.dynamic_gather %get3A_1878[%gather3A_1897] in [0] : vector<16xi32>, vector<16xi32> -> vector<16xi32>
    %select_n3A_1899 = arith.select %lt3A_35, %gather3A_1888, %gather3A_1898 : vector<16xi1>, vector<16xi32>
    %lt3A_1900 = arith.constant 0 : i32
    %lt3A_1901 = vector.broadcast %lt3A_1900 : i32 to vector<16xi32>
    %lt3A_1902 = arith.cmpi slt, %add3A_33, %lt3A_1901 : vector<16xi32>
    %add3A_1903 = arith.constant 16 : i32
    %add3A_1904 = vector.broadcast %add3A_1903 : i32 to vector<16xi32>
    %add3A_1905 = arith.addi %add3A_33, %add3A_1904 : vector<16xi32>
    %select_n3A_1906 = arith.select %lt3A_1902, %add3A_1905, %add3A_33 : vector<16xi1>, vector<16xi32>
    %broadcast_in_dim3A_1907 = vector.shape_cast %select_n3A_1906 : vector<16xi32> to vector<16x1xi32>
    %gather3A_1908 = vector.shape_cast %broadcast_in_dim3A_1907 : vector<16x1xi32> to vector<16xi32>
    %gather3A_1909 = tpu.dynamic_gather %get3A_1875[%gather3A_1908] in [0] : vector<16xi32>, vector<16xi32> -> vector<16xi32>
    %lt3A_1910 = arith.constant 0 : i32
    %lt3A_1911 = vector.broadcast %lt3A_1910 : i32 to vector<16xi32>
    %lt3A_1912 = arith.cmpi slt, %add3A_33, %lt3A_1911 : vector<16xi32>
    %add3A_1913 = arith.constant 16 : i32
    %add3A_1914 = vector.broadcast %add3A_1913 : i32 to vector<16xi32>
    %add3A_1915 = arith.addi %add3A_33, %add3A_1914 : vector<16xi32>
    %select_n3A_1916 = arith.select %lt3A_1912, %add3A_1915, %add3A_33 : vector<16xi1>, vector<16xi32>
    %broadcast_in_dim3A_1917 = vector.shape_cast %select_n3A_1916 : vector<16xi32> to vector<16x1xi32>
    %gather3A_1918 = vector.shape_cast %broadcast_in_dim3A_1917 : vector<16x1xi32> to vector<16xi32>
    %gather3A_1919 = tpu.dynamic_gather %get3A_1878[%gather3A_1918] in [0] : vector<16xi32>, vector<16xi32> -> vector<16xi32>
    %select_n3A_1920 = arith.select %lt3A_35, %gather3A_1909, %gather3A_1919 : vector<16xi1>, vector<16xi32>
    %swap3A_1921 = arith.constant 112 : index
    %swap3A_1922 = tpu.vector_load %arg19[%swap3A_1921] {strides = array<i32>} : memref<256xi32, #tpu.memory_space<vmem>>, vector<16xi32>,
    %swap3A_1923 = vector.shape_cast %swap3A_1922 : vector<16xi32> to vector<16xi32>
    %swap3A_1924 = vector.shape_cast %select_n3A_1899 : vector<16xi32> to vector<16xi32>
    tpu.vector_store %arg19[%swap3A_1921], %swap3A_1924 {strides = array<i32>} : memref<256xi32, #tpu.memory_space<vmem>>, vector<16xi32>,
    %add3A_1925 = arith.constant 500000 : i32
    %add3A_1926 = vector.broadcast %add3A_1925 : i32 to vector<16xi32>
    %add3A_1927 = arith.addi %select_n3A_1920, %add3A_1926 : vector<16xi32>
    %swap3A_1928 = arith.constant 240 : index
    %swap3A_1929 = tpu.vector_load %arg19[%swap3A_1928] {strides = array<i32>} : memref<256xi32, #tpu.memory_space<vmem>>, vector<16xi32>,
    %swap3A_1930 = vector.shape_cast %swap3A_1929 : vector<16xi32> to vector<16xi32>
    %swap3A_1931 = vector.shape_cast %add3A_1927 : vector<16xi32> to vector<16xi32>
    tpu.vector_store %arg19[%swap3A_1928], %swap3A_1931 {strides = array<i32>} : memref<256xi32, #tpu.memory_space<vmem>>, vector<16xi32>,
    %dma_start3A_1932 = arith.constant 0 : i32
    %dma_start3A_1933 = tpu.memref_slice %arg3[%dma_start3A_1932] : memref<1000000xf32, #tpu.memory_space<hbm>> -> memref<1000000xf32, #tpu.memory_space<hbm>>
    tpu.enqueue_indirect_dma source(%dma_start3A_1933 : memref<1000000xf32, #tpu.memory_space<hbm>>) target(%arg20 : memref<256xf32, #tpu.memory_space<vmem>>) offsets(%arg19 : memref<256xi32, #tpu.memory_space<vmem>>) semaphore(%arg26 : memref<!tpu.dma_semaphore, #tpu.memory_space<semaphore_mem>>)
    tpu.wait_dma2 semaphore(%arg27 : memref<!tpu.dma_semaphore, #tpu.memory_space<semaphore_mem>>) src(%arg4 : memref<16xf32, #tpu.memory_space<hbm>>) dst(%arg22 : memref<16xf32, #tpu.memory_space<vmem>>)
    %get3A_1934 = arith.constant 0 : index
    %get3A_1935 = tpu.vector_load %arg22[%get3A_1934] {strides = array<i32>} : memref<16xf32, #tpu.memory_space<vmem>>, vector<16xf32>,
    %get3A_1936 = vector.shape_cast %get3A_1935 : vector<16xf32> to vector<16xf32>
    %dma_wait3A_1937 = arith.constant 0 : i32
    %dma_wait3A_1938 = tpu.memref_slice %arg3[%dma_wait3A_1937] : memref<1000000xf32, #tpu.memory_space<hbm>> -> memref<1000000xf32, #tpu.memory_space<hbm>>
    tpu.wait_indirect_dma semaphore(%arg23 : memref<!tpu.dma_semaphore, #tpu.memory_space<semaphore_mem>>) src(%dma_wait3A_1938 : memref<1000000xf32, #tpu.memory_space<hbm>>) dst(%arg8 : memref<256xf32, #tpu.memory_space<vmem>>)
    %get3A_1939 = arith.constant 0 : index
    %get3A_1940 = tpu.vector_load %arg8[%get3A_1939] {strides = array<i32>} : memref<256xf32, #tpu.memory_space<vmem>>, vector<16xf32>,
    %get3A_1941 = vector.shape_cast %get3A_1940 : vector<16xf32> to vector<16xf32>
    %get3A_1942 = arith.constant 128 : index
    %get3A_1943 = tpu.vector_load %arg8[%get3A_1942] {strides = array<i32>} : memref<256xf32, #tpu.memory_space<vmem>>, vector<16xf32>,
    %get3A_1944 = vector.shape_cast %get3A_1943 : vector<16xf32> to vector<16xf32>
    %add3A_1945 = arith.addf %get3A_1941, %get3A_1944 : vector<16xf32>
    %add3A_1946 = arith.addf %add3A_1945, %get3A_1936 : vector<16xf32>
    %swap3A_1947 = arith.constant 0 : index
    %swap3A_1948 = tpu.vector_load %arg9[%swap3A_1947] {strides = array<i32>} : memref<128xf32, #tpu.memory_space<vmem>>, vector<16xf32>,
    %swap3A_1949 = vector.shape_cast %swap3A_1948 : vector<16xf32> to vector<16xf32>
    %swap3A_1950 = vector.shape_cast %add3A_1946 : vector<16xf32> to vector<16xf32>
    tpu.vector_store %arg9[%swap3A_1947], %swap3A_1950 {strides = array<i32>} : memref<128xf32, #tpu.memory_space<vmem>>, vector<16xf32>,
    %get3A_1951 = arith.constant 16 : index
    %get3A_1952 = tpu.vector_load %arg8[%get3A_1951] {strides = array<i32>} : memref<256xf32, #tpu.memory_space<vmem>>, vector<16xf32>,
    %get3A_1953 = vector.shape_cast %get3A_1952 : vector<16xf32> to vector<16xf32>
    %get3A_1954 = arith.constant 144 : index
    %get3A_1955 = tpu.vector_load %arg8[%get3A_1954] {strides = array<i32>} : memref<256xf32, #tpu.memory_space<vmem>>, vector<16xf32>,
    %get3A_1956 = vector.shape_cast %get3A_1955 : vector<16xf32> to vector<16xf32>
    %add3A_1957 = arith.addf %get3A_1953, %get3A_1956 : vector<16xf32>
    %add3A_1958 = arith.addf %add3A_1957, %get3A_1936 : vector<16xf32>
    %swap3A_1959 = arith.constant 16 : index
    %swap3A_1960 = tpu.vector_load %arg9[%swap3A_1959] {strides = array<i32>} : memref<128xf32, #tpu.memory_space<vmem>>, vector<16xf32>,
    %swap3A_1961 = vector.shape_cast %swap3A_1960 : vector<16xf32> to vector<16xf32>
    %swap3A_1962 = vector.shape_cast %add3A_1958 : vector<16xf32> to vector<16xf32>
    tpu.vector_store %arg9[%swap3A_1959], %swap3A_1962 {strides = array<i32>} : memref<128xf32, #tpu.memory_space<vmem>>, vector<16xf32>,
    %get3A_1963 = arith.constant 32 : index
    %get3A_1964 = tpu.vector_load %arg8[%get3A_1963] {strides = array<i32>} : memref<256xf32, #tpu.memory_space<vmem>>, vector<16xf32>,
    %get3A_1965 = vector.shape_cast %get3A_1964 : vector<16xf32> to vector<16xf32>
    %get3A_1966 = arith.constant 160 : index
    %get3A_1967 = tpu.vector_load %arg8[%get3A_1966] {strides = array<i32>} : memref<256xf32, #tpu.memory_space<vmem>>, vector<16xf32>,
    %get3A_1968 = vector.shape_cast %get3A_1967 : vector<16xf32> to vector<16xf32>
    %add3A_1969 = arith.addf %get3A_1965, %get3A_1968 : vector<16xf32>
    %add3A_1970 = arith.addf %add3A_1969, %get3A_1936 : vector<16xf32>
    %swap3A_1971 = arith.constant 32 : index
    %swap3A_1972 = tpu.vector_load %arg9[%swap3A_1971] {strides = array<i32>} : memref<128xf32, #tpu.memory_space<vmem>>, vector<16xf32>,
    %swap3A_1973 = vector.shape_cast %swap3A_1972 : vector<16xf32> to vector<16xf32>
    %swap3A_1974 = vector.shape_cast %add3A_1970 : vector<16xf32> to vector<16xf32>
    tpu.vector_store %arg9[%swap3A_1971], %swap3A_1974 {strides = array<i32>} : memref<128xf32, #tpu.memory_space<vmem>>, vector<16xf32>,
    %get3A_1975 = arith.constant 48 : index
    %get3A_1976 = tpu.vector_load %arg8[%get3A_1975] {strides = array<i32>} : memref<256xf32, #tpu.memory_space<vmem>>, vector<16xf32>,
    %get3A_1977 = vector.shape_cast %get3A_1976 : vector<16xf32> to vector<16xf32>
    %get3A_1978 = arith.constant 176 : index
    %get3A_1979 = tpu.vector_load %arg8[%get3A_1978] {strides = array<i32>} : memref<256xf32, #tpu.memory_space<vmem>>, vector<16xf32>,
    %get3A_1980 = vector.shape_cast %get3A_1979 : vector<16xf32> to vector<16xf32>
    %add3A_1981 = arith.addf %get3A_1977, %get3A_1980 : vector<16xf32>
    %add3A_1982 = arith.addf %add3A_1981, %get3A_1936 : vector<16xf32>
    %swap3A_1983 = arith.constant 48 : index
    %swap3A_1984 = tpu.vector_load %arg9[%swap3A_1983] {strides = array<i32>} : memref<128xf32, #tpu.memory_space<vmem>>, vector<16xf32>,
    %swap3A_1985 = vector.shape_cast %swap3A_1984 : vector<16xf32> to vector<16xf32>
    %swap3A_1986 = vector.shape_cast %add3A_1982 : vector<16xf32> to vector<16xf32>
    tpu.vector_store %arg9[%swap3A_1983], %swap3A_1986 {strides = array<i32>} : memref<128xf32, #tpu.memory_space<vmem>>, vector<16xf32>,
    %get3A_1987 = arith.constant 64 : index
    %get3A_1988 = tpu.vector_load %arg8[%get3A_1987] {strides = array<i32>} : memref<256xf32, #tpu.memory_space<vmem>>, vector<16xf32>,
    %get3A_1989 = vector.shape_cast %get3A_1988 : vector<16xf32> to vector<16xf32>
    %get3A_1990 = arith.constant 192 : index
    %get3A_1991 = tpu.vector_load %arg8[%get3A_1990] {strides = array<i32>} : memref<256xf32, #tpu.memory_space<vmem>>, vector<16xf32>,
    %get3A_1992 = vector.shape_cast %get3A_1991 : vector<16xf32> to vector<16xf32>
    %add3A_1993 = arith.addf %get3A_1989, %get3A_1992 : vector<16xf32>
    %add3A_1994 = arith.addf %add3A_1993, %get3A_1936 : vector<16xf32>
    %swap3A_1995 = arith.constant 64 : index
    %swap3A_1996 = tpu.vector_load %arg9[%swap3A_1995] {strides = array<i32>} : memref<128xf32, #tpu.memory_space<vmem>>, vector<16xf32>,
    %swap3A_1997 = vector.shape_cast %swap3A_1996 : vector<16xf32> to vector<16xf32>
    %swap3A_1998 = vector.shape_cast %add3A_1994 : vector<16xf32> to vector<16xf32>
    tpu.vector_store %arg9[%swap3A_1995], %swap3A_1998 {strides = array<i32>} : memref<128xf32, #tpu.memory_space<vmem>>, vector<16xf32>,
    %get3A_1999 = arith.constant 80 : index
    %get3A_2000 = tpu.vector_load %arg8[%get3A_1999] {strides = array<i32>} : memref<256xf32, #tpu.memory_space<vmem>>, vector<16xf32>,
    %get3A_2001 = vector.shape_cast %get3A_2000 : vector<16xf32> to vector<16xf32>
    %get3A_2002 = arith.constant 208 : index
    %get3A_2003 = tpu.vector_load %arg8[%get3A_2002] {strides = array<i32>} : memref<256xf32, #tpu.memory_space<vmem>>, vector<16xf32>,
    %get3A_2004 = vector.shape_cast %get3A_2003 : vector<16xf32> to vector<16xf32>
    %add3A_2005 = arith.addf %get3A_2001, %get3A_2004 : vector<16xf32>
    %add3A_2006 = arith.addf %add3A_2005, %get3A_1936 : vector<16xf32>
    %swap3A_2007 = arith.constant 80 : index
    %swap3A_2008 = tpu.vector_load %arg9[%swap3A_2007] {strides = array<i32>} : memref<128xf32, #tpu.memory_space<vmem>>, vector<16xf32>,
    %swap3A_2009 = vector.shape_cast %swap3A_2008 : vector<16xf32> to vector<16xf32>
    %swap3A_2010 = vector.shape_cast %add3A_2006 : vector<16xf32> to vector<16xf32>
    tpu.vector_store %arg9[%swap3A_2007], %swap3A_2010 {strides = array<i32>} : memref<128xf32, #tpu.memory_space<vmem>>, vector<16xf32>,
    %get3A_2011 = arith.constant 96 : index
    %get3A_2012 = tpu.vector_load %arg8[%get3A_2011] {strides = array<i32>} : memref<256xf32, #tpu.memory_space<vmem>>, vector<16xf32>,
    %get3A_2013 = vector.shape_cast %get3A_2012 : vector<16xf32> to vector<16xf32>
    %get3A_2014 = arith.constant 224 : index
    %get3A_2015 = tpu.vector_load %arg8[%get3A_2014] {strides = array<i32>} : memref<256xf32, #tpu.memory_space<vmem>>, vector<16xf32>,
    %get3A_2016 = vector.shape_cast %get3A_2015 : vector<16xf32> to vector<16xf32>
    %add3A_2017 = arith.addf %get3A_2013, %get3A_2016 : vector<16xf32>
    %add3A_2018 = arith.addf %add3A_2017, %get3A_1936 : vector<16xf32>
    %swap3A_2019 = arith.constant 96 : index
    %swap3A_2020 = tpu.vector_load %arg9[%swap3A_2019] {strides = array<i32>} : memref<128xf32, #tpu.memory_space<vmem>>, vector<16xf32>,
    %swap3A_2021 = vector.shape_cast %swap3A_2020 : vector<16xf32> to vector<16xf32>
    %swap3A_2022 = vector.shape_cast %add3A_2018 : vector<16xf32> to vector<16xf32>
    tpu.vector_store %arg9[%swap3A_2019], %swap3A_2022 {strides = array<i32>} : memref<128xf32, #tpu.memory_space<vmem>>, vector<16xf32>,
    %get3A_2023 = arith.constant 112 : index
    %get3A_2024 = tpu.vector_load %arg8[%get3A_2023] {strides = array<i32>} : memref<256xf32, #tpu.memory_space<vmem>>, vector<16xf32>,
    %get3A_2025 = vector.shape_cast %get3A_2024 : vector<16xf32> to vector<16xf32>
    %get3A_2026 = arith.constant 240 : index
    %get3A_2027 = tpu.vector_load %arg8[%get3A_2026] {strides = array<i32>} : memref<256xf32, #tpu.memory_space<vmem>>, vector<16xf32>,
    %get3A_2028 = vector.shape_cast %get3A_2027 : vector<16xf32> to vector<16xf32>
    %add3A_2029 = arith.addf %get3A_2025, %get3A_2028 : vector<16xf32>
    %add3A_2030 = arith.addf %add3A_2029, %get3A_1936 : vector<16xf32>
    %swap3A_2031 = arith.constant 112 : index
    %swap3A_2032 = tpu.vector_load %arg9[%swap3A_2031] {strides = array<i32>} : memref<128xf32, #tpu.memory_space<vmem>>, vector<16xf32>,
    %swap3A_2033 = vector.shape_cast %swap3A_2032 : vector<16xf32> to vector<16xf32>
    %swap3A_2034 = vector.shape_cast %add3A_2030 : vector<16xf32> to vector<16xf32>
    tpu.vector_store %arg9[%swap3A_2031], %swap3A_2034 {strides = array<i32>} : memref<128xf32, #tpu.memory_space<vmem>>, vector<16xf32>,
    %add3A_2035 = arith.constant 0 : i32
    %add3A_2036 = arith.addi %mul3A_2, %add3A_2035 : i32
    %dma_start3A_2037 = tpu.memref_slice %arg5[%add3A_2036] : memref<16384xf32, #tpu.memory_space<hbm>> -> memref<128xf32, #tpu.memory_space<hbm>>
    %dma_start3A_2038 = tpu.memref_slice %arg5[%add3A_2036] : memref<16384xf32, #tpu.memory_space<hbm>> -> memref<128xf32, #tpu.memory_space<hbm>>
    tpu.enqueue_dma source(%arg9 : memref<128xf32, #tpu.memory_space<vmem>>) target(%dma_start3A_2038 : memref<128xf32, #tpu.memory_space<hbm>>) target_semaphore(%arg27 : memref<!tpu.dma_semaphore, #tpu.memory_space<semaphore_mem>>)
    %dma_wait3A_2039 = arith.constant 0 : i32
    %dma_wait3A_2040 = tpu.memref_slice %arg3[%dma_wait3A_2039] : memref<1000000xf32, #tpu.memory_space<hbm>> -> memref<1000000xf32, #tpu.memory_space<hbm>>
    tpu.wait_indirect_dma semaphore(%arg24 : memref<!tpu.dma_semaphore, #tpu.memory_space<semaphore_mem>>) src(%dma_wait3A_2040 : memref<1000000xf32, #tpu.memory_space<hbm>>) dst(%arg12 : memref<256xf32, #tpu.memory_space<vmem>>)
    %get3A_2041 = arith.constant 0 : index
    %get3A_2042 = tpu.vector_load %arg12[%get3A_2041] {strides = array<i32>} : memref<256xf32, #tpu.memory_space<vmem>>, vector<16xf32>,
    %get3A_2043 = vector.shape_cast %get3A_2042 : vector<16xf32> to vector<16xf32>
    %get3A_2044 = arith.constant 128 : index
    %get3A_2045 = tpu.vector_load %arg12[%get3A_2044] {strides = array<i32>} : memref<256xf32, #tpu.memory_space<vmem>>, vector<16xf32>,
    %get3A_2046 = vector.shape_cast %get3A_2045 : vector<16xf32> to vector<16xf32>
    %add3A_2047 = arith.addf %get3A_2043, %get3A_2046 : vector<16xf32>
    %add3A_2048 = arith.addf %add3A_2047, %get3A_1936 : vector<16xf32>
    %swap3A_2049 = arith.constant 0 : index
    %swap3A_2050 = tpu.vector_load %arg13[%swap3A_2049] {strides = array<i32>} : memref<128xf32, #tpu.memory_space<vmem>>, vector<16xf32>,
    %swap3A_2051 = vector.shape_cast %swap3A_2050 : vector<16xf32> to vector<16xf32>
    %swap3A_2052 = vector.shape_cast %add3A_2048 : vector<16xf32> to vector<16xf32>
    tpu.vector_store %arg13[%swap3A_2049], %swap3A_2052 {strides = array<i32>} : memref<128xf32, #tpu.memory_space<vmem>>, vector<16xf32>,
    %get3A_2053 = arith.constant 16 : index
    %get3A_2054 = tpu.vector_load %arg12[%get3A_2053] {strides = array<i32>} : memref<256xf32, #tpu.memory_space<vmem>>, vector<16xf32>,
    %get3A_2055 = vector.shape_cast %get3A_2054 : vector<16xf32> to vector<16xf32>
    %get3A_2056 = arith.constant 144 : index
    %get3A_2057 = tpu.vector_load %arg12[%get3A_2056] {strides = array<i32>} : memref<256xf32, #tpu.memory_space<vmem>>, vector<16xf32>,
    %get3A_2058 = vector.shape_cast %get3A_2057 : vector<16xf32> to vector<16xf32>
    %add3A_2059 = arith.addf %get3A_2055, %get3A_2058 : vector<16xf32>
    %add3A_2060 = arith.addf %add3A_2059, %get3A_1936 : vector<16xf32>
    %swap3A_2061 = arith.constant 16 : index
    %swap3A_2062 = tpu.vector_load %arg13[%swap3A_2061] {strides = array<i32>} : memref<128xf32, #tpu.memory_space<vmem>>, vector<16xf32>,
    %swap3A_2063 = vector.shape_cast %swap3A_2062 : vector<16xf32> to vector<16xf32>
    %swap3A_2064 = vector.shape_cast %add3A_2060 : vector<16xf32> to vector<16xf32>
    tpu.vector_store %arg13[%swap3A_2061], %swap3A_2064 {strides = array<i32>} : memref<128xf32, #tpu.memory_space<vmem>>, vector<16xf32>,
    %get3A_2065 = arith.constant 32 : index
    %get3A_2066 = tpu.vector_load %arg12[%get3A_2065] {strides = array<i32>} : memref<256xf32, #tpu.memory_space<vmem>>, vector<16xf32>,
    %get3A_2067 = vector.shape_cast %get3A_2066 : vector<16xf32> to vector<16xf32>
    %get3A_2068 = arith.constant 160 : index
    %get3A_2069 = tpu.vector_load %arg12[%get3A_2068] {strides = array<i32>} : memref<256xf32, #tpu.memory_space<vmem>>, vector<16xf32>,
    %get3A_2070 = vector.shape_cast %get3A_2069 : vector<16xf32> to vector<16xf32>
    %add3A_2071 = arith.addf %get3A_2067, %get3A_2070 : vector<16xf32>
    %add3A_2072 = arith.addf %add3A_2071, %get3A_1936 : vector<16xf32>
    %swap3A_2073 = arith.constant 32 : index
    %swap3A_2074 = tpu.vector_load %arg13[%swap3A_2073] {strides = array<i32>} : memref<128xf32, #tpu.memory_space<vmem>>, vector<16xf32>,
    %swap3A_2075 = vector.shape_cast %swap3A_2074 : vector<16xf32> to vector<16xf32>
    %swap3A_2076 = vector.shape_cast %add3A_2072 : vector<16xf32> to vector<16xf32>
    tpu.vector_store %arg13[%swap3A_2073], %swap3A_2076 {strides = array<i32>} : memref<128xf32, #tpu.memory_space<vmem>>, vector<16xf32>,
    %get3A_2077 = arith.constant 48 : index
    %get3A_2078 = tpu.vector_load %arg12[%get3A_2077] {strides = array<i32>} : memref<256xf32, #tpu.memory_space<vmem>>, vector<16xf32>,
    %get3A_2079 = vector.shape_cast %get3A_2078 : vector<16xf32> to vector<16xf32>
    %get3A_2080 = arith.constant 176 : index
    %get3A_2081 = tpu.vector_load %arg12[%get3A_2080] {strides = array<i32>} : memref<256xf32, #tpu.memory_space<vmem>>, vector<16xf32>,
    %get3A_2082 = vector.shape_cast %get3A_2081 : vector<16xf32> to vector<16xf32>
    %add3A_2083 = arith.addf %get3A_2079, %get3A_2082 : vector<16xf32>
    %add3A_2084 = arith.addf %add3A_2083, %get3A_1936 : vector<16xf32>
    %swap3A_2085 = arith.constant 48 : index
    %swap3A_2086 = tpu.vector_load %arg13[%swap3A_2085] {strides = array<i32>} : memref<128xf32, #tpu.memory_space<vmem>>, vector<16xf32>,
    %swap3A_2087 = vector.shape_cast %swap3A_2086 : vector<16xf32> to vector<16xf32>
    %swap3A_2088 = vector.shape_cast %add3A_2084 : vector<16xf32> to vector<16xf32>
    tpu.vector_store %arg13[%swap3A_2085], %swap3A_2088 {strides = array<i32>} : memref<128xf32, #tpu.memory_space<vmem>>, vector<16xf32>,
    %get3A_2089 = arith.constant 64 : index
    %get3A_2090 = tpu.vector_load %arg12[%get3A_2089] {strides = array<i32>} : memref<256xf32, #tpu.memory_space<vmem>>, vector<16xf32>,
    %get3A_2091 = vector.shape_cast %get3A_2090 : vector<16xf32> to vector<16xf32>
    %get3A_2092 = arith.constant 192 : index
    %get3A_2093 = tpu.vector_load %arg12[%get3A_2092] {strides = array<i32>} : memref<256xf32, #tpu.memory_space<vmem>>, vector<16xf32>,
    %get3A_2094 = vector.shape_cast %get3A_2093 : vector<16xf32> to vector<16xf32>
    %add3A_2095 = arith.addf %get3A_2091, %get3A_2094 : vector<16xf32>
    %add3A_2096 = arith.addf %add3A_2095, %get3A_1936 : vector<16xf32>
    %swap3A_2097 = arith.constant 64 : index
    %swap3A_2098 = tpu.vector_load %arg13[%swap3A_2097] {strides = array<i32>} : memref<128xf32, #tpu.memory_space<vmem>>, vector<16xf32>,
    %swap3A_2099 = vector.shape_cast %swap3A_2098 : vector<16xf32> to vector<16xf32>
    %swap3A_2100 = vector.shape_cast %add3A_2096 : vector<16xf32> to vector<16xf32>
    tpu.vector_store %arg13[%swap3A_2097], %swap3A_2100 {strides = array<i32>} : memref<128xf32, #tpu.memory_space<vmem>>, vector<16xf32>,
    %get3A_2101 = arith.constant 80 : index
    %get3A_2102 = tpu.vector_load %arg12[%get3A_2101] {strides = array<i32>} : memref<256xf32, #tpu.memory_space<vmem>>, vector<16xf32>,
    %get3A_2103 = vector.shape_cast %get3A_2102 : vector<16xf32> to vector<16xf32>
    %get3A_2104 = arith.constant 208 : index
    %get3A_2105 = tpu.vector_load %arg12[%get3A_2104] {strides = array<i32>} : memref<256xf32, #tpu.memory_space<vmem>>, vector<16xf32>,
    %get3A_2106 = vector.shape_cast %get3A_2105 : vector<16xf32> to vector<16xf32>
    %add3A_2107 = arith.addf %get3A_2103, %get3A_2106 : vector<16xf32>
    %add3A_2108 = arith.addf %add3A_2107, %get3A_1936 : vector<16xf32>
    %swap3A_2109 = arith.constant 80 : index
    %swap3A_2110 = tpu.vector_load %arg13[%swap3A_2109] {strides = array<i32>} : memref<128xf32, #tpu.memory_space<vmem>>, vector<16xf32>,
    %swap3A_2111 = vector.shape_cast %swap3A_2110 : vector<16xf32> to vector<16xf32>
    %swap3A_2112 = vector.shape_cast %add3A_2108 : vector<16xf32> to vector<16xf32>
    tpu.vector_store %arg13[%swap3A_2109], %swap3A_2112 {strides = array<i32>} : memref<128xf32, #tpu.memory_space<vmem>>, vector<16xf32>,
    %get3A_2113 = arith.constant 96 : index
    %get3A_2114 = tpu.vector_load %arg12[%get3A_2113] {strides = array<i32>} : memref<256xf32, #tpu.memory_space<vmem>>, vector<16xf32>,
    %get3A_2115 = vector.shape_cast %get3A_2114 : vector<16xf32> to vector<16xf32>
    %get3A_2116 = arith.constant 224 : index
    %get3A_2117 = tpu.vector_load %arg12[%get3A_2116] {strides = array<i32>} : memref<256xf32, #tpu.memory_space<vmem>>, vector<16xf32>,
    %get3A_2118 = vector.shape_cast %get3A_2117 : vector<16xf32> to vector<16xf32>
    %add3A_2119 = arith.addf %get3A_2115, %get3A_2118 : vector<16xf32>
    %add3A_2120 = arith.addf %add3A_2119, %get3A_1936 : vector<16xf32>
    %swap3A_2121 = arith.constant 96 : index
    %swap3A_2122 = tpu.vector_load %arg13[%swap3A_2121] {strides = array<i32>} : memref<128xf32, #tpu.memory_space<vmem>>, vector<16xf32>,
    %swap3A_2123 = vector.shape_cast %swap3A_2122 : vector<16xf32> to vector<16xf32>
    %swap3A_2124 = vector.shape_cast %add3A_2120 : vector<16xf32> to vector<16xf32>
    tpu.vector_store %arg13[%swap3A_2121], %swap3A_2124 {strides = array<i32>} : memref<128xf32, #tpu.memory_space<vmem>>, vector<16xf32>,
    %get3A_2125 = arith.constant 112 : index
    %get3A_2126 = tpu.vector_load %arg12[%get3A_2125] {strides = array<i32>} : memref<256xf32, #tpu.memory_space<vmem>>, vector<16xf32>,
    %get3A_2127 = vector.shape_cast %get3A_2126 : vector<16xf32> to vector<16xf32>
    %get3A_2128 = arith.constant 240 : index
    %get3A_2129 = tpu.vector_load %arg12[%get3A_2128] {strides = array<i32>} : memref<256xf32, #tpu.memory_space<vmem>>, vector<16xf32>,
    %get3A_2130 = vector.shape_cast %get3A_2129 : vector<16xf32> to vector<16xf32>
    %add3A_2131 = arith.addf %get3A_2127, %get3A_2130 : vector<16xf32>
    %add3A_2132 = arith.addf %add3A_2131, %get3A_1936 : vector<16xf32>
    %swap3A_2133 = arith.constant 112 : index
    %swap3A_2134 = tpu.vector_load %arg13[%swap3A_2133] {strides = array<i32>} : memref<128xf32, #tpu.memory_space<vmem>>, vector<16xf32>,
    %swap3A_2135 = vector.shape_cast %swap3A_2134 : vector<16xf32> to vector<16xf32>
    %swap3A_2136 = vector.shape_cast %add3A_2132 : vector<16xf32> to vector<16xf32>
    tpu.vector_store %arg13[%swap3A_2133], %swap3A_2136 {strides = array<i32>} : memref<128xf32, #tpu.memory_space<vmem>>, vector<16xf32>,
    %add3A_2137 = arith.constant 128 : i32
    %add3A_2138 = arith.addi %mul3A_2, %add3A_2137 : i32
    %dma_start3A_2139 = tpu.memref_slice %arg5[%add3A_2138] : memref<16384xf32, #tpu.memory_space<hbm>> -> memref<128xf32, #tpu.memory_space<hbm>>
    %dma_start3A_2140 = tpu.memref_slice %arg5[%add3A_2138] : memref<16384xf32, #tpu.memory_space<hbm>> -> memref<128xf32, #tpu.memory_space<hbm>>
    tpu.enqueue_dma source(%arg13 : memref<128xf32, #tpu.memory_space<vmem>>) target(%dma_start3A_2140 : memref<128xf32, #tpu.memory_space<hbm>>) target_semaphore(%arg27 : memref<!tpu.dma_semaphore, #tpu.memory_space<semaphore_mem>>)
    %dma_wait3A_2141 = arith.constant 0 : i32
    %dma_wait3A_2142 = tpu.memref_slice %arg3[%dma_wait3A_2141] : memref<1000000xf32, #tpu.memory_space<hbm>> -> memref<1000000xf32, #tpu.memory_space<hbm>>
    tpu.wait_indirect_dma semaphore(%arg25 : memref<!tpu.dma_semaphore, #tpu.memory_space<semaphore_mem>>) src(%dma_wait3A_2142 : memref<1000000xf32, #tpu.memory_space<hbm>>) dst(%arg16 : memref<256xf32, #tpu.memory_space<vmem>>)
    %get3A_2143 = arith.constant 0 : index
    %get3A_2144 = tpu.vector_load %arg16[%get3A_2143] {strides = array<i32>} : memref<256xf32, #tpu.memory_space<vmem>>, vector<16xf32>,
    %get3A_2145 = vector.shape_cast %get3A_2144 : vector<16xf32> to vector<16xf32>
    %get3A_2146 = arith.constant 128 : index
    %get3A_2147 = tpu.vector_load %arg16[%get3A_2146] {strides = array<i32>} : memref<256xf32, #tpu.memory_space<vmem>>, vector<16xf32>,
    %get3A_2148 = vector.shape_cast %get3A_2147 : vector<16xf32> to vector<16xf32>
    %add3A_2149 = arith.addf %get3A_2145, %get3A_2148 : vector<16xf32>
    %add3A_2150 = arith.addf %add3A_2149, %get3A_1936 : vector<16xf32>
    %swap3A_2151 = arith.constant 0 : index
    %swap3A_2152 = tpu.vector_load %arg17[%swap3A_2151] {strides = array<i32>} : memref<128xf32, #tpu.memory_space<vmem>>, vector<16xf32>,
    %swap3A_2153 = vector.shape_cast %swap3A_2152 : vector<16xf32> to vector<16xf32>
    %swap3A_2154 = vector.shape_cast %add3A_2150 : vector<16xf32> to vector<16xf32>
    tpu.vector_store %arg17[%swap3A_2151], %swap3A_2154 {strides = array<i32>} : memref<128xf32, #tpu.memory_space<vmem>>, vector<16xf32>,
    %get3A_2155 = arith.constant 16 : index
    %get3A_2156 = tpu.vector_load %arg16[%get3A_2155] {strides = array<i32>} : memref<256xf32, #tpu.memory_space<vmem>>, vector<16xf32>,
    %get3A_2157 = vector.shape_cast %get3A_2156 : vector<16xf32> to vector<16xf32>
    %get3A_2158 = arith.constant 144 : index
    %get3A_2159 = tpu.vector_load %arg16[%get3A_2158] {strides = array<i32>} : memref<256xf32, #tpu.memory_space<vmem>>, vector<16xf32>,
    %get3A_2160 = vector.shape_cast %get3A_2159 : vector<16xf32> to vector<16xf32>
    %add3A_2161 = arith.addf %get3A_2157, %get3A_2160 : vector<16xf32>
    %add3A_2162 = arith.addf %add3A_2161, %get3A_1936 : vector<16xf32>
    %swap3A_2163 = arith.constant 16 : index
    %swap3A_2164 = tpu.vector_load %arg17[%swap3A_2163] {strides = array<i32>} : memref<128xf32, #tpu.memory_space<vmem>>, vector<16xf32>,
    %swap3A_2165 = vector.shape_cast %swap3A_2164 : vector<16xf32> to vector<16xf32>
    %swap3A_2166 = vector.shape_cast %add3A_2162 : vector<16xf32> to vector<16xf32>
    tpu.vector_store %arg17[%swap3A_2163], %swap3A_2166 {strides = array<i32>} : memref<128xf32, #tpu.memory_space<vmem>>, vector<16xf32>,
    %get3A_2167 = arith.constant 32 : index
    %get3A_2168 = tpu.vector_load %arg16[%get3A_2167] {strides = array<i32>} : memref<256xf32, #tpu.memory_space<vmem>>, vector<16xf32>,
    %get3A_2169 = vector.shape_cast %get3A_2168 : vector<16xf32> to vector<16xf32>
    %get3A_2170 = arith.constant 160 : index
    %get3A_2171 = tpu.vector_load %arg16[%get3A_2170] {strides = array<i32>} : memref<256xf32, #tpu.memory_space<vmem>>, vector<16xf32>,
    %get3A_2172 = vector.shape_cast %get3A_2171 : vector<16xf32> to vector<16xf32>
    %add3A_2173 = arith.addf %get3A_2169, %get3A_2172 : vector<16xf32>
    %add3A_2174 = arith.addf %add3A_2173, %get3A_1936 : vector<16xf32>
    %swap3A_2175 = arith.constant 32 : index
    %swap3A_2176 = tpu.vector_load %arg17[%swap3A_2175] {strides = array<i32>} : memref<128xf32, #tpu.memory_space<vmem>>, vector<16xf32>,
    %swap3A_2177 = vector.shape_cast %swap3A_2176 : vector<16xf32> to vector<16xf32>
    %swap3A_2178 = vector.shape_cast %add3A_2174 : vector<16xf32> to vector<16xf32>
    tpu.vector_store %arg17[%swap3A_2175], %swap3A_2178 {strides = array<i32>} : memref<128xf32, #tpu.memory_space<vmem>>, vector<16xf32>,
    %get3A_2179 = arith.constant 48 : index
    %get3A_2180 = tpu.vector_load %arg16[%get3A_2179] {strides = array<i32>} : memref<256xf32, #tpu.memory_space<vmem>>, vector<16xf32>,
    %get3A_2181 = vector.shape_cast %get3A_2180 : vector<16xf32> to vector<16xf32>
    %get3A_2182 = arith.constant 176 : index
    %get3A_2183 = tpu.vector_load %arg16[%get3A_2182] {strides = array<i32>} : memref<256xf32, #tpu.memory_space<vmem>>, vector<16xf32>,
    %get3A_2184 = vector.shape_cast %get3A_2183 : vector<16xf32> to vector<16xf32>
    %add3A_2185 = arith.addf %get3A_2181, %get3A_2184 : vector<16xf32>
    %add3A_2186 = arith.addf %add3A_2185, %get3A_1936 : vector<16xf32>
    %swap3A_2187 = arith.constant 48 : index
    %swap3A_2188 = tpu.vector_load %arg17[%swap3A_2187] {strides = array<i32>} : memref<128xf32, #tpu.memory_space<vmem>>, vector<16xf32>,
    %swap3A_2189 = vector.shape_cast %swap3A_2188 : vector<16xf32> to vector<16xf32>
    %swap3A_2190 = vector.shape_cast %add3A_2186 : vector<16xf32> to vector<16xf32>
    tpu.vector_store %arg17[%swap3A_2187], %swap3A_2190 {strides = array<i32>} : memref<128xf32, #tpu.memory_space<vmem>>, vector<16xf32>,
    %get3A_2191 = arith.constant 64 : index
    %get3A_2192 = tpu.vector_load %arg16[%get3A_2191] {strides = array<i32>} : memref<256xf32, #tpu.memory_space<vmem>>, vector<16xf32>,
    %get3A_2193 = vector.shape_cast %get3A_2192 : vector<16xf32> to vector<16xf32>
    %get3A_2194 = arith.constant 192 : index
    %get3A_2195 = tpu.vector_load %arg16[%get3A_2194] {strides = array<i32>} : memref<256xf32, #tpu.memory_space<vmem>>, vector<16xf32>,
    %get3A_2196 = vector.shape_cast %get3A_2195 : vector<16xf32> to vector<16xf32>
    %add3A_2197 = arith.addf %get3A_2193, %get3A_2196 : vector<16xf32>
    %add3A_2198 = arith.addf %add3A_2197, %get3A_1936 : vector<16xf32>
    %swap3A_2199 = arith.constant 64 : index
    %swap3A_2200 = tpu.vector_load %arg17[%swap3A_2199] {strides = array<i32>} : memref<128xf32, #tpu.memory_space<vmem>>, vector<16xf32>,
    %swap3A_2201 = vector.shape_cast %swap3A_2200 : vector<16xf32> to vector<16xf32>
    %swap3A_2202 = vector.shape_cast %add3A_2198 : vector<16xf32> to vector<16xf32>
    tpu.vector_store %arg17[%swap3A_2199], %swap3A_2202 {strides = array<i32>} : memref<128xf32, #tpu.memory_space<vmem>>, vector<16xf32>,
    %get3A_2203 = arith.constant 80 : index
    %get3A_2204 = tpu.vector_load %arg16[%get3A_2203] {strides = array<i32>} : memref<256xf32, #tpu.memory_space<vmem>>, vector<16xf32>,
    %get3A_2205 = vector.shape_cast %get3A_2204 : vector<16xf32> to vector<16xf32>
    %get3A_2206 = arith.constant 208 : index
    %get3A_2207 = tpu.vector_load %arg16[%get3A_2206] {strides = array<i32>} : memref<256xf32, #tpu.memory_space<vmem>>, vector<16xf32>,
    %get3A_2208 = vector.shape_cast %get3A_2207 : vector<16xf32> to vector<16xf32>
    %add3A_2209 = arith.addf %get3A_2205, %get3A_2208 : vector<16xf32>
    %add3A_2210 = arith.addf %add3A_2209, %get3A_1936 : vector<16xf32>
    %swap3A_2211 = arith.constant 80 : index
    %swap3A_2212 = tpu.vector_load %arg17[%swap3A_2211] {strides = array<i32>} : memref<128xf32, #tpu.memory_space<vmem>>, vector<16xf32>,
    %swap3A_2213 = vector.shape_cast %swap3A_2212 : vector<16xf32> to vector<16xf32>
    %swap3A_2214 = vector.shape_cast %add3A_2210 : vector<16xf32> to vector<16xf32>
    tpu.vector_store %arg17[%swap3A_2211], %swap3A_2214 {strides = array<i32>} : memref<128xf32, #tpu.memory_space<vmem>>, vector<16xf32>,
    %get3A_2215 = arith.constant 96 : index
    %get3A_2216 = tpu.vector_load %arg16[%get3A_2215] {strides = array<i32>} : memref<256xf32, #tpu.memory_space<vmem>>, vector<16xf32>,
    %get3A_2217 = vector.shape_cast %get3A_2216 : vector<16xf32> to vector<16xf32>
    %get3A_2218 = arith.constant 224 : index
    %get3A_2219 = tpu.vector_load %arg16[%get3A_2218] {strides = array<i32>} : memref<256xf32, #tpu.memory_space<vmem>>, vector<16xf32>,
    %get3A_2220 = vector.shape_cast %get3A_2219 : vector<16xf32> to vector<16xf32>
    %add3A_2221 = arith.addf %get3A_2217, %get3A_2220 : vector<16xf32>
    %add3A_2222 = arith.addf %add3A_2221, %get3A_1936 : vector<16xf32>
    %swap3A_2223 = arith.constant 96 : index
    %swap3A_2224 = tpu.vector_load %arg17[%swap3A_2223] {strides = array<i32>} : memref<128xf32, #tpu.memory_space<vmem>>, vector<16xf32>,
    %swap3A_2225 = vector.shape_cast %swap3A_2224 : vector<16xf32> to vector<16xf32>
    %swap3A_2226 = vector.shape_cast %add3A_2222 : vector<16xf32> to vector<16xf32>
    tpu.vector_store %arg17[%swap3A_2223], %swap3A_2226 {strides = array<i32>} : memref<128xf32, #tpu.memory_space<vmem>>, vector<16xf32>,
    %get3A_2227 = arith.constant 112 : index
    %get3A_2228 = tpu.vector_load %arg16[%get3A_2227] {strides = array<i32>} : memref<256xf32, #tpu.memory_space<vmem>>, vector<16xf32>,
    %get3A_2229 = vector.shape_cast %get3A_2228 : vector<16xf32> to vector<16xf32>
    %get3A_2230 = arith.constant 240 : index
    %get3A_2231 = tpu.vector_load %arg16[%get3A_2230] {strides = array<i32>} : memref<256xf32, #tpu.memory_space<vmem>>, vector<16xf32>,
    %get3A_2232 = vector.shape_cast %get3A_2231 : vector<16xf32> to vector<16xf32>
    %add3A_2233 = arith.addf %get3A_2229, %get3A_2232 : vector<16xf32>
    %add3A_2234 = arith.addf %add3A_2233, %get3A_1936 : vector<16xf32>
    %swap3A_2235 = arith.constant 112 : index
    %swap3A_2236 = tpu.vector_load %arg17[%swap3A_2235] {strides = array<i32>} : memref<128xf32, #tpu.memory_space<vmem>>, vector<16xf32>,
    %swap3A_2237 = vector.shape_cast %swap3A_2236 : vector<16xf32> to vector<16xf32>
    %swap3A_2238 = vector.shape_cast %add3A_2234 : vector<16xf32> to vector<16xf32>
    tpu.vector_store %arg17[%swap3A_2235], %swap3A_2238 {strides = array<i32>} : memref<128xf32, #tpu.memory_space<vmem>>, vector<16xf32>,
    %add3A_2239 = arith.constant 256 : i32
    %add3A_2240 = arith.addi %mul3A_2, %add3A_2239 : i32
    %dma_start3A_2241 = tpu.memref_slice %arg5[%add3A_2240] : memref<16384xf32, #tpu.memory_space<hbm>> -> memref<128xf32, #tpu.memory_space<hbm>>
    %dma_start3A_2242 = tpu.memref_slice %arg5[%add3A_2240] : memref<16384xf32, #tpu.memory_space<hbm>> -> memref<128xf32, #tpu.memory_space<hbm>>
    tpu.enqueue_dma source(%arg17 : memref<128xf32, #tpu.memory_space<vmem>>) target(%dma_start3A_2242 : memref<128xf32, #tpu.memory_space<hbm>>) target_semaphore(%arg27 : memref<!tpu.dma_semaphore, #tpu.memory_space<semaphore_mem>>)
    %dma_wait3A_2243 = arith.constant 0 : i32
    %dma_wait3A_2244 = tpu.memref_slice %arg3[%dma_wait3A_2243] : memref<1000000xf32, #tpu.memory_space<hbm>> -> memref<1000000xf32, #tpu.memory_space<hbm>>
    tpu.wait_indirect_dma semaphore(%arg26 : memref<!tpu.dma_semaphore, #tpu.memory_space<semaphore_mem>>) src(%dma_wait3A_2244 : memref<1000000xf32, #tpu.memory_space<hbm>>) dst(%arg20 : memref<256xf32, #tpu.memory_space<vmem>>)
    %get3A_2245 = arith.constant 0 : index
    %get3A_2246 = tpu.vector_load %arg20[%get3A_2245] {strides = array<i32>} : memref<256xf32, #tpu.memory_space<vmem>>, vector<16xf32>,
    %get3A_2247 = vector.shape_cast %get3A_2246 : vector<16xf32> to vector<16xf32>
    %get3A_2248 = arith.constant 128 : index
    %get3A_2249 = tpu.vector_load %arg20[%get3A_2248] {strides = array<i32>} : memref<256xf32, #tpu.memory_space<vmem>>, vector<16xf32>,
    %get3A_2250 = vector.shape_cast %get3A_2249 : vector<16xf32> to vector<16xf32>
    %add3A_2251 = arith.addf %get3A_2247, %get3A_2250 : vector<16xf32>
    %add3A_2252 = arith.addf %add3A_2251, %get3A_1936 : vector<16xf32>
    %swap3A_2253 = arith.constant 0 : index
    %swap3A_2254 = tpu.vector_load %arg21[%swap3A_2253] {strides = array<i32>} : memref<128xf32, #tpu.memory_space<vmem>>, vector<16xf32>,
    %swap3A_2255 = vector.shape_cast %swap3A_2254 : vector<16xf32> to vector<16xf32>
    %swap3A_2256 = vector.shape_cast %add3A_2252 : vector<16xf32> to vector<16xf32>
    tpu.vector_store %arg21[%swap3A_2253], %swap3A_2256 {strides = array<i32>} : memref<128xf32, #tpu.memory_space<vmem>>, vector<16xf32>,
    %get3A_2257 = arith.constant 16 : index
    %get3A_2258 = tpu.vector_load %arg20[%get3A_2257] {strides = array<i32>} : memref<256xf32, #tpu.memory_space<vmem>>, vector<16xf32>,
    %get3A_2259 = vector.shape_cast %get3A_2258 : vector<16xf32> to vector<16xf32>
    %get3A_2260 = arith.constant 144 : index
    %get3A_2261 = tpu.vector_load %arg20[%get3A_2260] {strides = array<i32>} : memref<256xf32, #tpu.memory_space<vmem>>, vector<16xf32>,
    %get3A_2262 = vector.shape_cast %get3A_2261 : vector<16xf32> to vector<16xf32>
    %add3A_2263 = arith.addf %get3A_2259, %get3A_2262 : vector<16xf32>
    %add3A_2264 = arith.addf %add3A_2263, %get3A_1936 : vector<16xf32>
    %swap3A_2265 = arith.constant 16 : index
    %swap3A_2266 = tpu.vector_load %arg21[%swap3A_2265] {strides = array<i32>} : memref<128xf32, #tpu.memory_space<vmem>>, vector<16xf32>,
    %swap3A_2267 = vector.shape_cast %swap3A_2266 : vector<16xf32> to vector<16xf32>
    %swap3A_2268 = vector.shape_cast %add3A_2264 : vector<16xf32> to vector<16xf32>
    tpu.vector_store %arg21[%swap3A_2265], %swap3A_2268 {strides = array<i32>} : memref<128xf32, #tpu.memory_space<vmem>>, vector<16xf32>,
    %get3A_2269 = arith.constant 32 : index
    %get3A_2270 = tpu.vector_load %arg20[%get3A_2269] {strides = array<i32>} : memref<256xf32, #tpu.memory_space<vmem>>, vector<16xf32>,
    %get3A_2271 = vector.shape_cast %get3A_2270 : vector<16xf32> to vector<16xf32>
    %get3A_2272 = arith.constant 160 : index
    %get3A_2273 = tpu.vector_load %arg20[%get3A_2272] {strides = array<i32>} : memref<256xf32, #tpu.memory_space<vmem>>, vector<16xf32>,
    %get3A_2274 = vector.shape_cast %get3A_2273 : vector<16xf32> to vector<16xf32>
    %add3A_2275 = arith.addf %get3A_2271, %get3A_2274 : vector<16xf32>
    %add3A_2276 = arith.addf %add3A_2275, %get3A_1936 : vector<16xf32>
    %swap3A_2277 = arith.constant 32 : index
    %swap3A_2278 = tpu.vector_load %arg21[%swap3A_2277] {strides = array<i32>} : memref<128xf32, #tpu.memory_space<vmem>>, vector<16xf32>,
    %swap3A_2279 = vector.shape_cast %swap3A_2278 : vector<16xf32> to vector<16xf32>
    %swap3A_2280 = vector.shape_cast %add3A_2276 : vector<16xf32> to vector<16xf32>
    tpu.vector_store %arg21[%swap3A_2277], %swap3A_2280 {strides = array<i32>} : memref<128xf32, #tpu.memory_space<vmem>>, vector<16xf32>,
    %get3A_2281 = arith.constant 48 : index
    %get3A_2282 = tpu.vector_load %arg20[%get3A_2281] {strides = array<i32>} : memref<256xf32, #tpu.memory_space<vmem>>, vector<16xf32>,
    %get3A_2283 = vector.shape_cast %get3A_2282 : vector<16xf32> to vector<16xf32>
    %get3A_2284 = arith.constant 176 : index
    %get3A_2285 = tpu.vector_load %arg20[%get3A_2284] {strides = array<i32>} : memref<256xf32, #tpu.memory_space<vmem>>, vector<16xf32>,
    %get3A_2286 = vector.shape_cast %get3A_2285 : vector<16xf32> to vector<16xf32>
    %add3A_2287 = arith.addf %get3A_2283, %get3A_2286 : vector<16xf32>
    %add3A_2288 = arith.addf %add3A_2287, %get3A_1936 : vector<16xf32>
    %swap3A_2289 = arith.constant 48 : index
    %swap3A_2290 = tpu.vector_load %arg21[%swap3A_2289] {strides = array<i32>} : memref<128xf32, #tpu.memory_space<vmem>>, vector<16xf32>,
    %swap3A_2291 = vector.shape_cast %swap3A_2290 : vector<16xf32> to vector<16xf32>
    %swap3A_2292 = vector.shape_cast %add3A_2288 : vector<16xf32> to vector<16xf32>
    tpu.vector_store %arg21[%swap3A_2289], %swap3A_2292 {strides = array<i32>} : memref<128xf32, #tpu.memory_space<vmem>>, vector<16xf32>,
    %get3A_2293 = arith.constant 64 : index
    %get3A_2294 = tpu.vector_load %arg20[%get3A_2293] {strides = array<i32>} : memref<256xf32, #tpu.memory_space<vmem>>, vector<16xf32>,
    %get3A_2295 = vector.shape_cast %get3A_2294 : vector<16xf32> to vector<16xf32>
    %get3A_2296 = arith.constant 192 : index
    %get3A_2297 = tpu.vector_load %arg20[%get3A_2296] {strides = array<i32>} : memref<256xf32, #tpu.memory_space<vmem>>, vector<16xf32>,
    %get3A_2298 = vector.shape_cast %get3A_2297 : vector<16xf32> to vector<16xf32>
    %add3A_2299 = arith.addf %get3A_2295, %get3A_2298 : vector<16xf32>
    %add3A_2300 = arith.addf %add3A_2299, %get3A_1936 : vector<16xf32>
    %swap3A_2301 = arith.constant 64 : index
    %swap3A_2302 = tpu.vector_load %arg21[%swap3A_2301] {strides = array<i32>} : memref<128xf32, #tpu.memory_space<vmem>>, vector<16xf32>,
    %swap3A_2303 = vector.shape_cast %swap3A_2302 : vector<16xf32> to vector<16xf32>
    %swap3A_2304 = vector.shape_cast %add3A_2300 : vector<16xf32> to vector<16xf32>
    tpu.vector_store %arg21[%swap3A_2301], %swap3A_2304 {strides = array<i32>} : memref<128xf32, #tpu.memory_space<vmem>>, vector<16xf32>,
    %get3A_2305 = arith.constant 80 : index
    %get3A_2306 = tpu.vector_load %arg20[%get3A_2305] {strides = array<i32>} : memref<256xf32, #tpu.memory_space<vmem>>, vector<16xf32>,
    %get3A_2307 = vector.shape_cast %get3A_2306 : vector<16xf32> to vector<16xf32>
    %get3A_2308 = arith.constant 208 : index
    %get3A_2309 = tpu.vector_load %arg20[%get3A_2308] {strides = array<i32>} : memref<256xf32, #tpu.memory_space<vmem>>, vector<16xf32>,
    %get3A_2310 = vector.shape_cast %get3A_2309 : vector<16xf32> to vector<16xf32>
    %add3A_2311 = arith.addf %get3A_2307, %get3A_2310 : vector<16xf32>
    %add3A_2312 = arith.addf %add3A_2311, %get3A_1936 : vector<16xf32>
    %swap3A_2313 = arith.constant 80 : index
    %swap3A_2314 = tpu.vector_load %arg21[%swap3A_2313] {strides = array<i32>} : memref<128xf32, #tpu.memory_space<vmem>>, vector<16xf32>,
    %swap3A_2315 = vector.shape_cast %swap3A_2314 : vector<16xf32> to vector<16xf32>
    %swap3A_2316 = vector.shape_cast %add3A_2312 : vector<16xf32> to vector<16xf32>
    tpu.vector_store %arg21[%swap3A_2313], %swap3A_2316 {strides = array<i32>} : memref<128xf32, #tpu.memory_space<vmem>>, vector<16xf32>,
    %get3A_2317 = arith.constant 96 : index
    %get3A_2318 = tpu.vector_load %arg20[%get3A_2317] {strides = array<i32>} : memref<256xf32, #tpu.memory_space<vmem>>, vector<16xf32>,
    %get3A_2319 = vector.shape_cast %get3A_2318 : vector<16xf32> to vector<16xf32>
    %get3A_2320 = arith.constant 224 : index
    %get3A_2321 = tpu.vector_load %arg20[%get3A_2320] {strides = array<i32>} : memref<256xf32, #tpu.memory_space<vmem>>, vector<16xf32>,
    %get3A_2322 = vector.shape_cast %get3A_2321 : vector<16xf32> to vector<16xf32>
    %add3A_2323 = arith.addf %get3A_2319, %get3A_2322 : vector<16xf32>
    %add3A_2324 = arith.addf %add3A_2323, %get3A_1936 : vector<16xf32>
    %swap3A_2325 = arith.constant 96 : index
    %swap3A_2326 = tpu.vector_load %arg21[%swap3A_2325] {strides = array<i32>} : memref<128xf32, #tpu.memory_space<vmem>>, vector<16xf32>,
    %swap3A_2327 = vector.shape_cast %swap3A_2326 : vector<16xf32> to vector<16xf32>
    %swap3A_2328 = vector.shape_cast %add3A_2324 : vector<16xf32> to vector<16xf32>
    tpu.vector_store %arg21[%swap3A_2325], %swap3A_2328 {strides = array<i32>} : memref<128xf32, #tpu.memory_space<vmem>>, vector<16xf32>,
    %get3A_2329 = arith.constant 112 : index
    %get3A_2330 = tpu.vector_load %arg20[%get3A_2329] {strides = array<i32>} : memref<256xf32, #tpu.memory_space<vmem>>, vector<16xf32>,
    %get3A_2331 = vector.shape_cast %get3A_2330 : vector<16xf32> to vector<16xf32>
    %get3A_2332 = arith.constant 240 : index
    %get3A_2333 = tpu.vector_load %arg20[%get3A_2332] {strides = array<i32>} : memref<256xf32, #tpu.memory_space<vmem>>, vector<16xf32>,
    %get3A_2334 = vector.shape_cast %get3A_2333 : vector<16xf32> to vector<16xf32>
    %add3A_2335 = arith.addf %get3A_2331, %get3A_2334 : vector<16xf32>
    %add3A_2336 = arith.addf %add3A_2335, %get3A_1936 : vector<16xf32>
    %swap3A_2337 = arith.constant 112 : index
    %swap3A_2338 = tpu.vector_load %arg21[%swap3A_2337] {strides = array<i32>} : memref<128xf32, #tpu.memory_space<vmem>>, vector<16xf32>,
    %swap3A_2339 = vector.shape_cast %swap3A_2338 : vector<16xf32> to vector<16xf32>
    %swap3A_2340 = vector.shape_cast %add3A_2336 : vector<16xf32> to vector<16xf32>
    tpu.vector_store %arg21[%swap3A_2337], %swap3A_2340 {strides = array<i32>} : memref<128xf32, #tpu.memory_space<vmem>>, vector<16xf32>,
    %add3A_2341 = arith.constant 384 : i32
    %add3A_2342 = arith.addi %mul3A_2, %add3A_2341 : i32
    %dma_start3A_2343 = tpu.memref_slice %arg5[%add3A_2342] : memref<16384xf32, #tpu.memory_space<hbm>> -> memref<128xf32, #tpu.memory_space<hbm>>
    %dma_start3A_2344 = tpu.memref_slice %arg5[%add3A_2342] : memref<16384xf32, #tpu.memory_space<hbm>> -> memref<128xf32, #tpu.memory_space<hbm>>
    tpu.enqueue_dma source(%arg21 : memref<128xf32, #tpu.memory_space<vmem>>) target(%dma_start3A_2344 : memref<128xf32, #tpu.memory_space<hbm>>) target_semaphore(%arg27 : memref<!tpu.dma_semaphore, #tpu.memory_space<semaphore_mem>>)
    %dma_wait3A_2345 = tpu.memref_slice %arg5[%add3A_2036] : memref<16384xf32, #tpu.memory_space<hbm>> -> memref<128xf32, #tpu.memory_space<hbm>>
    %dma_wait3A_2346 = tpu.memref_slice %arg5[%add3A_2036] : memref<16384xf32, #tpu.memory_space<hbm>> -> memref<128xf32, #tpu.memory_space<hbm>>
    tpu.wait_dma2 semaphore(%arg27 : memref<!tpu.dma_semaphore, #tpu.memory_space<semaphore_mem>>) src(%arg9 : memref<128xf32, #tpu.memory_space<vmem>>) dst(%dma_wait3A_2346 : memref<128xf32, #tpu.memory_space<hbm>>)
    %dma_wait3A_2347 = tpu.memref_slice %arg5[%add3A_2138] : memref<16384xf32, #tpu.memory_space<hbm>> -> memref<128xf32, #tpu.memory_space<hbm>>
    %dma_wait3A_2348 = tpu.memref_slice %arg5[%add3A_2138] : memref<16384xf32, #tpu.memory_space<hbm>> -> memref<128xf32, #tpu.memory_space<hbm>>
    tpu.wait_dma2 semaphore(%arg27 : memref<!tpu.dma_semaphore, #tpu.memory_space<semaphore_mem>>) src(%arg13 : memref<128xf32, #tpu.memory_space<vmem>>) dst(%dma_wait3A_2348 : memref<128xf32, #tpu.memory_space<hbm>>)
    %dma_wait3A_2349 = tpu.memref_slice %arg5[%add3A_2240] : memref<16384xf32, #tpu.memory_space<hbm>> -> memref<128xf32, #tpu.memory_space<hbm>>
    %dma_wait3A_2350 = tpu.memref_slice %arg5[%add3A_2240] : memref<16384xf32, #tpu.memory_space<hbm>> -> memref<128xf32, #tpu.memory_space<hbm>>
    tpu.wait_dma2 semaphore(%arg27 : memref<!tpu.dma_semaphore, #tpu.memory_space<semaphore_mem>>) src(%arg17 : memref<128xf32, #tpu.memory_space<vmem>>) dst(%dma_wait3A_2350 : memref<128xf32, #tpu.memory_space<hbm>>)
    %dma_wait3A_2351 = tpu.memref_slice %arg5[%add3A_2342] : memref<16384xf32, #tpu.memory_space<hbm>> -> memref<128xf32, #tpu.memory_space<hbm>>
    %dma_wait3A_2352 = tpu.memref_slice %arg5[%add3A_2342] : memref<16384xf32, #tpu.memory_space<hbm>> -> memref<128xf32, #tpu.memory_space<hbm>>
    tpu.wait_dma2 semaphore(%arg27 : memref<!tpu.dma_semaphore, #tpu.memory_space<semaphore_mem>>) src(%arg21 : memref<128xf32, #tpu.memory_space<vmem>>) dst(%dma_wait3A_2352 : memref<128xf32, #tpu.memory_space<hbm>>)
    return
  }
}

</mosaic_0001>

<sc_bundles>
// kernel: kernel.3.cloned.1.call-start
scs
__scs_entry_jumppad:
0x0: {  	(pc) =	sbr.rel $0x88, $3  }
0x1: {  	(tag) =	ssettag $0x0;
	lr =	simm.s32 $0x1  }
0x2: {  	[smem:$0x3F9E] =	sst lr;
	_ =	strace $0xD0000000  }
0x3: {  	_ = 	snop  }
0x4: {  	_ = 	snop  }
0x5: {  	_ = 	snop  }
0x6: {  	_ = 	snop  }
0x7: {  	_ = 	snop  }
__scs_overlays_trampoline_lowered:
0x8: {  	[smem:$0x3FAD] =	sst s0  }
0x9: {  	[smem:$0x3FAE] =	sst s1  }
0xa: {  	[smem:$0x3FAF] =	sst s2  }
0xb: {  	[smem:$0x3FB0] =	sst s3  }
0xc: {  	[smem:$0x3FB1] =	sst s4  }
0xd: {  	[smem:$0x3FB2] =	sst s5  }
0xe: {  	[smem:$0x3FB3] =	sst s6  }
0xf: {  	[smem:$0x3FB4] =	sst s7  }
0x10: {  	[smem:$0x3FB5] =	sst s8  }
0x11: {  	[smem:$0x3FB6] =	sst s9;
	s0 =	simm.s32 @!p0 $0x0  }
0x12: {  	s1 =	sld [smem:$0x3F9C];
	s0 =	simm.s32 @p0 $0x1  }
0x13: {  	[smem:$0x3FB7] =	sst s0;
	s0 =	simm.s32 @!p1 $0x0  }
0x14: {  	s2 =	sld [smem:$0x3F9B];
	s0 =	simm.s32 @p1 $0x1  }
0x15: {  	[smem:$0x3FB8] =	sst s0;
	s0 =	simm.s32 @!p2 $0x0  }
0x16: {  	s3 =	sld [smem:$0x3FDB];
	s0 =	simm.s32 @p2 $0x1  }
0x17: {  	s4 =	simm.s32 $0x1BF5;
	[smem:$0x3FBA] =	sst s0  }
0x18: {  	s0 =	sld [smem:$0x3F9D];
	_ =	swait.ge [sflag:s4], $0x0  }
0x19: {  	s7 =	sld [smem:$0x3F9E]  }
0x1a: {  	s8 =	sadd.s32 $0xFFFFE003, lr  }
0x1b: {  	s9 =	sadd.s32 $0xFFFFFEF7, lr;
	s5 =	simm.s32 $0xFFFFFFFF;
	p2 =	slt.u32 s8, $0xFFFFF086  }
0x1c: {  	p1 =	slt.u32 s9, $0xF7A;
	s5 =	simm.s32 @!p2 $0x0  }
0x1d: {  	s5 =	simm.s32 @p1 $0x1;
	p0 =	seq.s32 s7, s2  }
0x1e: {  	s7 =	smul.u32 @!p0 $0xF7A, s2;
	p2 =	seq.s32 @!p0 s5, $0x0  }
0x1f: {  	s9 =	smul.u32 $0xF7A, s1;
	s8 =	simm.s32 @!p0 $0x1BF5;
	p2 =	por !p2, p0  }
0x20: {  	[sflag:s8] =	ssyncset.s32 @!p0 $0xFFFFF086;
	s6 =	sadd.s32 @!p0 s3, s7;
	s7 =	simm.s32 @!p0 $0x108  }
0x21: {  	s3 =	sadd.s32 s3, s9;
	s6 =	sadd.s32 @!p0 $0x88, s6;
	s7 =	simm.s32 @p2 $0x1082  }
0x22: {  	[simem:s7], [sflag:s8] =	dma.local @!p0 [hbm:s6], $0xF7A  }
0x23: {  	s9 =	sor.u32 $0xD0000000, s2;
	s6 =	simm.s32 $0x108;
	_ =	swait.ge @!p0 [sflag:s8], $0x0  }
0x24: {  	s3 =	sadd.s32 $0x88, s3;
	s6 =	simm.s32 @!p1 $0x1082;
	[sflag:s4] =	ssyncset.s32 $0xFFFFF086  }
0x25: {  	[simem:s6], [sflag:s4] =	dma.local [hbm:s3], $0xF7A  }
0x26: {  	[smem:$0x3F9E] =	sst s1;
	(tag) =	ssettag s2;
	_ =	strace s9  }
0x27: {  	s1 =	sld [smem:$0x3FAE]  }
0x28: {  	s2 =	sld [smem:$0x3FAF]  }
0x29: {  	s4 =	sld [smem:$0x3FB1]  }
0x2a: {  	p0 =	seq.s32 s5, $0x0;
	s5 =	sld [smem:$0x3FB2]  }
0x2b: {  	s6 =	sld [smem:$0x3FB3]  }
0x2c: {  	s7 =	sld [smem:$0x3FB4]  }
0x2d: {  	s3 =	simm.s32 $0x108;
	s8 =	sld [smem:$0x3FB5]  }
0x2e: {  	s3 =	simm.s32 @!p0 $0x1082;
	s9 =	sld [smem:$0x3FB6]  }
0x2f: {  	lr =	sadd.s32 s0, s3;
	s0 =	sld [smem:$0x3FAD]  }
0x30: {  	s3 =	sld [smem:$0x3FB0]  }
0x31: {  	[smem:$0x3FB9] =	sst s10  }
0x32: {  	s10 =	sld [smem:$0x3FB7];
	_ =	sdelay $0x3  }
0x33: {  	p0 =	seq.s32 s10, $0x1;
	s10 =	sld [smem:$0x3FB9];
	_ =	sdelay $0x3  }
0x34: {  	[smem:$0x3FB9] =	sst s10  }
0x35: {  	s10 =	sld [smem:$0x3FB8];
	_ =	sdelay $0x3  }
0x36: {  	p1 =	seq.s32 s10, $0x1;
	s10 =	sld [smem:$0x3FB9];
	_ =	sdelay $0x3  }
0x37: {  	[smem:$0x3FB9] =	sst s10  }
0x38: {  	s10 =	sld [smem:$0x3FBA]  }
0x39: {  	_ = 	snop;
	(pc) =	sbr.ind lr, $3  }
0x3a: {  	_ = 	snop  }
0x3b: {  	_ = 	snop  }
0x3c: {  	p2 =	seq.s32 s10, $0x1;
	s10 =	sld [smem:$0x3FB9]  }
0x3d: {  	_ =	shalt  }
0x3e: {  	_ =	shalt  }
0x3f: {  	_ =	shalt  }
0x40: {  	_ =	shalt  }
0x41: {  	_ =	shalt  }
0x42: {  	_ =	shalt  }
0x43: {  	_ =	shalt  }
0x44: {  	_ =	shalt  }
0x45: {  	_ =	shalt  }
0x46: {  	_ =	shalt  }
0x47: {  	_ =	shalt  }
0x48: {  	_ =	shalt  }
0x49: {  	_ =	shalt  }
0x4a: {  	_ =	shalt  }
0x4b: {  	_ =	shalt  }
0x4c: {  	_ =	shalt  }
0x4d: {  	_ =	shalt  }
0x4e: {  	_ =	shalt  }
0x4f: {  	_ =	shalt  }
0x50: {  	_ =	shalt  }
0x51: {  	_ =	shalt  }
0x52: {  	_ =	shalt  }
0x53: {  	_ =	shalt  }
0x54: {  	_ =	shalt  }
0x55: {  	_ =	shalt  }
0x56: {  	_ =	shalt  }
0x57: {  	_ =	shalt  }
0x58: {  	_ =	shalt  }
0x59: {  	_ =	shalt  }
0x5a: {  	_ =	shalt  }
0x5b: {  	_ =	shalt  }
0x5c: {  	_ =	shalt  }
0x5d: {  	_ =	shalt  }
0x5e: {  	_ =	shalt  }
0x5f: {  	_ =	shalt  }
0x60: {  	_ =	shalt  }
0x61: {  	_ =	shalt  }
0x62: {  	_ =	shalt  }
0x63: {  	_ =	shalt  }
0x64: {  	_ =	shalt  }
0x65: {  	_ =	shalt  }
0x66: {  	_ =	shalt  }
0x67: {  	_ =	shalt  }
0x68: {  	_ =	shalt  }
0x69: {  	_ =	shalt  }
0x6a: {  	_ =	shalt  }
0x6b: {  	_ =	shalt  }
0x6c: {  	_ =	shalt  }
0x6d: {  	_ =	shalt  }
0x6e: {  	_ =	shalt  }
0x6f: {  	_ =	shalt  }
0x70: {  	_ =	shalt  }
0x71: {  	_ =	shalt  }
0x72: {  	_ =	shalt  }
0x73: {  	_ =	shalt  }
0x74: {  	_ =	shalt  }
0x75: {  	_ =	shalt  }
0x76: {  	_ =	shalt  }
0x77: {  	_ =	shalt  }
0x78: {  	_ =	shalt  }
0x79: {  	_ =	shalt  }
0x7a: {  	_ =	shalt  }
0x7b: {  	_ =	shalt  }
0x7c: {  	_ =	shalt  }
0x7d: {  	_ =	shalt  }
0x7e: {  	_ =	shalt  }
0x7f: {  	_ =	shalt  }
0x80: {  	_ =	shalt  }
0x81: {  	_ =	shalt  }
0x82: {  	_ =	shalt  }
0x83: {  	_ =	shalt  }
0x84: {  	_ =	shalt  }
0x85: {  	_ =	shalt  }
0x86: {  	_ =	shalt  }
0x87: {  	_ =	shalt  }
.Lfunc_end0:
.L_simem_size_0:
called_computation_lowered:
.L_overlay_start_0:
0x88: {  	s2 =	sld [smem:$0x3FD9]  }
0x89: {  	s3 =	sld [smem:$0x3FFE];
	_ =	sdelay $0x1  }
0x8a: {  	s1 =	srdreg.scid  }
0x8b: {  	s0 =	sand.u32 $0x1, s1  }
0x8c: {  	s17 =	sshll.u32 s0, $0xA;
	s2 =	sadd.s32 s3, s2  }
0x8d: {  	s2 =	sadd.s32 s2, s17  }
0x8e: {  	[smem:$0x3FC5] =	sst s2  }
0x8f: {  	_ = 	snop  }
0x90: {  	s2 =	sld [smem:$0x3FD0];
	(tm) =	ssettm $0x1  }
0x91: {  	s18 =	sld [smem:$0x3FFB];
	_ =	sdelay $0x3  }
0x92: {  	_ =	strace s18  }
0x93: {  	s3 =	sld [smem:$0x3FFC];
	_ =	sdelay $0x3  }
0x94: {  	_ =	strace s3  }
0x95: {  	s3 =	sld [smem:$0x3FFD];
	_ =	sdelay $0x3  }
0x96: {  	_ =	strace s3  }
0x97: {  	_ =	strace $0x8FFFFFFF  }
0x98: {  	s19 =	sld [smem:$0x3FDB];
	_ =	sdelay $0x1  }
0x99: {  	s4 =	simm.s32 $_scs_section_size  }
0x9a: {  	s5 =	simm.s32 $_size__tile_overlayer_lowered;
	s6 =	simm.s32 $_tile_overlayer_lowered  }
0x9b: {  	s22 =	simm.s32 $0x1BFF;
	s21 =	sshll.u32 s6, $0x1;
	s3 =	sadd.s32 s4, s19  }
0x9c: {  	s7 =	simm.s32 $0x0;
	s20 =	sshll.u32 s5, $0x1;
	s5 =	sadd.s32 s21, s3  }
0x9d: {  	[timem:s7], [sflag:s22] =	dma.local [hbm:s5], s20  }
0x9e: {  	_ =	swait.ge [sflag:s22], s20  }
0x9f: {  	s4 =	ssub.s32 $0x0, s20;
	[sflag:s22] =	ssyncset.done $0x0  }
0xa0: {  	[sflag:s22] =	ssyncadd.s32 s4;
	_ =	sdelay $0x1  }
0xa1: {  	s23 =	simm.s32 $0x1B8B  }
0xa2: {  	_ =	swait.ge [sflag:s23], $0x1  }
0xa3: {  	[sflag:s23] =	ssyncset.done $0x0  }
0xa4: {  	s25 =	simm.s32 $0x1B8E;
	s24 =	sld [smem:$0x3FFE];
	[sflag:s23] =	ssyncadd.s32 $0xFFFFFFFF  }
0xa5: {  	s26 =	simm.s32 $execute0_lowered;
	[smem:$0x3FD2] =	sst s25  }
0xa6: {  	s5 =	sshll.u32 s26, $0x1;
	_ =	strace $0x80000046;
	[dreg:$0x1] =	wrdreg $0xFFFFFFFF  }
0xa7: {  	s28 =	simm.s32 $_size_execute0_lowered;
	s3 =	sadd.s32 s3, s5;
	[dreg:$0x0] =	wrdreg $0x0  }
0xa8: {  	s5 =	sshll.u32 s28, $0x1;
	[dreg:$0x2] =	wrdreg s3  }
0xa9: {  	[dreg:$0x3] =	wrdreg s5  }
0xaa: {  	[dreg:$0x4] =	wrdreg $0xC0  }
0xab: {  	_ =	task [dreg:s7], $0x5FFFF  }
0xac: {  	[dreg:$0x1] =	wrdreg $0xFFFFFFFF  }
0xad: {  	[dreg:$0x0] =	wrdreg $0x60  }
0xae: {  	[dreg:$0x2] =	wrdreg s24  }
0xaf: {  	[dreg:$0x3] =	wrdreg s2  }
0xb0: {  	[dreg:$0x4] =	wrdreg $0x9  }
0xb1: {  	_ =	task.clear_ibuf [dreg:s7], $0x5FFFF;
	_ =	strace $0x90000046  }
0xb2: {  	s29 =	simm.s32 $0x9;
	_ =	strace $0x80000048  }
0xb3: {  	_ =	swait.ge [sflag:s29], $0x1  }
0xb4: {  	[sflag:s29] =	ssyncadd.s32 $0xFFFFFFFF  }
0xb5: {  	_ =	strace $0x90000048  }
0xb6: {  	_ =	sfence  }
0xb7: {  	s30 =	sld [smem:$0x0];
	_ =	sdelay $0x2  }
0xb8: {  	s31 =	sshll.u32 s1, $0xD;
	s1 =	sshrl.u32 s1, $0x2  }
0xb9: {  	s3 =	sand.u32 $0x4000, s31;
	s1 =	sadd.s32 s1, s30  }
0xba: {  	s0 =	sor.u32 s3, s0;
	s1 =	sshll.u32 s1, $0x11  }
0xbb: {  	s0 =	sor.u32 s1, s0  }
0xbc: {  	s0 =	sadd.s32 $0x8F2B, s0  }
0xbd: {  	[sflag:s0] =	ssyncadd.remote.s32 $0x1  }
0xbe: {  	_ =	sfence.sel $0xFFFF  }
0xbf: {  	[dreg:$0x0] =	wrdreg $0xFFFFFFFF;
	(pc) =	sbr.abs _section_cstart, $3  }
0xc0: {  	[dreg:$0x1] =	wrdreg $0xFFFFFFFF  }
0xc1: {  	_ =	task.clear_ibuf [dreg:s7], $0x2FFFF;
	_ =	strace $0x9FFFFFFF  }
0xc2: {  	(tm) =	ssettm $0x7FFFFFFF  }
0xc3: {  	_ =	shalt  }
tec
execute0_lowered:
.L_overlay_start_1:
0x0: {  	(tag) =	ssettag $0x1  }
0x1: {  	s0 =	rddreg [dreg:$0x0]  }
0x2: {  	s9 =	rddreg [dreg:$0x1];
	s2 =	simm.s32 $0x0  }
0x3: {  	s3 =	srdreg.scid;
	s1 =	stileid.u32;
	s12 =	simm.s32 $0x700  }
0x4: {  	s13 =	simm.s32 $0xA80;
	s14 =	simm.s32 $0xE00;
	s15 =	simm.s32 $0x1  }
0x5: {  	s16 =	simm.s32 $0x100;
	s28 =	simm.s32 $0x5;
	s29 =	simm.s32 $0x300  }
0x6: {  	s30 =	simm.s32 $0x680;
	s31 =	simm.s32 $0xA00;
	[smem:$0x7FF] =	sst s2  }
0x7: {  	s5 =	sadd.s32 $0x200, s0;
	s4 =	sand.u32 $0x1, s3;
	s6 =	sshll.u32 s1, $0x1  }
0x8: {  	s3 =	sadd.s32 $0x1200, s0;
	s0 =	sadd.s32 $0x1FC00, s0;
	_ =	strace $0x80000047  }
0x9: {  	s6 =	sor.u32 s4, s6;
	[dreg:$0x3] =	wrdreg s0;
	s17 =	ssub.s32 $0x2, s4  }
0xa: {  	s18 =	sshll.u32 s6, $0x9;
	s7 =	sshrl.u32 s17, $0x1;
	s8 =	sshll.u32 s6, $0x7  }
0xb: {  	s6 =	sshll.u32 s6, $0x6;
	s10 =	sor.u32 $0x80, s18;
	s0 =	ssub.s32 s17, s7  }
0xc: {  	s19 =	sadd.s32 s5, s8;
	s22 =	sor.u32 $0x100, s18;
	s11 =	sor.u32 $0x180, s18  }
0xd: {  	s6 =	sadd.s32 s9, s6;
	s17 =	simm.s32 $0x200;
	s18 =	simm.s32 $0x2  }
0xe: {  	s20 =	sshrl.u32 s10, $0x2;
	[dreg:$0x4] =	wrdreg s19;
	s23 =	sshrl.u32 s22, $0x2  }
0xf: {  	s24 =	sshrl.u32 s11, $0x2;
	s25 =	sshrl.u32 s10, $0x3;
	s8 =	sshrl.u32 s22, $0x3  }
0x10: {  	s26 =	sshrl.u32 s11, $0x3;
	s10 =	smax.u32 s0, $0x1;
	s19 =	simm.s32 $0x480  }
0x11: {  	v0 =	vlaneseq.u32;
	s22 =	simm.s32 $0x800;
	s0 =	simm.s32 $0xD80;
	s21 =	sadd.s32 s5, s20  }
0x12: {  	v0 =	vand.u32 $0x7, v0;
	s4 =	sadd.s32 s5, s23;
	s5 =	sadd.s32 s5, s24;
	s7 =	sadd.s32 s9, s25  }
0x13: {  	v0 =	vmul.u32 $0x2, v0;
	s8 =	sadd.s32 s9, s8;
	s9 =	sadd.s32 s9, s26;
	s20 =	simm.s32 $0x580  }
0x14: {  	s23 =	simm.s32 $0x900;
	s24 =	simm.s32 $0x4;
	s25 =	simm.s32 $0xB80  }
0x15: {  	vm0 =	vmmov $0xff;
	v1 =	vor.u32 $0x1, v0;
	s26 =	simm.s32 $0xC80;
	[dreg:$0x5] =	wrdreg s21;
	s21 =	simm.s32 $0x3  }
.LBB2_1:
0x16: {  	s1 =	rddreg [dreg:$0x4]  }
0x17: {  	[tilespmem:s2], [sflag:$0x1] =	stream.linear.gather [hbm4b:s1+s2], $0x100, $0x38;
	[tilespmem:$0xE80] =	vst v63  }
0x18: {  	s11 =	rddreg [dreg:$0x5];
	s1 =	simm.s32 $0x380  }
0x19: {  	[tilespmem:s1], [sflag:$0x2] =	stream.linear.gather [hbm4b:s11+s2], $0x100, $0x38;
	[tilespmem:$0xE80] =	vst v63  }
0x1a: {  	_ = 	snop  }
0x1b: {  	[tilespmem:s12], [sflag:$0x3] =	stream.linear.gather [hbm4b:s4+s2], $0x100, $0x38;
	[tilespmem:$0xE80] =	vst v63  }
0x1c: {  	_ = 	snop  }
0x1d: {  	[tilespmem:s13], [sflag:$0x4] =	stream.linear.gather [hbm4b:s5+s2], $0x100, $0x38;
	[tilespmem:$0xE80] =	vst v63  }
0x1e: {  	s11 =	rddreg [dreg:$0x3]  }
0x1f: {  	[tilespmem:s14], [sflag:$0x5] =	stream.linear.gather [hbm4b:s11+s2], $0x80, $0x38;
	[tilespmem:$0xE80] =	vst v63  }
0x20: {  	_ =	swait.ge [sflag:s15], $0x100  }
0x21: {  	[sflag:s15] =	ssyncset.done $0x0  }
0x22: {  	[sflag:s15] =	ssyncadd.s32 $0xFFFFFF00  }
0x23: {  	v2 =	vld [tilespmem:$0x0]  }
0x24: {  	v3 =	vld [tilespmem:$0x10]  }
0x25: {  	v4 =	vld [tilespmem:$0x20]  }
0x26: {  	v5 =	vld [tilespmem:$0x30]  }
0x27: {  	v6 =	vld [tilespmem:$0x40]  }
0x28: {  	v7 =	vld [tilespmem:$0x50]  }
0x29: {  	v10 =	vld [tilespmem:$0x60];
	v8 =	vperm.xlane v2, v0  }
0x2a: {  	v12 =	vld [tilespmem:$0x70];
	v9 =	vperm.xlane v3, v0;
	v2 =	vperm.xlane v2, v1  }
0x2b: {  	v3 =	vperm.xlane v3, v1;
	v58 =	vperm.xlane v4, v0  }
0x2c: {  	v60 =	vld [tilespmem:$0x80];
	v11 =	vperm.xlane v5, v0;
	v59 =	vperm.xlane v5, v1  }
0x2d: {  	v15 =	vld [tilespmem:$0x90];
	v13 =	vperm.xlane v6, v0;
	v14 =	vperm.xlane v7, v0  }
0x2e: {  	v61 =	vperm.xlane v6, v1;
	v62 =	vperm.xlane v7, v1  }
0x2f: {  	v63 =	vld [tilespmem:$0xA0];
	v19 =	vperm.xlane v10, v0;
	v20 =	vperm.xlane v12, v0  }
0x30: {  	v18 =	vld [tilespmem:$0xB0];
	v21 =	vperm.xlane v10, v1;
	v22 =	vperm.xlane v12, v1;
	v8 =	vsel vm0, v8, v9  }
0x31: {  	v2 =	vsel vm0, v2, v3;
	v3 =	vperm.xlane v4, v1;
	v16 =	vsel vm0, v58, v11;
	[tilespmem:$0x100] =	vst v8  }
0x32: {  	v23 =	vld [tilespmem:$0xC0];
	v24 =	vperm.xlane v60, v0;
	v25 =	vperm.xlane v15, v0;
	v17 =	vsel vm0, v13, v14;
	[tilespmem:$0x110] =	vst v16  }
0x33: {  	v26 =	vld [tilespmem:$0xD0];
	v5 =	vperm.xlane v60, v1;
	v2 =	vadd.s32 $0x7A120, v2;
	[tilespmem:$0x120] =	vst v17;
	v3 =	vsel vm0, v3, v59  }
0x34: {  	v28 =	vld [tilespmem:$0xE0];
	v27 =	vperm.xlane v15, v1;
	[tilespmem:$0x180] =	vst v2;
	v2 =	vsel vm0, v61, v62;
	v3 =	vadd.s32 $0x7A120, v3  }
0x35: {  	v29 =	vperm.xlane v63, v0;
	v30 =	vperm.xlane v18, v0;
	v2 =	vadd.s32 $0x7A120, v2;
	[tilespmem:$0x190] =	vst v3  }
0x36: {  	v31 =	vld [tilespmem:$0xF0];
	v32 =	vperm.xlane v63, v1;
	v8 =	vsel vm0, v21, v22;
	v3 =	vsel vm0, v19, v20;
	[tilespmem:$0x1A0] =	vst v2  }
0x37: {  	v33 =	vperm.xlane v18, v1;
	v35 =	vperm.xlane v23, v0;
	v2 =	vadd.s32 $0x7A120, v8;
	[tilespmem:$0x130] =	vst v3  }
0x38: {  	v36 =	vperm.xlane v26, v0;
	v3 =	vsel vm0, v5, v27;
	[tilespmem:$0x1B0] =	vst v2;
	v2 =	vsel vm0, v24, v25  }
0x39: {  	v37 =	vperm.xlane v26, v1;
	v39 =	vperm.xlane v28, v0;
	v3 =	vadd.s32 $0x7A120, v3;
	[tilespmem:$0x140] =	vst v2  }
0x3a: {  	v34 =	vsel vm0, v29, v30;
	v2 =	vsel vm0, v32, v33;
	[tilespmem:$0x1C0] =	vst v3;
	v3 =	vperm.xlane v23, v1  }
0x3b: {  	v40 =	vperm.xlane v31, v0;
	v41 =	vperm.xlane v31, v1;
	[tilespmem:$0x150] =	vst v34;
	v2 =	vadd.s32 $0x7A120, v2  }
0x3c: {  	v38 =	vsel vm0, v35, v36;
	[tilespmem:$0x1D0] =	vst v2;
	v2 =	vsel vm0, v3, v37;
	v3 =	vperm.xlane v28, v1  }
0x3d: {  	[tilespmem:$0x160] =	vst v38;
	v2 =	vadd.s32 $0x7A120, v2  }
0x3e: {  	[tilespmem:$0x1E0] =	vst v2;
	v2 =	vsel vm0, v39, v40;
	v3 =	vsel vm0, v3, v41  }
0x3f: {  	[tilespmem:$0x170] =	vst v2;
	v2 =	vadd.s32 $0x7A120, v3  }
0x40: {  	[tilespmem:$0x1F0] =	vst v2  }
0x41: {  	[tilespmem:s17], [sflag:$0x1] =	stream.indirect.gather [hbm4b:s3+s16], $0x1, s16, s16, $0xb8;
	[tilespmem:$0xE80] =	vst v63  }
0x42: {  	_ =	swait.ge [sflag:s18], $0x100  }
0x43: {  	[sflag:s18] =	ssyncset.done $0x0  }
0x44: {  	[sflag:s18] =	ssyncadd.s32 $0xFFFFFF00  }
0x45: {  	v2 =	vld [tilespmem:$0x380]  }
0x46: {  	v3 =	vld [tilespmem:$0x390]  }
0x47: {  	v42 =	vld [tilespmem:$0x3A0]  }
0x48: {  	v43 =	vld [tilespmem:$0x3B0]  }
0x49: {  	v44 =	vld [tilespmem:$0x3C0]  }
0x4a: {  	v45 =	vld [tilespmem:$0x3D0]  }
0x4b: {  	v48 =	vld [tilespmem:$0x3E0];
	v46 =	vperm.xlane v2, v0  }
0x4c: {  	v51 =	vld [tilespmem:$0x3F0];
	v47 =	vperm.xlane v3, v0;
	v2 =	vperm.xlane v2, v1  }
0x4d: {  	v3 =	vperm.xlane v3, v1;
	v49 =	vperm.xlane v42, v0  }
0x4e: {  	v53 =	vld [tilespmem:$0x400];
	v50 =	vperm.xlane v43, v0;
	v52 =	vperm.xlane v43, v1  }
0x4f: {  	v56 =	vld [tilespmem:$0x410];
	v54 =	vperm.xlane v44, v0;
	v55 =	vperm.xlane v45, v0  }
0x50: {  	v57 =	vperm.xlane v44, v1;
	v58 =	vperm.xlane v45, v1  }
0x51: {  	v59 =	vld [tilespmem:$0x420];
	v63 =	vperm.xlane v48, v0;
	v16 =	vperm.xlane v51, v0  }
0x52: {  	v62 =	vld [tilespmem:$0x430];
	v17 =	vperm.xlane v48, v1;
	v18 =	vperm.xlane v51, v1;
	v8 =	vsel vm0, v46, v47  }
0x53: {  	v2 =	vsel vm0, v2, v3;
	v3 =	vperm.xlane v42, v1;
	v60 =	vsel vm0, v49, v50;
	[tilespmem:$0x480] =	vst v8  }
0x54: {  	v19 =	vld [tilespmem:$0x440];
	v20 =	vperm.xlane v53, v0;
	v21 =	vperm.xlane v56, v0;
	v61 =	vsel vm0, v54, v55;
	[tilespmem:$0x490] =	vst v60  }
0x55: {  	v22 =	vld [tilespmem:$0x450];
	v5 =	vperm.xlane v53, v1;
	v2 =	vadd.s32 $0x7A120, v2;
	[tilespmem:$0x4A0] =	vst v61;
	v3 =	vsel vm0, v3, v52  }
0x56: {  	v24 =	vld [tilespmem:$0x460];
	v23 =	vperm.xlane v56, v1;
	[tilespmem:$0x500] =	vst v2;
	v2 =	vsel vm0, v57, v58;
	v3 =	vadd.s32 $0x7A120, v3  }
0x57: {  	v25 =	vperm.xlane v59, v0;
	v26 =	vperm.xlane v62, v0;
	v2 =	vadd.s32 $0x7A120, v2;
	[tilespmem:$0x510] =	vst v3  }
0x58: {  	v27 =	vld [tilespmem:$0x470];
	v28 =	vperm.xlane v59, v1;
	v8 =	vsel vm0, v17, v18;
	v3 =	vsel vm0, v63, v16;
	[tilespmem:$0x520] =	vst v2  }
0x59: {  	v29 =	vperm.xlane v62, v1;
	v31 =	vperm.xlane v19, v0;
	v2 =	vadd.s32 $0x7A120, v8;
	[tilespmem:$0x4B0] =	vst v3  }
0x5a: {  	v32 =	vperm.xlane v22, v0;
	v3 =	vsel vm0, v5, v23;
	[tilespmem:$0x530] =	vst v2;
	v2 =	vsel vm0, v20, v21  }
0x5b: {  	v33 =	vperm.xlane v22, v1;
	v35 =	vperm.xlane v24, v0;
	v3 =	vadd.s32 $0x7A120, v3;
	[tilespmem:$0x4C0] =	vst v2  }
0x5c: {  	v30 =	vsel vm0, v25, v26;
	v2 =	vsel vm0, v28, v29;
	[tilespmem:$0x540] =	vst v3;
	v3 =	vperm.xlane v19, v1  }
0x5d: {  	v36 =	vperm.xlane v27, v0;
	v37 =	vperm.xlane v27, v1;
	[tilespmem:$0x4D0] =	vst v30;
	v2 =	vadd.s32 $0x7A120, v2  }
0x5e: {  	v34 =	vsel vm0, v31, v32;
	[tilespmem:$0x550] =	vst v2;
	v2 =	vsel vm0, v3, v33;
	v3 =	vperm.xlane v24, v1  }
0x5f: {  	[tilespmem:$0x4E0] =	vst v34;
	v2 =	vadd.s32 $0x7A120, v2  }
0x60: {  	[tilespmem:$0x560] =	vst v2;
	v2 =	vsel vm0, v35, v36;
	v3 =	vsel vm0, v3, v37  }
0x61: {  	[tilespmem:$0x4F0] =	vst v2;
	v2 =	vadd.s32 $0x7A120, v3  }
0x62: {  	[tilespmem:$0x570] =	vst v2  }
0x63: {  	[tilespmem:s20], [sflag:$0x2] =	stream.indirect.gather [hbm4b:s3+s16], $0x1, s19, s16, $0xb8;
	[tilespmem:$0xE80] =	vst v63  }
0x64: {  	_ =	swait.ge [sflag:s21], $0x100  }
0x65: {  	[sflag:s21] =	ssyncset.done $0x0  }
0x66: {  	[sflag:s21] =	ssyncadd.s32 $0xFFFFFF00  }
0x67: {  	v2 =	vld [tilespmem:$0x700]  }
0x68: {  	v3 =	vld [tilespmem:$0x710]  }
0x69: {  	v38 =	vld [tilespmem:$0x720]  }
0x6a: {  	v39 =	vld [tilespmem:$0x730]  }
0x6b: {  	v40 =	vld [tilespmem:$0x740]  }
0x6c: {  	v41 =	vld [tilespmem:$0x750]  }
0x6d: {  	v44 =	vld [tilespmem:$0x760];
	v42 =	vperm.xlane v2, v0  }
0x6e: {  	v47 =	vld [tilespmem:$0x770];
	v43 =	vperm.xlane v3, v0;
	v2 =	vperm.xlane v2, v1  }
0x6f: {  	v3 =	vperm.xlane v3, v1;
	v45 =	vperm.xlane v38, v0  }
0x70: {  	v49 =	vld [tilespmem:$0x780];
	v46 =	vperm.xlane v39, v0;
	v48 =	vperm.xlane v39, v1  }
0x71: {  	v52 =	vld [tilespmem:$0x790];
	v50 =	vperm.xlane v40, v0;
	v51 =	vperm.xlane v41, v0  }
0x72: {  	v53 =	vperm.xlane v40, v1;
	v54 =	vperm.xlane v41, v1  }
0x73: {  	v55 =	vld [tilespmem:$0x7A0];
	v59 =	vperm.xlane v44, v0;
	v60 =	vperm.xlane v47, v0  }
0x74: {  	v58 =	vld [tilespmem:$0x7B0];
	v61 =	vperm.xlane v44, v1;
	v62 =	vperm.xlane v47, v1;
	v8 =	vsel vm0, v42, v43  }
0x75: {  	v2 =	vsel vm0, v2, v3;
	v3 =	vperm.xlane v38, v1;
	v56 =	vsel vm0, v45, v46;
	[tilespmem:$0x800] =	vst v8  }
0x76: {  	v63 =	vld [tilespmem:$0x7C0];
	v18 =	vperm.xlane v49, v0;
	v19 =	vperm.xlane v52, v0;
	v57 =	vsel vm0, v50, v51;
	[tilespmem:$0x810] =	vst v56  }
0x77: {  	v20 =	vld [tilespmem:$0x7D0];
	v5 =	vperm.xlane v49, v1;
	v2 =	vadd.s32 $0x7A120, v2;
	[tilespmem:$0x820] =	vst v57;
	v3 =	vsel vm0, v3, v48  }
0x78: {  	v22 =	vld [tilespmem:$0x7E0];
	v21 =	vperm.xlane v52, v1;
	[tilespmem:$0x880] =	vst v2;
	v2 =	vsel vm0, v53, v54;
	v3 =	vadd.s32 $0x7A120, v3  }
0x79: {  	v23 =	vperm.xlane v55, v0;
	v24 =	vperm.xlane v58, v0;
	v2 =	vadd.s32 $0x7A120, v2;
	[tilespmem:$0x890] =	vst v3  }
0x7a: {  	v25 =	vld [tilespmem:$0x7F0];
	v26 =	vperm.xlane v55, v1;
	v8 =	vsel vm0, v61, v62;
	v3 =	vsel vm0, v59, v60;
	[tilespmem:$0x8A0] =	vst v2  }
0x7b: {  	v27 =	vperm.xlane v58, v1;
	v29 =	vperm.xlane v63, v0;
	v2 =	vadd.s32 $0x7A120, v8;
	[tilespmem:$0x830] =	vst v3  }
0x7c: {  	v30 =	vperm.xlane v20, v0;
	v3 =	vsel vm0, v5, v21;
	[tilespmem:$0x8B0] =	vst v2;
	v2 =	vsel vm0, v18, v19  }
0x7d: {  	v31 =	vperm.xlane v20, v1;
	v33 =	vperm.xlane v22, v0;
	v3 =	vadd.s32 $0x7A120, v3;
	[tilespmem:$0x840] =	vst v2  }
0x7e: {  	v28 =	vsel vm0, v23, v24;
	v2 =	vsel vm0, v26, v27;
	[tilespmem:$0x8C0] =	vst v3;
	v3 =	vperm.xlane v63, v1  }
0x7f: {  	v34 =	vperm.xlane v25, v0;
	v35 =	vperm.xlane v25, v1;
	[tilespmem:$0x850] =	vst v28;
	v2 =	vadd.s32 $0x7A120, v2  }
0x80: {  	v32 =	vsel vm0, v29, v30;
	[tilespmem:$0x8D0] =	vst v2;
	v2 =	vsel vm0, v3, v31;
	v3 =	vperm.xlane v22, v1  }
0x81: {  	[tilespmem:$0x860] =	vst v32;
	v2 =	vadd.s32 $0x7A120, v2  }
0x82: {  	[tilespmem:$0x8E0] =	vst v2;
	v2 =	vsel vm0, v33, v34;
	v3 =	vsel vm0, v3, v35  }
0x83: {  	[tilespmem:$0x870] =	vst v2;
	v2 =	vadd.s32 $0x7A120, v3  }
0x84: {  	[tilespmem:$0x8F0] =	vst v2  }
0x85: {  	[tilespmem:s23], [sflag:$0x3] =	stream.indirect.gather [hbm4b:s3+s16], $0x1, s22, s16, $0xb8;
	[tilespmem:$0xE80] =	vst v63  }
0x86: {  	_ =	swait.ge [sflag:s24], $0x100  }
0x87: {  	[sflag:s24] =	ssyncset.done $0x0  }
0x88: {  	[sflag:s24] =	ssyncadd.s32 $0xFFFFFF00  }
0x89: {  	v2 =	vld [tilespmem:$0xA80]  }
0x8a: {  	v3 =	vld [tilespmem:$0xA90]  }
0x8b: {  	v36 =	vld [tilespmem:$0xAA0]  }
0x8c: {  	v37 =	vld [tilespmem:$0xAB0]  }
0x8d: {  	v38 =	vld [tilespmem:$0xAC0]  }
0x8e: {  	v39 =	vld [tilespmem:$0xAD0]  }
0x8f: {  	v42 =	vld [tilespmem:$0xAE0];
	v40 =	vperm.xlane v2, v0  }
0x90: {  	v45 =	vld [tilespmem:$0xAF0];
	v41 =	vperm.xlane v3, v0;
	v2 =	vperm.xlane v2, v1  }
0x91: {  	v3 =	vperm.xlane v3, v1;
	v43 =	vperm.xlane v36, v0  }
0x92: {  	v47 =	vld [tilespmem:$0xB00];
	v44 =	vperm.xlane v37, v0;
	v46 =	vperm.xlane v37, v1  }
0x93: {  	v50 =	vld [tilespmem:$0xB10];
	v48 =	vperm.xlane v38, v0;
	v49 =	vperm.xlane v39, v0  }
0x94: {  	v51 =	vperm.xlane v38, v1;
	v52 =	vperm.xlane v39, v1  }
0x95: {  	v53 =	vld [tilespmem:$0xB20];
	v57 =	vperm.xlane v42, v0;
	v58 =	vperm.xlane v45, v0  }
0x96: {  	v56 =	vld [tilespmem:$0xB30];
	v59 =	vperm.xlane v42, v1;
	v60 =	vperm.xlane v45, v1;
	v8 =	vsel vm0, v40, v41  }
0x97: {  	v2 =	vsel vm0, v2, v3;
	v3 =	vperm.xlane v36, v1;
	v54 =	vsel vm0, v43, v44;
	[tilespmem:$0xB80] =	vst v8  }
0x98: {  	v61 =	vld [tilespmem:$0xB40];
	v62 =	vperm.xlane v47, v0;
	v63 =	vperm.xlane v50, v0;
	v55 =	vsel vm0, v48, v49;
	[tilespmem:$0xB90] =	vst v54  }
0x99: {  	v18 =	vld [tilespmem:$0xB50];
	v5 =	vperm.xlane v47, v1;
	v2 =	vadd.s32 $0x7A120, v2;
	[tilespmem:$0xBA0] =	vst v55;
	v3 =	vsel vm0, v3, v46  }
0x9a: {  	v20 =	vld [tilespmem:$0xB60];
	v19 =	vperm.xlane v50, v1;
	[tilespmem:$0xC00] =	vst v2;
	v2 =	vsel vm0, v51, v52;
	v3 =	vadd.s32 $0x7A120, v3  }
0x9b: {  	v21 =	vperm.xlane v53, v0;
	v22 =	vperm.xlane v56, v0;
	v2 =	vadd.s32 $0x7A120, v2;
	[tilespmem:$0xC10] =	vst v3  }
0x9c: {  	v23 =	vld [tilespmem:$0xB70];
	v24 =	vperm.xlane v53, v1;
	v8 =	vsel vm0, v59, v60;
	v3 =	vsel vm0, v57, v58;
	[tilespmem:$0xC20] =	vst v2  }
0x9d: {  	v25 =	vperm.xlane v56, v1;
	v27 =	vperm.xlane v61, v0;
	v2 =	vadd.s32 $0x7A120, v8;
	[tilespmem:$0xBB0] =	vst v3  }
0x9e: {  	v28 =	vperm.xlane v18, v0;
	v3 =	vsel vm0, v5, v19;
	[tilespmem:$0xC30] =	vst v2;
	v2 =	vsel vm0, v62, v63  }
0x9f: {  	v29 =	vperm.xlane v18, v1;
	v31 =	vperm.xlane v20, v0;
	v3 =	vadd.s32 $0x7A120, v3;
	[tilespmem:$0xBC0] =	vst v2  }
0xa0: {  	v26 =	vsel vm0, v21, v22;
	v2 =	vsel vm0, v24, v25;
	[tilespmem:$0xC40] =	vst v3;
	v3 =	vperm.xlane v61, v1  }
0xa1: {  	v32 =	vperm.xlane v23, v0;
	v33 =	vperm.xlane v23, v1;
	[tilespmem:$0xBD0] =	vst v26;
	v2 =	vadd.s32 $0x7A120, v2  }
0xa2: {  	v30 =	vsel vm0, v27, v28;
	[tilespmem:$0xC50] =	vst v2;
	v2 =	vsel vm0, v3, v29;
	v3 =	vperm.xlane v20, v1  }
0xa3: {  	[tilespmem:$0xBE0] =	vst v30;
	v2 =	vadd.s32 $0x7A120, v2  }
0xa4: {  	[tilespmem:$0xC60] =	vst v2;
	v2 =	vsel vm0, v31, v32;
	v3 =	vsel vm0, v3, v33  }
0xa5: {  	[tilespmem:$0xBF0] =	vst v2;
	v2 =	vadd.s32 $0x7A120, v3  }
0xa6: {  	[tilespmem:$0xC70] =	vst v2  }
0xa7: {  	[tilespmem:s26], [sflag:$0x4] =	stream.indirect.gather [hbm4b:s3+s16], $0x1, s25, s16, $0xb8;
	[tilespmem:$0xE80] =	vst v63  }
0xa8: {  	_ =	swait.ge [sflag:s28], $0x80  }
0xa9: {  	[sflag:s28] =	ssyncset.done $0x0  }
0xaa: {  	[sflag:s28] =	ssyncadd.s32 $0xFFFFFF80  }
0xab: {  	v2 =	vld [tilespmem:$0xE00];
	_ =	swait.ge [sflag:s15], $0x100  }
0xac: {  	[sflag:s15] =	ssyncset.done $0x0  }
0xad: {  	[sflag:s15] =	ssyncadd.s32 $0xFFFFFF00  }
0xae: {  	v3 =	vld [tilespmem:$0x200]  }
0xaf: {  	v34 =	vld [tilespmem:$0x280]  }
0xb0: {  	v35 =	vld [tilespmem:$0x210]  }
0xb1: {  	v36 =	vld [tilespmem:$0x290]  }
0xb2: {  	v37 =	vld [tilespmem:$0x220]  }
0xb3: {  	v38 =	vld [tilespmem:$0x2A0]  }
0xb4: {  	v39 =	vld [tilespmem:$0x230]  }
0xb5: {  	v40 =	vld [tilespmem:$0x2B0]  }
0xb6: {  	v41 =	vld [tilespmem:$0x240]  }
0xb7: {  	v42 =	vld [tilespmem:$0x2C0]  }
0xb8: {  	v43 =	vld [tilespmem:$0x250]  }
0xb9: {  	v44 =	vld [tilespmem:$0x2D0]  }
0xba: {  	v45 =	vld [tilespmem:$0x260]  }
0xbb: {  	v47 =	vld [tilespmem:$0x270];
	v3 =	vadd.f32 v34, v3  }
0xbc: {  	v48 =	vld [tilespmem:$0x2F0];
	v5 =	vadd.f32 v36, v35  }
0xbd: {  	v46 =	vld [tilespmem:$0x2E0];
	v9 =	vadd.f32 v40, v39;
	v3 =	vadd.f32 v3, v2  }
0xbe: {  	v7 =	vadd.f32 v38, v37;
	v5 =	vadd.f32 v5, v2  }
0xbf: {  	v51 =	vadd.f32 v44, v43;
	v50 =	vadd.f32 v9, v2;
	[tilespmem:$0x300] =	vst v3  }
0xc0: {  	v49 =	vadd.f32 v42, v41;
	v3 =	vadd.f32 v7, v2;
	[tilespmem:$0x310] =	vst v5  }
0xc1: {  	v6 =	vadd.f32 v48, v47;
	v52 =	vadd.f32 v51, v2;
	[tilespmem:$0x330] =	vst v50  }
0xc2: {  	v4 =	vadd.f32 v46, v45;
	[tilespmem:$0x320] =	vst v3;
	v3 =	vadd.f32 v49, v2  }
0xc3: {  	v53 =	vadd.f32 v6, v2;
	[tilespmem:$0x350] =	vst v52  }
0xc4: {  	[tilespmem:$0x340] =	vst v3;
	v3 =	vadd.f32 v4, v2  }
0xc5: {  	[tilespmem:$0x370] =	vst v53  }
0xc6: {  	[tilespmem:$0x360] =	vst v3  }
0xc7: {  	[hbm4b:s6+s2] =	stream.linear.scatter [tilespmem:s29], [sflag:$0x5], $0x80, $0x38;
	[tilespmem:$0xE80] =	vst v63  }
0xc8: {  	_ =	swait.ge [sflag:s18], $0x100  }
0xc9: {  	[sflag:s18] =	ssyncset.done $0x0  }
0xca: {  	[sflag:s18] =	ssyncadd.s32 $0xFFFFFF00  }
0xcb: {  	v3 =	vld [tilespmem:$0x580]  }
0xcc: {  	v54 =	vld [tilespmem:$0x600]  }
0xcd: {  	v55 =	vld [tilespmem:$0x590]  }
0xce: {  	v56 =	vld [tilespmem:$0x610]  }
0xcf: {  	v57 =	vld [tilespmem:$0x5A0]  }
0xd0: {  	v58 =	vld [tilespmem:$0x620]  }
0xd1: {  	v59 =	vld [tilespmem:$0x5B0]  }
0xd2: {  	v60 =	vld [tilespmem:$0x630]  }
0xd3: {  	v61 =	vld [tilespmem:$0x5C0]  }
0xd4: {  	v62 =	vld [tilespmem:$0x640]  }
0xd5: {  	v63 =	vld [tilespmem:$0x5D0]  }
0xd6: {  	v18 =	vld [tilespmem:$0x650]  }
0xd7: {  	v19 =	vld [tilespmem:$0x5E0]  }
0xd8: {  	v21 =	vld [tilespmem:$0x5F0];
	v3 =	vadd.f32 v54, v3  }
0xd9: {  	v22 =	vld [tilespmem:$0x670];
	v5 =	vadd.f32 v56, v55  }
0xda: {  	v20 =	vld [tilespmem:$0x660];
	v9 =	vadd.f32 v60, v59;
	v3 =	vadd.f32 v3, v2  }
0xdb: {  	v7 =	vadd.f32 v58, v57;
	v5 =	vadd.f32 v5, v2  }
0xdc: {  	v25 =	vadd.f32 v18, v63;
	v24 =	vadd.f32 v9, v2;
	[tilespmem:$0x680] =	vst v3  }
0xdd: {  	v23 =	vadd.f32 v62, v61;
	v3 =	vadd.f32 v7, v2;
	[tilespmem:$0x690] =	vst v5  }
0xde: {  	v6 =	vadd.f32 v22, v21;
	v26 =	vadd.f32 v25, v2;
	[tilespmem:$0x6B0] =	vst v24  }
0xdf: {  	v4 =	vadd.f32 v20, v19;
	[tilespmem:$0x6A0] =	vst v3;
	v3 =	vadd.f32 v23, v2  }
0xe0: {  	v27 =	vadd.f32 v6, v2;
	[tilespmem:$0x6D0] =	vst v26  }
0xe1: {  	[tilespmem:$0x6C0] =	vst v3;
	v3 =	vadd.f32 v4, v2  }
0xe2: {  	[tilespmem:$0x6F0] =	vst v27  }
0xe3: {  	[tilespmem:$0x6E0] =	vst v3  }
0xe4: {  	[hbm4b:s7+s2] =	stream.linear.scatter [tilespmem:s30], [sflag:$0x5], $0x80, $0x38;
	[tilespmem:$0xE80] =	vst v63  }
0xe5: {  	_ =	swait.ge [sflag:s21], $0x100  }
0xe6: {  	[sflag:s21] =	ssyncset.done $0x0  }
0xe7: {  	[sflag:s21] =	ssyncadd.s32 $0xFFFFFF00  }
0xe8: {  	v3 =	vld [tilespmem:$0x900]  }
0xe9: {  	v28 =	vld [tilespmem:$0x980]  }
0xea: {  	v29 =	vld [tilespmem:$0x910]  }
0xeb: {  	v30 =	vld [tilespmem:$0x990]  }
0xec: {  	v31 =	vld [tilespmem:$0x920]  }
0xed: {  	v32 =	vld [tilespmem:$0x9A0]  }
0xee: {  	v33 =	vld [tilespmem:$0x930]  }
0xef: {  	v34 =	vld [tilespmem:$0x9B0]  }
0xf0: {  	v35 =	vld [tilespmem:$0x940]  }
0xf1: {  	v36 =	vld [tilespmem:$0x9C0]  }
0xf2: {  	v37 =	vld [tilespmem:$0x950]  }
0xf3: {  	v38 =	vld [tilespmem:$0x9D0]  }
0xf4: {  	v39 =	vld [tilespmem:$0x960]  }
0xf5: {  	v41 =	vld [tilespmem:$0x970];
	v3 =	vadd.f32 v28, v3  }
0xf6: {  	v42 =	vld [tilespmem:$0x9F0];
	v5 =	vadd.f32 v30, v29  }
0xf7: {  	v40 =	vld [tilespmem:$0x9E0];
	v9 =	vadd.f32 v34, v33;
	v3 =	vadd.f32 v3, v2  }
0xf8: {  	v7 =	vadd.f32 v32, v31;
	v5 =	vadd.f32 v5, v2  }
0xf9: {  	v45 =	vadd.f32 v38, v37;
	v44 =	vadd.f32 v9, v2;
	[tilespmem:$0xA00] =	vst v3  }
0xfa: {  	v43 =	vadd.f32 v36, v35;
	v3 =	vadd.f32 v7, v2;
	[tilespmem:$0xA10] =	vst v5  }
0xfb: {  	v6 =	vadd.f32 v42, v41;
	v46 =	vadd.f32 v45, v2;
	[tilespmem:$0xA30] =	vst v44  }
0xfc: {  	v4 =	vadd.f32 v40, v39;
	[tilespmem:$0xA20] =	vst v3;
	v3 =	vadd.f32 v43, v2  }
0xfd: {  	v47 =	vadd.f32 v6, v2;
	[tilespmem:$0xA50] =	vst v46  }
0xfe: {  	[tilespmem:$0xA40] =	vst v3;
	v3 =	vadd.f32 v4, v2  }
0xff: {  	[tilespmem:$0xA70] =	vst v47  }
0x100: {  	[tilespmem:$0xA60] =	vst v3  }
0x101: {  	[hbm4b:s8+s2] =	stream.linear.scatter [tilespmem:s31], [sflag:$0x5], $0x80, $0x38;
	[tilespmem:$0xE80] =	vst v63  }
0x102: {  	_ =	swait.ge [sflag:s24], $0x100  }
0x103: {  	[sflag:s24] =	ssyncset.done $0x0  }
0x104: {  	[sflag:s24] =	ssyncadd.s32 $0xFFFFFF00  }
0x105: {  	v3 =	vld [tilespmem:$0xC80]  }
0x106: {  	v48 =	vld [tilespmem:$0xD00]  }
0x107: {  	v49 =	vld [tilespmem:$0xC90]  }
0x108: {  	v50 =	vld [tilespmem:$0xD10]  }
0x109: {  	v51 =	vld [tilespmem:$0xCA0]  }
0x10a: {  	v52 =	vld [tilespmem:$0xD20]  }
0x10b: {  	v53 =	vld [tilespmem:$0xCB0]  }
0x10c: {  	v54 =	vld [tilespmem:$0xD30]  }
0x10d: {  	v55 =	vld [tilespmem:$0xCC0]  }
0x10e: {  	v56 =	vld [tilespmem:$0xD40]  }
0x10f: {  	v57 =	vld [tilespmem:$0xCD0]  }
0x110: {  	v58 =	vld [tilespmem:$0xD50]  }
0x111: {  	v59 =	vld [tilespmem:$0xCE0]  }
0x112: {  	v60 =	vld [tilespmem:$0xD60];
	v3 =	vadd.f32 v48, v3  }
0x113: {  	v61 =	vld [tilespmem:$0xCF0];
	v5 =	vadd.f32 v50, v49  }
0x114: {  	v62 =	vld [tilespmem:$0xD70];
	v7 =	vadd.f32 v52, v51;
	v3 =	vadd.f32 v3, v2  }
0x115: {  	v9 =	vadd.f32 v54, v53;
	v5 =	vadd.f32 v5, v2  }
0x116: {  	v7 =	vadd.f32 v7, v2;
	[tilespmem:$0xD80] =	vst v3;
	v3 =	vadd.f32 v56, v55  }
0x117: {  	v63 =	vadd.f32 v58, v57;
	v9 =	vadd.f32 v9, v2;
	[tilespmem:$0xD90] =	vst v5  }
0x118: {  	v4 =	vadd.f32 v60, v59;
	[tilespmem:$0xDA0] =	vst v7;
	v3 =	vadd.f32 v3, v2  }
0x119: {  	v6 =	vadd.f32 v62, v61;
	[tilespmem:$0xDB0] =	vst v9;
	v5 =	vadd.f32 v63, v2  }
0x11a: {  	[tilespmem:$0xDC0] =	vst v3;
	v3 =	vadd.f32 v4, v2  }
0x11b: {  	[tilespmem:$0xDD0] =	vst v5;
	v2 =	vadd.f32 v6, v2  }
0x11c: {  	[tilespmem:$0xDE0] =	vst v3  }
0x11d: {  	[tilespmem:$0xDF0] =	vst v2  }
0x11e: {  	[hbm4b:s9+s2] =	stream.linear.scatter [tilespmem:s0], [sflag:$0x5], $0x80, $0x38;
	[tilespmem:$0xE80] =	vst v63  }
0x11f: {  	_ =	swait.ge [sflag:s28], $0x80  }
0x120: {  	[sflag:s28] =	ssyncset.done $0x0  }
0x121: {  	[sflag:s28] =	ssyncadd.s32 $0xFFFFFF80  }
0x122: {  	_ =	swait.ge [sflag:s28], $0x80  }
0x123: {  	[sflag:s28] =	ssyncset.done $0x0  }
0x124: {  	[sflag:s28] =	ssyncadd.s32 $0xFFFFFF80  }
0x125: {  	p0 =	sne.s32 s10, $0x1;
	_ =	swait.ge [sflag:s28], $0x80  }
.Ltmp0:
0x126: {  	[sflag:s28] =	ssyncset.done $0x0;
	(pc) =	sbr.rel @p0 .LBB2_1-.Ltmp0, $4  }
0x127: {  	[sflag:s28] =	ssyncadd.s32 $0xFFFFFF80  }
0x128: {  	_ =	swait.ge [sflag:s28], $0x80  }
0x129: {  	[sflag:s28] =	ssyncset.done $0x0  }
0x12a: {  	s10 =	sadd.s32 $0xFFFFFFFF, s10;
	[sflag:s28] =	ssyncadd.s32 $0xFFFFFF80  }
0x12b: {  	_ =	sfence.sel $0x180000  }
0x12c: {  	[bflag:$0x0] =	sbarrier.arrive $0xFFFF  }
0x12d: {  	_ =	strace $0x90000047  }
0x12e: {  	s0 =	stileid.u32;
	[bflag:$0x2] =	sbarrier.arrive $0xFFFF  }
0x12f: {  	p0 =	sne.s32 s0, $0x0;
	s0 =	rddreg [dreg:$0x2]  }
0x130: {  	s0 =	sadd.s32 @!p0 $0x100000, s0  }
0x131: {  	[sflag:s0] =	ssyncadd.tile.s32 @!p0 $0x1;
	_ =	shalt  }
.Lfunc_end2:
_tile_overlayer_lowered:
.L_overlay_start_2:
0x132: {  	(tag) =	ssettag $0x2  }
0x133: {  	s0 =	rddreg [dreg:$0x0];
	s2 =	stileid.u32  }
0x134: {  	s1 =	rddreg [dreg:$0x1];
	p0 =	sne.s32 s2, $0x0  }
0x135: {  	s3 =	rddreg [dreg:$0x2];
	[bflag:$0x3] =	sbarrier.arrive $0xFFFF;
	s2 =	simm.s32 @!p0 $0x1C06  }
0x136: {  	[timem:s3], [sflag:s2] =	dma.local @!p0 [hbm:s0], s1  }
0x137: {  	s0 =	simm.s32 @!p0 $0x6  }
0x138: {  	_ =	swait.ge @!p0 [sflag:s0], s1  }
0x139: {  	s1 =	ssub.s32 @!p0 $0x0, s1;
	[sflag:s0] =	ssyncset.done @!p0 $0x0  }
0x13a: {  	[sflag:s0] =	ssyncadd.s32 @!p0 s1  }
0x13b: {  	[bflag:$0x3] =	sbarrier.arrive $0xFFFF  }
0x13c: {  	_ =	shalt  }

</sc_bundles>
